<compile_context>
chip_gen: v7x
topology: tpu7x:2x2x1
jax: 0.10.2.dev20260603
libtpu: 0.0.44.dev20260713+nightly
codegen_flags: <defaults>
</compile_context>

<pallas_src>
import functools

import jax
import jax.numpy as jnp
from jax import lax
from jax.experimental import pallas as pl
from jax.experimental.pallas import tpu as pltpu
from jax.experimental.pallas import tpu_sc as plsc

N = 10000
E = 160000
C = 128
T = 4
NB = 512
NTAB = 10240
GRID = NTAB // NB
NROW_H = 10112
EPT_A = E // 32
EPT_AP = 5008
EPT_C = E // 16
EPT_CP = 10048
CW = 64
NCHT = EPT_CP // CW
ZPT = N // 16

_mesh = plsc.VectorSubcoreMesh(core_axis_name="c", subcore_axis_name="s")
_sc_params = pltpu.CompilerParams(use_tc_tiling_on_sc=False,
                                  needs_layout_passes=False)


@functools.partial(
    pl.kernel,
    out_type=jax.ShapeDtypeStruct((64, NROW_H), jnp.int32),
    mesh=_mesh,
    compiler_params=_sc_params,
    scratch_types=[
        pltpu.VMEM((EPT_AP,), jnp.int32),
        pltpu.VMEM((EPT_AP,), jnp.int32),
        pltpu.VMEM((NROW_H,), jnp.int32),
        pltpu.VMEM((NROW_H,), jnp.int32),
    ],
)
def _degree_kernel(eflat, hist, sbuf, dbuf, hsrc, hdst):
    c = lax.axis_index("c")
    s = lax.axis_index("s")
    w = c * 16 + s
    pltpu.sync_copy(eflat.at[pl.ds(w * EPT_A, EPT_A)],
                    sbuf.at[pl.ds(0, EPT_A)])
    pltpu.sync_copy(eflat.at[pl.ds(E + w * EPT_A, EPT_A)],
                    dbuf.at[pl.ds(0, EPT_A)])
    lanes = lax.broadcasted_iota(jnp.int32, (16,), 0)
    tmask = lanes < (16 - (EPT_AP - EPT_A))
    tail = pl.ds(EPT_AP - 16, 16)
    sbuf[tail] = jnp.where(tmask, sbuf[tail], N)
    dbuf[tail] = jnp.where(tmask, dbuf[tail], N)
    zero16 = jnp.zeros((16,), jnp.int32)

    def zfill(i, carry):
        hsrc[pl.ds(i * 16, 16)] = zero16
        hdst[pl.ds(i * 16, 16)] = zero16
        return carry

    lax.fori_loop(0, NROW_H // 16, zfill, 0)

    def body(i, carry):
        v = sbuf[pl.ds(i * 16, 16)]
        cnt, lm = plsc.scan_count(v)
        plsc.addupdate_scatter(hsrc, [v], cnt, mask=lm)
        u = dbuf[pl.ds(i * 16, 16)]
        cnt2, lm2 = plsc.scan_count(u)
        plsc.addupdate_scatter(hdst, [u], cnt2, mask=lm2)
        return carry

    lax.fori_loop(0, EPT_AP // 16, body, 0)
    pltpu.sync_copy(hsrc, hist.at[w])
    pltpu.sync_copy(hdst, hist.at[32 + w])


@functools.partial(
    pl.kernel,
    out_type=jax.ShapeDtypeStruct((4, N, C), jnp.float32),
    mesh=_mesh,
    compiler_params=_sc_params,
    scratch_types=[
        pltpu.VMEM((EPT_CP,), jnp.int32),
        pltpu.VMEM((EPT_CP,), jnp.int32),
        pltpu.VMEM((2, CW), jnp.int32),
        pltpu.VMEM((2, CW), jnp.int32),
        pltpu.VMEM((CW, C), jnp.float32),
        pltpu.VMEM((2, CW, C), jnp.float32),
        pltpu.SemaphoreType.DMA,
        pltpu.SemaphoreType.DMA,
        pltpu.VMEM_SHARED((N, C), jnp.float32),
    ],
)
def _agg_kernel(hflat, eflat, agg_out,
                se_v, de_v, adjr, dstr, zbuf, rows2, sem0, sem1, agg_sh):
    c = lax.axis_index("c")
    s = lax.axis_index("s")
    pltpu.sync_copy(eflat.at[pl.ds(s * EPT_C, EPT_C)],
                    se_v.at[pl.ds(0, EPT_C)])
    pltpu.sync_copy(eflat.at[pl.ds(E + s * EPT_C, EPT_C)],
                    de_v.at[pl.ds(0, EPT_C)])
    fullN = jnp.full((16,), N, jnp.int32)
    zero16i = jnp.zeros((16,), jnp.int32)
    for i in range(EPT_C, EPT_CP, 16):
        se_v[pl.ds(i, 16)] = fullN
        de_v[pl.ds(i, 16)] = zero16i
    zero16 = jnp.zeros((16,), jnp.float32)

    def zfill(r, carry):
        def zinner(k, carry2):
            zbuf[r, pl.ds(k * 16, 16)] = zero16
            return carry2
        return lax.fori_loop(0, C // 16, zinner, carry)

    lax.fori_loop(0, CW, zfill, 0)

    def build_adj(slot, j, off):
        for k in range(CW // 16):
            adjr[slot, pl.ds(k * 16, 16)] = (
                se_v[pl.ds(j * CW + k * 16, 16)] + off)

    def build_dst(slot, j):
        for k in range(CW // 16):
            dstr[slot, pl.ds(k * 16, 16)] = de_v[pl.ds(j * CW + k * 16, 16)]

    for u in range(2):
        toff = (2 * c + u) * NTAB
        for q in range(ZPT // CW + 1):
            nr = CW if q < ZPT // CW else ZPT % CW
            pltpu.sync_copy(zbuf.at[pl.ds(0, nr)],
                            agg_sh.at[pl.ds(s * ZPT + q * CW, nr)])
        plsc.subcore_barrier()

        build_adj(0, 0, toff)
        pltpu.async_copy(hflat.at[adjr.at[0]], rows2.at[0], sem0)

        def body(g, carry):
            j0 = 2 * g
            j1 = j0 + 1
            build_adj(1, j1, toff)
            pltpu.async_copy(hflat.at[adjr.at[1]], rows2.at[1], sem1)
            pltpu.make_async_copy(hflat.at[adjr.at[0]], rows2.at[0],
                                  sem0).wait()
            build_dst(0, j0)
            pltpu.sync_copy(rows2.at[0], agg_sh.at[dstr.at[0]], add=True)
            build_adj(0, j0 + 2, toff)
            pltpu.async_copy(hflat.at[adjr.at[0]], rows2.at[0], sem0)
            pltpu.make_async_copy(hflat.at[adjr.at[1]], rows2.at[1],
                                  sem1).wait()
            build_dst(1, j1)
            pltpu.sync_copy(rows2.at[1], agg_sh.at[dstr.at[1]], add=True)
            return carry

        lax.fori_loop(0, (NCHT - 1) // 2, body, 0)
        pltpu.make_async_copy(hflat.at[adjr.at[0]], rows2.at[0], sem0).wait()
        build_dst(0, NCHT - 1)
        pltpu.sync_copy(rows2.at[0], agg_sh.at[dstr.at[0]], add=True)
        plsc.subcore_barrier()
        for ci in range(2):
            @pl.when(c == ci)
            def _(ci=ci, u=u):
                rows = pl.ds(s * ZPT, ZPT)
                pltpu.sync_copy(agg_sh.at[rows], agg_out.at[2 * ci + u, rows])

        plsc.subcore_barrier()


def _pre_body(x_ref, hist_ref, w_ref, h_ref):
    i = pl.program_id(0)
    nids = lax.broadcasted_iota(jnp.int32, (NB, 1), 0) + i * NB
    valid = nids < N
    hs = hist_ref[...].astype(jnp.float32)
    deg_out = jnp.sum(hs[0:32], axis=0, keepdims=True)
    norm_row = jnp.where(deg_out > 0, lax.rsqrt(deg_out), 0.0)
    norm_src = jnp.transpose(norm_row)
    w = w_ref[...]
    for t in range(T):
        xt = x_ref[0, :, t, :]
        h = lax.dot_general(xt, w, (((0,), (0,)), ((), ())),
                            preferred_element_type=jnp.float32)
        h_ref[t] = jnp.where(valid, h * norm_src, 0.0)


def _post_body(hist_ref, a_ref, b_ref, o_ref):
    hs = hist_ref[...].astype(jnp.float32)
    deg_in = jnp.sum(hs[32:64], axis=0, keepdims=True)
    norm_row = jnp.where(deg_in > 0, lax.rsqrt(deg_in), 0.0)
    norm_dst = jnp.transpose(norm_row)
    r = lax.broadcasted_iota(jnp.int32, (C, C), 0)
    col = lax.broadcasted_iota(jnp.int32, (C, C), 1)
    eye = (r == col).astype(jnp.float32)
    bb = b_ref[...]
    for t in range(T):
        a = a_ref[t] * norm_dst
        z = lax.dot_general(eye, a, (((0,), (1,)), ((), ())),
                            preferred_element_type=jnp.float32)
        o_ref[0, :, t, :] = jnp.maximum(z + bb, 0.0)


def kernel(x, edge_index, W, b):
    f32 = jnp.float32
    eflat = edge_index.reshape(2 * E)

    hist = _degree_kernel(eflat)

    tab = pl.pallas_call(
        _pre_body,
        grid=(GRID,),
        in_specs=[
            pl.BlockSpec((1, C, T, NB), lambda i: (0, 0, 0, i)),
            pl.BlockSpec((64, NB), lambda i: (0, i)),
            pl.BlockSpec((C, C), lambda i: (0, 0)),
        ],
        out_specs=pl.BlockSpec((T, NB, C), lambda i: (0, i, 0)),
        out_shape=jax.ShapeDtypeStruct((T, NTAB, C), f32),
    )(x, hist, W)

    agg = _agg_kernel(tab.reshape(T * NTAB, C), eflat)

    out = pl.pallas_call(
        _post_body,
        grid=(GRID,),
        in_specs=[
            pl.BlockSpec((64, NB), lambda i: (0, i)),
            pl.BlockSpec((T, NB, C), lambda i: (0, i, 0)),
            pl.BlockSpec((C, 1), lambda i: (0, 0)),
        ],
        out_specs=pl.BlockSpec((1, C, T, NB), lambda i: (0, 0, 0, i)),
        out_shape=jax.ShapeDtypeStruct((1, C, T, N), f32),
    )(hist, agg, b.reshape(C, 1))
    return out

# --- scband reference (transcript-rebuilt; emitter-appended) ---
"""Pipeline reference for scband-spatio-conv-layer-43585328119843 (READ-ONLY COPY).

The authoritative reference and input builder live on the scoring server;
editing this copy changes nothing except your own understanding.
"""

import jax, jax.numpy as jnp
import numpy as np

N = 10000
E = 160000
B = 1
C = 128
T = 4


def setup_inputs(seed: int = 0):
    key = jax.random.key(seed)
    k1, k2, k3 = jax.random.split(key, 3)
    x = jax.random.normal(k1, (B, C, T, N), dtype=jnp.float32)
    edge_index = jax.random.randint(k2, (2, E), 0, N, dtype=jnp.int32)
    stdv = 1.0 / np.sqrt(C)
    W = jax.random.uniform(k3, (C, C), minval=-stdv, maxval=stdv, dtype=jnp.float32)
    b = jnp.zeros((C,), dtype=jnp.float32)
    return {"x": x, "edge_index": edge_index, "W": W, "b": b}


def reference(x, edge_index, W, b):
    # x: [B, C, T, N]; transpose(0,3) then transpose(1,3) -> [N, B, T, C]
    h = jnp.transpose(x, (3, 0, 2, 1))
    src = edge_index[0]
    dst = edge_index[1]
    n = x.shape[3]
    # DGL-style GraphConv with norm='both': D_out^{-1/2} aggregation D_in^{-1/2}
    deg_out = jnp.bincount(src, length=n).astype(jnp.float32)
    deg_in = jnp.bincount(dst, length=n).astype(jnp.float32)
    norm_src = jnp.where(deg_out > 0, 1.0 / jnp.sqrt(deg_out), 0.0)
    norm_dst = jnp.where(deg_in > 0, 1.0 / jnp.sqrt(deg_in), 0.0)
    h = h * norm_src[:, None, None, None]
    # in_feats == out_feats -> apply weight before aggregation
    h = jnp.einsum('nbtc,cd->nbtd', h, W)
    msg = jnp.take(h, src, axis=0)  # gather [E, B, T, C]
    agg = jax.ops.segment_sum(msg, dst, num_segments=n)  # scatter-add
    agg = agg * norm_dst[:, None, None, None] + b
    out = jax.nn.relu(agg)  # GraphConv activation=relu
    # transpose(1,3) then transpose(0,3): [N, B, T, C] -> [B, C, T, N]
    out = jnp.transpose(out, (1, 3, 2, 0))
    return jax.nn.relu(out)

if __name__ == "__main__":
    import jax
    _d = setup_inputs()
    print(jax.jit(kernel)(*tuple(_d.values())))

</pallas_src>

<mosaic_0001>
#map = affine_map<(d0, d1) -> (0, 0)>
#map1 = affine_map<(d0, d1) -> (0)>
#map2 = affine_map<(d0, d1) -> (0, 0, 0)>
module attributes {stable_mosaic.version = 14 : i64} {
  func.func @_agg_kernel(%arg0: i32, %arg1: i32, %arg2: memref<40960x128xf32, #tpu.memory_space<hbm>>, %arg3: memref<320000xi32, #tpu.memory_space<hbm>>, %arg4: memref<4x10000x128xf32, #tpu.memory_space<hbm>>, %arg5: memref<10048xi32, #tpu.memory_space<vmem>>, %arg6: memref<10048xi32, #tpu.memory_space<vmem>>, %arg7: memref<2x64xi32, #tpu.memory_space<vmem>>, %arg8: memref<2x64xi32, #tpu.memory_space<vmem>>, %arg9: memref<64x128xf32, #tpu.memory_space<vmem>>, %arg10: memref<2x64x128xf32, #tpu.memory_space<vmem>>, %arg11: memref<!tpu.dma_semaphore, #tpu.memory_space<semaphore_mem>>, %arg12: memref<!tpu.dma_semaphore, #tpu.memory_space<semaphore_mem>>, %arg13: memref<10000x128xf32, #tpu.memory_space<vmem_shared>>) attributes {dimension_semantics = [#tpu.dimension_semantics<core_parallel>, #tpu.dimension_semantics<subcore_parallel>], iteration_bounds = array<i64: 2, 16>, scalar_prefetch = 0 : i64, scratch_operands = 9 : i64, tpu.core_type = #tpu.core_type<sc_vector_subcore>, window_params = [{transform_indices = #map}, {transform_indices = #map1}, {transform_indices = #map2}]} {
    %mul3A = arith.constant 10000 : i32
    %mul3A_0 = arith.muli %arg1, %mul3A : i32
    "tpu.region"() ({
      %run_scoped3A_311 = tpu.sem_alloc : memref<!tpu.dma_semaphore, #tpu.memory_space<semaphore_mem>>
      %dma_start3A_312 = arith.constant 0 : i32
      %dma_start3A_313 = tpu.memref_slice %arg5[%dma_start3A_312] : memref<10048xi32, #tpu.memory_space<vmem>> -> memref<10000xi32, #tpu.memory_space<vmem>>
      %dma_start3A_314 = tpu.memref_slice %arg3[%mul3A_0] : memref<320000xi32, #tpu.memory_space<hbm>> -> memref<10000xi32, #tpu.memory_space<hbm>>
      %dma_start3A_315 = arith.constant 0 : i32
      %dma_start3A_316 = tpu.memref_slice %arg5[%dma_start3A_315] : memref<10048xi32, #tpu.memory_space<vmem>> -> memref<10000xi32, #tpu.memory_space<vmem>>
      %dma_start3A_317 = tpu.memref_slice %arg3[%mul3A_0] : memref<320000xi32, #tpu.memory_space<hbm>> -> memref<10000xi32, #tpu.memory_space<hbm>>
      tpu.enqueue_dma source(%dma_start3A_317 : memref<10000xi32, #tpu.memory_space<hbm>>) target(%dma_start3A_316 : memref<10000xi32, #tpu.memory_space<vmem>>) target_semaphore(%run_scoped3A_311 : memref<!tpu.dma_semaphore, #tpu.memory_space<semaphore_mem>>)
      %dma_wait3A_318 = arith.constant 0 : i32
      %dma_wait3A_319 = tpu.memref_slice %arg5[%dma_wait3A_318] : memref<10048xi32, #tpu.memory_space<vmem>> -> memref<10000xi32, #tpu.memory_space<vmem>>
      %dma_wait3A_320 = tpu.memref_slice %arg3[%mul3A_0] : memref<320000xi32, #tpu.memory_space<hbm>> -> memref<10000xi32, #tpu.memory_space<hbm>>
      %dma_wait3A_321 = arith.constant 0 : i32
      %dma_wait3A_322 = tpu.memref_slice %arg5[%dma_wait3A_321] : memref<10048xi32, #tpu.memory_space<vmem>> -> memref<10000xi32, #tpu.memory_space<vmem>>
      %dma_wait3A_323 = tpu.memref_slice %arg3[%mul3A_0] : memref<320000xi32, #tpu.memory_space<hbm>> -> memref<10000xi32, #tpu.memory_space<hbm>>
      tpu.wait_dma2 semaphore(%run_scoped3A_311 : memref<!tpu.dma_semaphore, #tpu.memory_space<semaphore_mem>>) src(%dma_wait3A_323 : memref<10000xi32, #tpu.memory_space<hbm>>) dst(%dma_wait3A_322 : memref<10000xi32, #tpu.memory_space<vmem>>)
      tpu.yield
    }) : () -> ()
    %mul3A_1 = arith.constant 10000 : i32
    %mul3A_2 = arith.muli %arg1, %mul3A_1 : i32
    %add3A = arith.constant 160000 : i32
    %add3A_3 = arith.addi %add3A, %mul3A_2 : i32
    "tpu.region"() ({
      %run_scoped3A_311 = tpu.sem_alloc : memref<!tpu.dma_semaphore, #tpu.memory_space<semaphore_mem>>
      %dma_start3A_312 = arith.constant 0 : i32
      %dma_start3A_313 = tpu.memref_slice %arg6[%dma_start3A_312] : memref<10048xi32, #tpu.memory_space<vmem>> -> memref<10000xi32, #tpu.memory_space<vmem>>
      %dma_start3A_314 = tpu.memref_slice %arg3[%add3A_3] : memref<320000xi32, #tpu.memory_space<hbm>> -> memref<10000xi32, #tpu.memory_space<hbm>>
      %dma_start3A_315 = arith.constant 0 : i32
      %dma_start3A_316 = tpu.memref_slice %arg6[%dma_start3A_315] : memref<10048xi32, #tpu.memory_space<vmem>> -> memref<10000xi32, #tpu.memory_space<vmem>>
      %dma_start3A_317 = tpu.memref_slice %arg3[%add3A_3] : memref<320000xi32, #tpu.memory_space<hbm>> -> memref<10000xi32, #tpu.memory_space<hbm>>
      tpu.enqueue_dma source(%dma_start3A_317 : memref<10000xi32, #tpu.memory_space<hbm>>) target(%dma_start3A_316 : memref<10000xi32, #tpu.memory_space<vmem>>) target_semaphore(%run_scoped3A_311 : memref<!tpu.dma_semaphore, #tpu.memory_space<semaphore_mem>>)
      %dma_wait3A_318 = arith.constant 0 : i32
      %dma_wait3A_319 = tpu.memref_slice %arg6[%dma_wait3A_318] : memref<10048xi32, #tpu.memory_space<vmem>> -> memref<10000xi32, #tpu.memory_space<vmem>>
      %dma_wait3A_320 = tpu.memref_slice %arg3[%add3A_3] : memref<320000xi32, #tpu.memory_space<hbm>> -> memref<10000xi32, #tpu.memory_space<hbm>>
      %dma_wait3A_321 = arith.constant 0 : i32
      %dma_wait3A_322 = tpu.memref_slice %arg6[%dma_wait3A_321] : memref<10048xi32, #tpu.memory_space<vmem>> -> memref<10000xi32, #tpu.memory_space<vmem>>
      %dma_wait3A_323 = tpu.memref_slice %arg3[%add3A_3] : memref<320000xi32, #tpu.memory_space<hbm>> -> memref<10000xi32, #tpu.memory_space<hbm>>
      tpu.wait_dma2 semaphore(%run_scoped3A_311 : memref<!tpu.dma_semaphore, #tpu.memory_space<semaphore_mem>>) src(%dma_wait3A_323 : memref<10000xi32, #tpu.memory_space<hbm>>) dst(%dma_wait3A_322 : memref<10000xi32, #tpu.memory_space<vmem>>)
      tpu.yield
    }) : () -> ()
    %broadcast_in_dim3A = arith.constant 10000 : i32
    %broadcast_in_dim3A_4 = vector.broadcast %broadcast_in_dim3A : i32 to vector<16xi32>
    %broadcast_in_dim3A_5 = arith.constant 0 : i32
    %broadcast_in_dim3A_6 = vector.broadcast %broadcast_in_dim3A_5 : i32 to vector<16xi32>
    %swap3A = arith.constant 10000 : index
    %swap3A_7 = tpu.vector_load %arg5[%swap3A] {strides = array<i32>} : memref<10048xi32, #tpu.memory_space<vmem>>, vector<16xi32>,
    tpu.vector_store %arg5[%swap3A], %broadcast_in_dim3A_4 {strides = array<i32>} : memref<10048xi32, #tpu.memory_space<vmem>>, vector<16xi32>,
    %swap3A_8 = arith.constant 10000 : index
    %swap3A_9 = tpu.vector_load %arg6[%swap3A_8] {strides = array<i32>} : memref<10048xi32, #tpu.memory_space<vmem>>, vector<16xi32>,
    tpu.vector_store %arg6[%swap3A_8], %broadcast_in_dim3A_6 {strides = array<i32>} : memref<10048xi32, #tpu.memory_space<vmem>>, vector<16xi32>,
    %swap3A_10 = arith.constant 10016 : index
    %swap3A_11 = tpu.vector_load %arg5[%swap3A_10] {strides = array<i32>} : memref<10048xi32, #tpu.memory_space<vmem>>, vector<16xi32>,
    tpu.vector_store %arg5[%swap3A_10], %broadcast_in_dim3A_4 {strides = array<i32>} : memref<10048xi32, #tpu.memory_space<vmem>>, vector<16xi32>,
    %swap3A_12 = arith.constant 10016 : index
    %swap3A_13 = tpu.vector_load %arg6[%swap3A_12] {strides = array<i32>} : memref<10048xi32, #tpu.memory_space<vmem>>, vector<16xi32>,
    tpu.vector_store %arg6[%swap3A_12], %broadcast_in_dim3A_6 {strides = array<i32>} : memref<10048xi32, #tpu.memory_space<vmem>>, vector<16xi32>,
    %swap3A_14 = arith.constant 10032 : index
    %swap3A_15 = tpu.vector_load %arg5[%swap3A_14] {strides = array<i32>} : memref<10048xi32, #tpu.memory_space<vmem>>, vector<16xi32>,
    tpu.vector_store %arg5[%swap3A_14], %broadcast_in_dim3A_4 {strides = array<i32>} : memref<10048xi32, #tpu.memory_space<vmem>>, vector<16xi32>,
    %swap3A_16 = arith.constant 10032 : index
    %swap3A_17 = tpu.vector_load %arg6[%swap3A_16] {strides = array<i32>} : memref<10048xi32, #tpu.memory_space<vmem>>, vector<16xi32>,
    tpu.vector_store %arg6[%swap3A_16], %broadcast_in_dim3A_6 {strides = array<i32>} : memref<10048xi32, #tpu.memory_space<vmem>>, vector<16xi32>,
    %broadcast_in_dim3A_18 = arith.constant 0.000000e+00 : f32
    %broadcast_in_dim3A_19 = vector.broadcast %broadcast_in_dim3A_18 : f32 to vector<16xf32>
    %scan3A = arith.constant 0 : i32
    %scan3A_20 = arith.constant 0 : i32
    %scan3A_21 = arith.constant 64 : i32
    %scan3A_22 = arith.addi %scan3A_20, %scan3A_21 : i32
    %scan3A_23 = arith.constant 1 : i32
    scf.for %scan3A_311 = %scan3A_20 to %scan3A_22 step %scan3A_23  : i32 {
      %scan3A_312 = arith.constant 0 : i32
      %scan3A_313 = arith.constant 8 : i32
      %scan3A_314 = arith.addi %scan3A_312, %scan3A_313 : i32
      %scan3A_315 = arith.constant 1 : i32
      scf.for %scan3A_317 = %scan3A_312 to %scan3A_314 step %scan3A_315  : i32 {
        %mul3A_318 = arith.constant 16 : i32
        %mul3A_319 = arith.muli %scan3A_317, %mul3A_318 : i32
        %swap3A_320 = arith.index_cast %scan3A_311 : i32 to index
        %swap3A_321 = arith.index_cast %mul3A_319 : i32 to index
        %swap3A_322 = tpu.vector_load %arg9[%swap3A_320, %swap3A_321] {strides = array<i32>} : memref<64x128xf32, #tpu.memory_space<vmem>>, vector<16xf32>,
        tpu.vector_store %arg9[%swap3A_320, %swap3A_321], %broadcast_in_dim3A_19 {strides = array<i32>} : memref<64x128xf32, #tpu.memory_space<vmem>>, vector<16xf32>,
      }
      %scan3A_316 = arith.constant 8 : i32
    }
    %scan3A_24 = arith.constant 64 : i32
    %mul3A_25 = arith.constant 2 : i32
    %mul3A_26 = arith.muli %mul3A_25, %arg0 : i32
    %add3A_27 = arith.constant 0 : i32
    %add3A_28 = arith.addi %mul3A_26, %add3A_27 : i32
    %mul3A_29 = arith.constant 10240 : i32
    %mul3A_30 = arith.muli %add3A_28, %mul3A_29 : i32
    %mul3A_31 = arith.constant 625 : i32
    %mul3A_32 = arith.muli %arg1, %mul3A_31 : i32
    %add3A_33 = arith.constant 0 : i32
    %add3A_34 = arith.addi %mul3A_32, %add3A_33 : i32
    "tpu.region"() ({
      %run_scoped3A_311 = tpu.sem_alloc : memref<!tpu.dma_semaphore, #tpu.memory_space<semaphore_mem>>
      %dma_start3A_312 = arith.constant 0 : i32
      %dma_start3A_313 = arith.constant 0 : i32
      %dma_start3A_314 = tpu.memref_slice %arg9[%dma_start3A_312, %dma_start3A_313] : memref<64x128xf32, #tpu.memory_space<vmem>> -> memref<64x128xf32, #tpu.memory_space<vmem>>
      %dma_start3A_315 = arith.constant 0 : i32
      %dma_start3A_316 = tpu.memref_slice %arg13[%add3A_34, %dma_start3A_315] : memref<10000x128xf32, #tpu.memory_space<vmem_shared>> -> memref<64x128xf32, #tpu.memory_space<vmem_shared>>
      %dma_start3A_317 = arith.constant 0 : i32
      %dma_start3A_318 = tpu.memref_slice %arg13[%add3A_34, %dma_start3A_317] : memref<10000x128xf32, #tpu.memory_space<vmem_shared>> -> memref<64x128xf32, #tpu.memory_space<vmem_shared>>
      %dma_start3A_319 = arith.constant 0 : i32
      %dma_start3A_320 = arith.constant 0 : i32
      %dma_start3A_321 = tpu.memref_slice %arg9[%dma_start3A_319, %dma_start3A_320] : memref<64x128xf32, #tpu.memory_space<vmem>> -> memref<64x128xf32, #tpu.memory_space<vmem>>
      tpu.enqueue_dma source(%dma_start3A_321 : memref<64x128xf32, #tpu.memory_space<vmem>>) target(%dma_start3A_318 : memref<64x128xf32, #tpu.memory_space<vmem_shared>>) target_semaphore(%run_scoped3A_311 : memref<!tpu.dma_semaphore, #tpu.memory_space<semaphore_mem>>)
      %dma_wait3A_322 = arith.constant 0 : i32
      %dma_wait3A_323 = arith.constant 0 : i32
      %dma_wait3A_324 = tpu.memref_slice %arg9[%dma_wait3A_322, %dma_wait3A_323] : memref<64x128xf32, #tpu.memory_space<vmem>> -> memref<64x128xf32, #tpu.memory_space<vmem>>
      %dma_wait3A_325 = arith.constant 0 : i32
      %dma_wait3A_326 = tpu.memref_slice %arg13[%add3A_34, %dma_wait3A_325] : memref<10000x128xf32, #tpu.memory_space<vmem_shared>> -> memref<64x128xf32, #tpu.memory_space<vmem_shared>>
      %dma_wait3A_327 = arith.constant 0 : i32
      %dma_wait3A_328 = tpu.memref_slice %arg13[%add3A_34, %dma_wait3A_327] : memref<10000x128xf32, #tpu.memory_space<vmem_shared>> -> memref<64x128xf32, #tpu.memory_space<vmem_shared>>
      %dma_wait3A_329 = arith.constant 0 : i32
      %dma_wait3A_330 = arith.constant 0 : i32
      %dma_wait3A_331 = tpu.memref_slice %arg9[%dma_wait3A_329, %dma_wait3A_330] : memref<64x128xf32, #tpu.memory_space<vmem>> -> memref<64x128xf32, #tpu.memory_space<vmem>>
      tpu.wait_dma2 semaphore(%run_scoped3A_311 : memref<!tpu.dma_semaphore, #tpu.memory_space<semaphore_mem>>) src(%dma_wait3A_331 : memref<64x128xf32, #tpu.memory_space<vmem>>) dst(%dma_wait3A_328 : memref<64x128xf32, #tpu.memory_space<vmem_shared>>)
      tpu.yield
    }) : () -> ()
    %mul3A_35 = arith.constant 625 : i32
    %mul3A_36 = arith.muli %arg1, %mul3A_35 : i32
    %add3A_37 = arith.constant 64 : i32
    %add3A_38 = arith.addi %mul3A_36, %add3A_37 : i32
    "tpu.region"() ({
      %run_scoped3A_311 = tpu.sem_alloc : memref<!tpu.dma_semaphore, #tpu.memory_space<semaphore_mem>>
      %dma_start3A_312 = arith.constant 0 : i32
      %dma_start3A_313 = arith.constant 0 : i32
      %dma_start3A_314 = tpu.memref_slice %arg9[%dma_start3A_312, %dma_start3A_313] : memref<64x128xf32, #tpu.memory_space<vmem>> -> memref<64x128xf32, #tpu.memory_space<vmem>>
      %dma_start3A_315 = arith.constant 0 : i32
      %dma_start3A_316 = tpu.memref_slice %arg13[%add3A_38, %dma_start3A_315] : memref<10000x128xf32, #tpu.memory_space<vmem_shared>> -> memref<64x128xf32, #tpu.memory_space<vmem_shared>>
      %dma_start3A_317 = arith.constant 0 : i32
      %dma_start3A_318 = tpu.memref_slice %arg13[%add3A_38, %dma_start3A_317] : memref<10000x128xf32, #tpu.memory_space<vmem_shared>> -> memref<64x128xf32, #tpu.memory_space<vmem_shared>>
      %dma_start3A_319 = arith.constant 0 : i32
      %dma_start3A_320 = arith.constant 0 : i32
      %dma_start3A_321 = tpu.memref_slice %arg9[%dma_start3A_319, %dma_start3A_320] : memref<64x128xf32, #tpu.memory_space<vmem>> -> memref<64x128xf32, #tpu.memory_space<vmem>>
      tpu.enqueue_dma source(%dma_start3A_321 : memref<64x128xf32, #tpu.memory_space<vmem>>) target(%dma_start3A_318 : memref<64x128xf32, #tpu.memory_space<vmem_shared>>) target_semaphore(%run_scoped3A_311 : memref<!tpu.dma_semaphore, #tpu.memory_space<semaphore_mem>>)
      %dma_wait3A_322 = arith.constant 0 : i32
      %dma_wait3A_323 = arith.constant 0 : i32
      %dma_wait3A_324 = tpu.memref_slice %arg9[%dma_wait3A_322, %dma_wait3A_323] : memref<64x128xf32, #tpu.memory_space<vmem>> -> memref<64x128xf32, #tpu.memory_space<vmem>>
      %dma_wait3A_325 = arith.constant 0 : i32
      %dma_wait3A_326 = tpu.memref_slice %arg13[%add3A_38, %dma_wait3A_325] : memref<10000x128xf32, #tpu.memory_space<vmem_shared>> -> memref<64x128xf32, #tpu.memory_space<vmem_shared>>
      %dma_wait3A_327 = arith.constant 0 : i32
      %dma_wait3A_328 = tpu.memref_slice %arg13[%add3A_38, %dma_wait3A_327] : memref<10000x128xf32, #tpu.memory_space<vmem_shared>> -> memref<64x128xf32, #tpu.memory_space<vmem_shared>>
      %dma_wait3A_329 = arith.constant 0 : i32
      %dma_wait3A_330 = arith.constant 0 : i32
      %dma_wait3A_331 = tpu.memref_slice %arg9[%dma_wait3A_329, %dma_wait3A_330] : memref<64x128xf32, #tpu.memory_space<vmem>> -> memref<64x128xf32, #tpu.memory_space<vmem>>
      tpu.wait_dma2 semaphore(%run_scoped3A_311 : memref<!tpu.dma_semaphore, #tpu.memory_space<semaphore_mem>>) src(%dma_wait3A_331 : memref<64x128xf32, #tpu.memory_space<vmem>>) dst(%dma_wait3A_328 : memref<64x128xf32, #tpu.memory_space<vmem_shared>>)
      tpu.yield
    }) : () -> ()
    %mul3A_39 = arith.constant 625 : i32
    %mul3A_40 = arith.muli %arg1, %mul3A_39 : i32
    %add3A_41 = arith.constant 128 : i32
    %add3A_42 = arith.addi %mul3A_40, %add3A_41 : i32
    "tpu.region"() ({
      %run_scoped3A_311 = tpu.sem_alloc : memref<!tpu.dma_semaphore, #tpu.memory_space<semaphore_mem>>
      %dma_start3A_312 = arith.constant 0 : i32
      %dma_start3A_313 = arith.constant 0 : i32
      %dma_start3A_314 = tpu.memref_slice %arg9[%dma_start3A_312, %dma_start3A_313] : memref<64x128xf32, #tpu.memory_space<vmem>> -> memref<64x128xf32, #tpu.memory_space<vmem>>
      %dma_start3A_315 = arith.constant 0 : i32
      %dma_start3A_316 = tpu.memref_slice %arg13[%add3A_42, %dma_start3A_315] : memref<10000x128xf32, #tpu.memory_space<vmem_shared>> -> memref<64x128xf32, #tpu.memory_space<vmem_shared>>
      %dma_start3A_317 = arith.constant 0 : i32
      %dma_start3A_318 = tpu.memref_slice %arg13[%add3A_42, %dma_start3A_317] : memref<10000x128xf32, #tpu.memory_space<vmem_shared>> -> memref<64x128xf32, #tpu.memory_space<vmem_shared>>
      %dma_start3A_319 = arith.constant 0 : i32
      %dma_start3A_320 = arith.constant 0 : i32
      %dma_start3A_321 = tpu.memref_slice %arg9[%dma_start3A_319, %dma_start3A_320] : memref<64x128xf32, #tpu.memory_space<vmem>> -> memref<64x128xf32, #tpu.memory_space<vmem>>
      tpu.enqueue_dma source(%dma_start3A_321 : memref<64x128xf32, #tpu.memory_space<vmem>>) target(%dma_start3A_318 : memref<64x128xf32, #tpu.memory_space<vmem_shared>>) target_semaphore(%run_scoped3A_311 : memref<!tpu.dma_semaphore, #tpu.memory_space<semaphore_mem>>)
      %dma_wait3A_322 = arith.constant 0 : i32
      %dma_wait3A_323 = arith.constant 0 : i32
      %dma_wait3A_324 = tpu.memref_slice %arg9[%dma_wait3A_322, %dma_wait3A_323] : memref<64x128xf32, #tpu.memory_space<vmem>> -> memref<64x128xf32, #tpu.memory_space<vmem>>
      %dma_wait3A_325 = arith.constant 0 : i32
      %dma_wait3A_326 = tpu.memref_slice %arg13[%add3A_42, %dma_wait3A_325] : memref<10000x128xf32, #tpu.memory_space<vmem_shared>> -> memref<64x128xf32, #tpu.memory_space<vmem_shared>>
      %dma_wait3A_327 = arith.constant 0 : i32
      %dma_wait3A_328 = tpu.memref_slice %arg13[%add3A_42, %dma_wait3A_327] : memref<10000x128xf32, #tpu.memory_space<vmem_shared>> -> memref<64x128xf32, #tpu.memory_space<vmem_shared>>
      %dma_wait3A_329 = arith.constant 0 : i32
      %dma_wait3A_330 = arith.constant 0 : i32
      %dma_wait3A_331 = tpu.memref_slice %arg9[%dma_wait3A_329, %dma_wait3A_330] : memref<64x128xf32, #tpu.memory_space<vmem>> -> memref<64x128xf32, #tpu.memory_space<vmem>>
      tpu.wait_dma2 semaphore(%run_scoped3A_311 : memref<!tpu.dma_semaphore, #tpu.memory_space<semaphore_mem>>) src(%dma_wait3A_331 : memref<64x128xf32, #tpu.memory_space<vmem>>) dst(%dma_wait3A_328 : memref<64x128xf32, #tpu.memory_space<vmem_shared>>)
      tpu.yield
    }) : () -> ()
    %mul3A_43 = arith.constant 625 : i32
    %mul3A_44 = arith.muli %arg1, %mul3A_43 : i32
    %add3A_45 = arith.constant 192 : i32
    %add3A_46 = arith.addi %mul3A_44, %add3A_45 : i32
    "tpu.region"() ({
      %run_scoped3A_311 = tpu.sem_alloc : memref<!tpu.dma_semaphore, #tpu.memory_space<semaphore_mem>>
      %dma_start3A_312 = arith.constant 0 : i32
      %dma_start3A_313 = arith.constant 0 : i32
      %dma_start3A_314 = tpu.memref_slice %arg9[%dma_start3A_312, %dma_start3A_313] : memref<64x128xf32, #tpu.memory_space<vmem>> -> memref<64x128xf32, #tpu.memory_space<vmem>>
      %dma_start3A_315 = arith.constant 0 : i32
      %dma_start3A_316 = tpu.memref_slice %arg13[%add3A_46, %dma_start3A_315] : memref<10000x128xf32, #tpu.memory_space<vmem_shared>> -> memref<64x128xf32, #tpu.memory_space<vmem_shared>>
      %dma_start3A_317 = arith.constant 0 : i32
      %dma_start3A_318 = tpu.memref_slice %arg13[%add3A_46, %dma_start3A_317] : memref<10000x128xf32, #tpu.memory_space<vmem_shared>> -> memref<64x128xf32, #tpu.memory_space<vmem_shared>>
      %dma_start3A_319 = arith.constant 0 : i32
      %dma_start3A_320 = arith.constant 0 : i32
      %dma_start3A_321 = tpu.memref_slice %arg9[%dma_start3A_319, %dma_start3A_320] : memref<64x128xf32, #tpu.memory_space<vmem>> -> memref<64x128xf32, #tpu.memory_space<vmem>>
      tpu.enqueue_dma source(%dma_start3A_321 : memref<64x128xf32, #tpu.memory_space<vmem>>) target(%dma_start3A_318 : memref<64x128xf32, #tpu.memory_space<vmem_shared>>) target_semaphore(%run_scoped3A_311 : memref<!tpu.dma_semaphore, #tpu.memory_space<semaphore_mem>>)
      %dma_wait3A_322 = arith.constant 0 : i32
      %dma_wait3A_323 = arith.constant 0 : i32
      %dma_wait3A_324 = tpu.memref_slice %arg9[%dma_wait3A_322, %dma_wait3A_323] : memref<64x128xf32, #tpu.memory_space<vmem>> -> memref<64x128xf32, #tpu.memory_space<vmem>>
      %dma_wait3A_325 = arith.constant 0 : i32
      %dma_wait3A_326 = tpu.memref_slice %arg13[%add3A_46, %dma_wait3A_325] : memref<10000x128xf32, #tpu.memory_space<vmem_shared>> -> memref<64x128xf32, #tpu.memory_space<vmem_shared>>
      %dma_wait3A_327 = arith.constant 0 : i32
      %dma_wait3A_328 = tpu.memref_slice %arg13[%add3A_46, %dma_wait3A_327] : memref<10000x128xf32, #tpu.memory_space<vmem_shared>> -> memref<64x128xf32, #tpu.memory_space<vmem_shared>>
      %dma_wait3A_329 = arith.constant 0 : i32
      %dma_wait3A_330 = arith.constant 0 : i32
      %dma_wait3A_331 = tpu.memref_slice %arg9[%dma_wait3A_329, %dma_wait3A_330] : memref<64x128xf32, #tpu.memory_space<vmem>> -> memref<64x128xf32, #tpu.memory_space<vmem>>
      tpu.wait_dma2 semaphore(%run_scoped3A_311 : memref<!tpu.dma_semaphore, #tpu.memory_space<semaphore_mem>>) src(%dma_wait3A_331 : memref<64x128xf32, #tpu.memory_space<vmem>>) dst(%dma_wait3A_328 : memref<64x128xf32, #tpu.memory_space<vmem_shared>>)
      tpu.yield
    }) : () -> ()
    %mul3A_47 = arith.constant 625 : i32
    %mul3A_48 = arith.muli %arg1, %mul3A_47 : i32
    %add3A_49 = arith.constant 256 : i32
    %add3A_50 = arith.addi %mul3A_48, %add3A_49 : i32
    "tpu.region"() ({
      %run_scoped3A_311 = tpu.sem_alloc : memref<!tpu.dma_semaphore, #tpu.memory_space<semaphore_mem>>
      %dma_start3A_312 = arith.constant 0 : i32
      %dma_start3A_313 = arith.constant 0 : i32
      %dma_start3A_314 = tpu.memref_slice %arg9[%dma_start3A_312, %dma_start3A_313] : memref<64x128xf32, #tpu.memory_space<vmem>> -> memref<64x128xf32, #tpu.memory_space<vmem>>
      %dma_start3A_315 = arith.constant 0 : i32
      %dma_start3A_316 = tpu.memref_slice %arg13[%add3A_50, %dma_start3A_315] : memref<10000x128xf32, #tpu.memory_space<vmem_shared>> -> memref<64x128xf32, #tpu.memory_space<vmem_shared>>
      %dma_start3A_317 = arith.constant 0 : i32
      %dma_start3A_318 = tpu.memref_slice %arg13[%add3A_50, %dma_start3A_317] : memref<10000x128xf32, #tpu.memory_space<vmem_shared>> -> memref<64x128xf32, #tpu.memory_space<vmem_shared>>
      %dma_start3A_319 = arith.constant 0 : i32
      %dma_start3A_320 = arith.constant 0 : i32
      %dma_start3A_321 = tpu.memref_slice %arg9[%dma_start3A_319, %dma_start3A_320] : memref<64x128xf32, #tpu.memory_space<vmem>> -> memref<64x128xf32, #tpu.memory_space<vmem>>
      tpu.enqueue_dma source(%dma_start3A_321 : memref<64x128xf32, #tpu.memory_space<vmem>>) target(%dma_start3A_318 : memref<64x128xf32, #tpu.memory_space<vmem_shared>>) target_semaphore(%run_scoped3A_311 : memref<!tpu.dma_semaphore, #tpu.memory_space<semaphore_mem>>)
      %dma_wait3A_322 = arith.constant 0 : i32
      %dma_wait3A_323 = arith.constant 0 : i32
      %dma_wait3A_324 = tpu.memref_slice %arg9[%dma_wait3A_322, %dma_wait3A_323] : memref<64x128xf32, #tpu.memory_space<vmem>> -> memref<64x128xf32, #tpu.memory_space<vmem>>
      %dma_wait3A_325 = arith.constant 0 : i32
      %dma_wait3A_326 = tpu.memref_slice %arg13[%add3A_50, %dma_wait3A_325] : memref<10000x128xf32, #tpu.memory_space<vmem_shared>> -> memref<64x128xf32, #tpu.memory_space<vmem_shared>>
      %dma_wait3A_327 = arith.constant 0 : i32
      %dma_wait3A_328 = tpu.memref_slice %arg13[%add3A_50, %dma_wait3A_327] : memref<10000x128xf32, #tpu.memory_space<vmem_shared>> -> memref<64x128xf32, #tpu.memory_space<vmem_shared>>
      %dma_wait3A_329 = arith.constant 0 : i32
      %dma_wait3A_330 = arith.constant 0 : i32
      %dma_wait3A_331 = tpu.memref_slice %arg9[%dma_wait3A_329, %dma_wait3A_330] : memref<64x128xf32, #tpu.memory_space<vmem>> -> memref<64x128xf32, #tpu.memory_space<vmem>>
      tpu.wait_dma2 semaphore(%run_scoped3A_311 : memref<!tpu.dma_semaphore, #tpu.memory_space<semaphore_mem>>) src(%dma_wait3A_331 : memref<64x128xf32, #tpu.memory_space<vmem>>) dst(%dma_wait3A_328 : memref<64x128xf32, #tpu.memory_space<vmem_shared>>)
      tpu.yield
    }) : () -> ()
    %mul3A_51 = arith.constant 625 : i32
    %mul3A_52 = arith.muli %arg1, %mul3A_51 : i32
    %add3A_53 = arith.constant 320 : i32
    %add3A_54 = arith.addi %mul3A_52, %add3A_53 : i32
    "tpu.region"() ({
      %run_scoped3A_311 = tpu.sem_alloc : memref<!tpu.dma_semaphore, #tpu.memory_space<semaphore_mem>>
      %dma_start3A_312 = arith.constant 0 : i32
      %dma_start3A_313 = arith.constant 0 : i32
      %dma_start3A_314 = tpu.memref_slice %arg9[%dma_start3A_312, %dma_start3A_313] : memref<64x128xf32, #tpu.memory_space<vmem>> -> memref<64x128xf32, #tpu.memory_space<vmem>>
      %dma_start3A_315 = arith.constant 0 : i32
      %dma_start3A_316 = tpu.memref_slice %arg13[%add3A_54, %dma_start3A_315] : memref<10000x128xf32, #tpu.memory_space<vmem_shared>> -> memref<64x128xf32, #tpu.memory_space<vmem_shared>>
      %dma_start3A_317 = arith.constant 0 : i32
      %dma_start3A_318 = tpu.memref_slice %arg13[%add3A_54, %dma_start3A_317] : memref<10000x128xf32, #tpu.memory_space<vmem_shared>> -> memref<64x128xf32, #tpu.memory_space<vmem_shared>>
      %dma_start3A_319 = arith.constant 0 : i32
      %dma_start3A_320 = arith.constant 0 : i32
      %dma_start3A_321 = tpu.memref_slice %arg9[%dma_start3A_319, %dma_start3A_320] : memref<64x128xf32, #tpu.memory_space<vmem>> -> memref<64x128xf32, #tpu.memory_space<vmem>>
      tpu.enqueue_dma source(%dma_start3A_321 : memref<64x128xf32, #tpu.memory_space<vmem>>) target(%dma_start3A_318 : memref<64x128xf32, #tpu.memory_space<vmem_shared>>) target_semaphore(%run_scoped3A_311 : memref<!tpu.dma_semaphore, #tpu.memory_space<semaphore_mem>>)
      %dma_wait3A_322 = arith.constant 0 : i32
      %dma_wait3A_323 = arith.constant 0 : i32
      %dma_wait3A_324 = tpu.memref_slice %arg9[%dma_wait3A_322, %dma_wait3A_323] : memref<64x128xf32, #tpu.memory_space<vmem>> -> memref<64x128xf32, #tpu.memory_space<vmem>>
      %dma_wait3A_325 = arith.constant 0 : i32
      %dma_wait3A_326 = tpu.memref_slice %arg13[%add3A_54, %dma_wait3A_325] : memref<10000x128xf32, #tpu.memory_space<vmem_shared>> -> memref<64x128xf32, #tpu.memory_space<vmem_shared>>
      %dma_wait3A_327 = arith.constant 0 : i32
      %dma_wait3A_328 = tpu.memref_slice %arg13[%add3A_54, %dma_wait3A_327] : memref<10000x128xf32, #tpu.memory_space<vmem_shared>> -> memref<64x128xf32, #tpu.memory_space<vmem_shared>>
      %dma_wait3A_329 = arith.constant 0 : i32
      %dma_wait3A_330 = arith.constant 0 : i32
      %dma_wait3A_331 = tpu.memref_slice %arg9[%dma_wait3A_329, %dma_wait3A_330] : memref<64x128xf32, #tpu.memory_space<vmem>> -> memref<64x128xf32, #tpu.memory_space<vmem>>
      tpu.wait_dma2 semaphore(%run_scoped3A_311 : memref<!tpu.dma_semaphore, #tpu.memory_space<semaphore_mem>>) src(%dma_wait3A_331 : memref<64x128xf32, #tpu.memory_space<vmem>>) dst(%dma_wait3A_328 : memref<64x128xf32, #tpu.memory_space<vmem_shared>>)
      tpu.yield
    }) : () -> ()
    %mul3A_55 = arith.constant 625 : i32
    %mul3A_56 = arith.muli %arg1, %mul3A_55 : i32
    %add3A_57 = arith.constant 384 : i32
    %add3A_58 = arith.addi %mul3A_56, %add3A_57 : i32
    "tpu.region"() ({
      %run_scoped3A_311 = tpu.sem_alloc : memref<!tpu.dma_semaphore, #tpu.memory_space<semaphore_mem>>
      %dma_start3A_312 = arith.constant 0 : i32
      %dma_start3A_313 = arith.constant 0 : i32
      %dma_start3A_314 = tpu.memref_slice %arg9[%dma_start3A_312, %dma_start3A_313] : memref<64x128xf32, #tpu.memory_space<vmem>> -> memref<64x128xf32, #tpu.memory_space<vmem>>
      %dma_start3A_315 = arith.constant 0 : i32
      %dma_start3A_316 = tpu.memref_slice %arg13[%add3A_58, %dma_start3A_315] : memref<10000x128xf32, #tpu.memory_space<vmem_shared>> -> memref<64x128xf32, #tpu.memory_space<vmem_shared>>
      %dma_start3A_317 = arith.constant 0 : i32
      %dma_start3A_318 = tpu.memref_slice %arg13[%add3A_58, %dma_start3A_317] : memref<10000x128xf32, #tpu.memory_space<vmem_shared>> -> memref<64x128xf32, #tpu.memory_space<vmem_shared>>
      %dma_start3A_319 = arith.constant 0 : i32
      %dma_start3A_320 = arith.constant 0 : i32
      %dma_start3A_321 = tpu.memref_slice %arg9[%dma_start3A_319, %dma_start3A_320] : memref<64x128xf32, #tpu.memory_space<vmem>> -> memref<64x128xf32, #tpu.memory_space<vmem>>
      tpu.enqueue_dma source(%dma_start3A_321 : memref<64x128xf32, #tpu.memory_space<vmem>>) target(%dma_start3A_318 : memref<64x128xf32, #tpu.memory_space<vmem_shared>>) target_semaphore(%run_scoped3A_311 : memref<!tpu.dma_semaphore, #tpu.memory_space<semaphore_mem>>)
      %dma_wait3A_322 = arith.constant 0 : i32
      %dma_wait3A_323 = arith.constant 0 : i32
      %dma_wait3A_324 = tpu.memref_slice %arg9[%dma_wait3A_322, %dma_wait3A_323] : memref<64x128xf32, #tpu.memory_space<vmem>> -> memref<64x128xf32, #tpu.memory_space<vmem>>
      %dma_wait3A_325 = arith.constant 0 : i32
      %dma_wait3A_326 = tpu.memref_slice %arg13[%add3A_58, %dma_wait3A_325] : memref<10000x128xf32, #tpu.memory_space<vmem_shared>> -> memref<64x128xf32, #tpu.memory_space<vmem_shared>>
      %dma_wait3A_327 = arith.constant 0 : i32
      %dma_wait3A_328 = tpu.memref_slice %arg13[%add3A_58, %dma_wait3A_327] : memref<10000x128xf32, #tpu.memory_space<vmem_shared>> -> memref<64x128xf32, #tpu.memory_space<vmem_shared>>
      %dma_wait3A_329 = arith.constant 0 : i32
      %dma_wait3A_330 = arith.constant 0 : i32
      %dma_wait3A_331 = tpu.memref_slice %arg9[%dma_wait3A_329, %dma_wait3A_330] : memref<64x128xf32, #tpu.memory_space<vmem>> -> memref<64x128xf32, #tpu.memory_space<vmem>>
      tpu.wait_dma2 semaphore(%run_scoped3A_311 : memref<!tpu.dma_semaphore, #tpu.memory_space<semaphore_mem>>) src(%dma_wait3A_331 : memref<64x128xf32, #tpu.memory_space<vmem>>) dst(%dma_wait3A_328 : memref<64x128xf32, #tpu.memory_space<vmem_shared>>)
      tpu.yield
    }) : () -> ()
    %mul3A_59 = arith.constant 625 : i32
    %mul3A_60 = arith.muli %arg1, %mul3A_59 : i32
    %add3A_61 = arith.constant 448 : i32
    %add3A_62 = arith.addi %mul3A_60, %add3A_61 : i32
    "tpu.region"() ({
      %run_scoped3A_311 = tpu.sem_alloc : memref<!tpu.dma_semaphore, #tpu.memory_space<semaphore_mem>>
      %dma_start3A_312 = arith.constant 0 : i32
      %dma_start3A_313 = arith.constant 0 : i32
      %dma_start3A_314 = tpu.memref_slice %arg9[%dma_start3A_312, %dma_start3A_313] : memref<64x128xf32, #tpu.memory_space<vmem>> -> memref<64x128xf32, #tpu.memory_space<vmem>>
      %dma_start3A_315 = arith.constant 0 : i32
      %dma_start3A_316 = tpu.memref_slice %arg13[%add3A_62, %dma_start3A_315] : memref<10000x128xf32, #tpu.memory_space<vmem_shared>> -> memref<64x128xf32, #tpu.memory_space<vmem_shared>>
      %dma_start3A_317 = arith.constant 0 : i32
      %dma_start3A_318 = tpu.memref_slice %arg13[%add3A_62, %dma_start3A_317] : memref<10000x128xf32, #tpu.memory_space<vmem_shared>> -> memref<64x128xf32, #tpu.memory_space<vmem_shared>>
      %dma_start3A_319 = arith.constant 0 : i32
      %dma_start3A_320 = arith.constant 0 : i32
      %dma_start3A_321 = tpu.memref_slice %arg9[%dma_start3A_319, %dma_start3A_320] : memref<64x128xf32, #tpu.memory_space<vmem>> -> memref<64x128xf32, #tpu.memory_space<vmem>>
      tpu.enqueue_dma source(%dma_start3A_321 : memref<64x128xf32, #tpu.memory_space<vmem>>) target(%dma_start3A_318 : memref<64x128xf32, #tpu.memory_space<vmem_shared>>) target_semaphore(%run_scoped3A_311 : memref<!tpu.dma_semaphore, #tpu.memory_space<semaphore_mem>>)
      %dma_wait3A_322 = arith.constant 0 : i32
      %dma_wait3A_323 = arith.constant 0 : i32
      %dma_wait3A_324 = tpu.memref_slice %arg9[%dma_wait3A_322, %dma_wait3A_323] : memref<64x128xf32, #tpu.memory_space<vmem>> -> memref<64x128xf32, #tpu.memory_space<vmem>>
      %dma_wait3A_325 = arith.constant 0 : i32
      %dma_wait3A_326 = tpu.memref_slice %arg13[%add3A_62, %dma_wait3A_325] : memref<10000x128xf32, #tpu.memory_space<vmem_shared>> -> memref<64x128xf32, #tpu.memory_space<vmem_shared>>
      %dma_wait3A_327 = arith.constant 0 : i32
      %dma_wait3A_328 = tpu.memref_slice %arg13[%add3A_62, %dma_wait3A_327] : memref<10000x128xf32, #tpu.memory_space<vmem_shared>> -> memref<64x128xf32, #tpu.memory_space<vmem_shared>>
      %dma_wait3A_329 = arith.constant 0 : i32
      %dma_wait3A_330 = arith.constant 0 : i32
      %dma_wait3A_331 = tpu.memref_slice %arg9[%dma_wait3A_329, %dma_wait3A_330] : memref<64x128xf32, #tpu.memory_space<vmem>> -> memref<64x128xf32, #tpu.memory_space<vmem>>
      tpu.wait_dma2 semaphore(%run_scoped3A_311 : memref<!tpu.dma_semaphore, #tpu.memory_space<semaphore_mem>>) src(%dma_wait3A_331 : memref<64x128xf32, #tpu.memory_space<vmem>>) dst(%dma_wait3A_328 : memref<64x128xf32, #tpu.memory_space<vmem_shared>>)
      tpu.yield
    }) : () -> ()
    %mul3A_63 = arith.constant 625 : i32
    %mul3A_64 = arith.muli %arg1, %mul3A_63 : i32
    %add3A_65 = arith.constant 512 : i32
    %add3A_66 = arith.addi %mul3A_64, %add3A_65 : i32
    "tpu.region"() ({
      %run_scoped3A_311 = tpu.sem_alloc : memref<!tpu.dma_semaphore, #tpu.memory_space<semaphore_mem>>
      %dma_start3A_312 = arith.constant 0 : i32
      %dma_start3A_313 = arith.constant 0 : i32
      %dma_start3A_314 = tpu.memref_slice %arg9[%dma_start3A_312, %dma_start3A_313] : memref<64x128xf32, #tpu.memory_space<vmem>> -> memref<64x128xf32, #tpu.memory_space<vmem>>
      %dma_start3A_315 = arith.constant 0 : i32
      %dma_start3A_316 = tpu.memref_slice %arg13[%add3A_66, %dma_start3A_315] : memref<10000x128xf32, #tpu.memory_space<vmem_shared>> -> memref<64x128xf32, #tpu.memory_space<vmem_shared>>
      %dma_start3A_317 = arith.constant 0 : i32
      %dma_start3A_318 = tpu.memref_slice %arg13[%add3A_66, %dma_start3A_317] : memref<10000x128xf32, #tpu.memory_space<vmem_shared>> -> memref<64x128xf32, #tpu.memory_space<vmem_shared>>
      %dma_start3A_319 = arith.constant 0 : i32
      %dma_start3A_320 = arith.constant 0 : i32
      %dma_start3A_321 = tpu.memref_slice %arg9[%dma_start3A_319, %dma_start3A_320] : memref<64x128xf32, #tpu.memory_space<vmem>> -> memref<64x128xf32, #tpu.memory_space<vmem>>
      tpu.enqueue_dma source(%dma_start3A_321 : memref<64x128xf32, #tpu.memory_space<vmem>>) target(%dma_start3A_318 : memref<64x128xf32, #tpu.memory_space<vmem_shared>>) target_semaphore(%run_scoped3A_311 : memref<!tpu.dma_semaphore, #tpu.memory_space<semaphore_mem>>)
      %dma_wait3A_322 = arith.constant 0 : i32
      %dma_wait3A_323 = arith.constant 0 : i32
      %dma_wait3A_324 = tpu.memref_slice %arg9[%dma_wait3A_322, %dma_wait3A_323] : memref<64x128xf32, #tpu.memory_space<vmem>> -> memref<64x128xf32, #tpu.memory_space<vmem>>
      %dma_wait3A_325 = arith.constant 0 : i32
      %dma_wait3A_326 = tpu.memref_slice %arg13[%add3A_66, %dma_wait3A_325] : memref<10000x128xf32, #tpu.memory_space<vmem_shared>> -> memref<64x128xf32, #tpu.memory_space<vmem_shared>>
      %dma_wait3A_327 = arith.constant 0 : i32
      %dma_wait3A_328 = tpu.memref_slice %arg13[%add3A_66, %dma_wait3A_327] : memref<10000x128xf32, #tpu.memory_space<vmem_shared>> -> memref<64x128xf32, #tpu.memory_space<vmem_shared>>
      %dma_wait3A_329 = arith.constant 0 : i32
      %dma_wait3A_330 = arith.constant 0 : i32
      %dma_wait3A_331 = tpu.memref_slice %arg9[%dma_wait3A_329, %dma_wait3A_330] : memref<64x128xf32, #tpu.memory_space<vmem>> -> memref<64x128xf32, #tpu.memory_space<vmem>>
      tpu.wait_dma2 semaphore(%run_scoped3A_311 : memref<!tpu.dma_semaphore, #tpu.memory_space<semaphore_mem>>) src(%dma_wait3A_331 : memref<64x128xf32, #tpu.memory_space<vmem>>) dst(%dma_wait3A_328 : memref<64x128xf32, #tpu.memory_space<vmem_shared>>)
      tpu.yield
    }) : () -> ()
    %mul3A_67 = arith.constant 625 : i32
    %mul3A_68 = arith.muli %arg1, %mul3A_67 : i32
    %add3A_69 = arith.constant 576 : i32
    %add3A_70 = arith.addi %mul3A_68, %add3A_69 : i32
    "tpu.region"() ({
      %run_scoped3A_311 = tpu.sem_alloc : memref<!tpu.dma_semaphore, #tpu.memory_space<semaphore_mem>>
      %dma_start3A_312 = arith.constant 0 : i32
      %dma_start3A_313 = arith.constant 0 : i32
      %dma_start3A_314 = tpu.memref_slice %arg9[%dma_start3A_312, %dma_start3A_313] : memref<64x128xf32, #tpu.memory_space<vmem>> -> memref<49x128xf32, #tpu.memory_space<vmem>>
      %dma_start3A_315 = arith.constant 0 : i32
      %dma_start3A_316 = tpu.memref_slice %arg13[%add3A_70, %dma_start3A_315] : memref<10000x128xf32, #tpu.memory_space<vmem_shared>> -> memref<49x128xf32, #tpu.memory_space<vmem_shared>>
      %dma_start3A_317 = arith.constant 0 : i32
      %dma_start3A_318 = tpu.memref_slice %arg13[%add3A_70, %dma_start3A_317] : memref<10000x128xf32, #tpu.memory_space<vmem_shared>> -> memref<49x128xf32, #tpu.memory_space<vmem_shared>>
      %dma_start3A_319 = arith.constant 0 : i32
      %dma_start3A_320 = arith.constant 0 : i32
      %dma_start3A_321 = tpu.memref_slice %arg9[%dma_start3A_319, %dma_start3A_320] : memref<64x128xf32, #tpu.memory_space<vmem>> -> memref<49x128xf32, #tpu.memory_space<vmem>>
      tpu.enqueue_dma source(%dma_start3A_321 : memref<49x128xf32, #tpu.memory_space<vmem>>) target(%dma_start3A_318 : memref<49x128xf32, #tpu.memory_space<vmem_shared>>) target_semaphore(%run_scoped3A_311 : memref<!tpu.dma_semaphore, #tpu.memory_space<semaphore_mem>>)
      %dma_wait3A_322 = arith.constant 0 : i32
      %dma_wait3A_323 = arith.constant 0 : i32
      %dma_wait3A_324 = tpu.memref_slice %arg9[%dma_wait3A_322, %dma_wait3A_323] : memref<64x128xf32, #tpu.memory_space<vmem>> -> memref<49x128xf32, #tpu.memory_space<vmem>>
      %dma_wait3A_325 = arith.constant 0 : i32
      %dma_wait3A_326 = tpu.memref_slice %arg13[%add3A_70, %dma_wait3A_325] : memref<10000x128xf32, #tpu.memory_space<vmem_shared>> -> memref<49x128xf32, #tpu.memory_space<vmem_shared>>
      %dma_wait3A_327 = arith.constant 0 : i32
      %dma_wait3A_328 = tpu.memref_slice %arg13[%add3A_70, %dma_wait3A_327] : memref<10000x128xf32, #tpu.memory_space<vmem_shared>> -> memref<49x128xf32, #tpu.memory_space<vmem_shared>>
      %dma_wait3A_329 = arith.constant 0 : i32
      %dma_wait3A_330 = arith.constant 0 : i32
      %dma_wait3A_331 = tpu.memref_slice %arg9[%dma_wait3A_329, %dma_wait3A_330] : memref<64x128xf32, #tpu.memory_space<vmem>> -> memref<49x128xf32, #tpu.memory_space<vmem>>
      tpu.wait_dma2 semaphore(%run_scoped3A_311 : memref<!tpu.dma_semaphore, #tpu.memory_space<semaphore_mem>>) src(%dma_wait3A_331 : memref<49x128xf32, #tpu.memory_space<vmem>>) dst(%dma_wait3A_328 : memref<49x128xf32, #tpu.memory_space<vmem_shared>>)
      tpu.yield
    }) : () -> ()
    %barrier3A = arith.constant 0 : index
    tpu.barrier barrier_id(%barrier3A)
    %get3A = arith.constant 0 : index
    %get3A_71 = tpu.vector_load %arg5[%get3A] {strides = array<i32>} : memref<10048xi32, #tpu.memory_space<vmem>>, vector<16xi32>,
    %add3A_72 = vector.broadcast %mul3A_30 : i32 to vector<16xi32>
    %add3A_73 = arith.addi %get3A_71, %add3A_72 : vector<16xi32>
    %swap3A_74 = arith.constant 0 : i32
    %swap3A_75 = arith.index_cast %swap3A_74 : i32 to index
    %swap3A_76 = arith.constant 0 : index
    %swap3A_77 = tpu.vector_load %arg7[%swap3A_75, %swap3A_76] {strides = array<i32>} : memref<2x64xi32, #tpu.memory_space<vmem>>, vector<16xi32>,
    tpu.vector_store %arg7[%swap3A_75, %swap3A_76], %add3A_73 {strides = array<i32>} : memref<2x64xi32, #tpu.memory_space<vmem>>, vector<16xi32>,
    %get3A_78 = arith.constant 16 : index
    %get3A_79 = tpu.vector_load %arg5[%get3A_78] {strides = array<i32>} : memref<10048xi32, #tpu.memory_space<vmem>>, vector<16xi32>,
    %add3A_80 = vector.broadcast %mul3A_30 : i32 to vector<16xi32>
    %add3A_81 = arith.addi %get3A_79, %add3A_80 : vector<16xi32>
    %swap3A_82 = arith.constant 0 : i32
    %swap3A_83 = arith.index_cast %swap3A_82 : i32 to index
    %swap3A_84 = arith.constant 16 : index
    %swap3A_85 = tpu.vector_load %arg7[%swap3A_83, %swap3A_84] {strides = array<i32>} : memref<2x64xi32, #tpu.memory_space<vmem>>, vector<16xi32>,
    tpu.vector_store %arg7[%swap3A_83, %swap3A_84], %add3A_81 {strides = array<i32>} : memref<2x64xi32, #tpu.memory_space<vmem>>, vector<16xi32>,
    %get3A_86 = arith.constant 32 : index
    %get3A_87 = tpu.vector_load %arg5[%get3A_86] {strides = array<i32>} : memref<10048xi32, #tpu.memory_space<vmem>>, vector<16xi32>,
    %add3A_88 = vector.broadcast %mul3A_30 : i32 to vector<16xi32>
    %add3A_89 = arith.addi %get3A_87, %add3A_88 : vector<16xi32>
    %swap3A_90 = arith.constant 0 : i32
    %swap3A_91 = arith.index_cast %swap3A_90 : i32 to index
    %swap3A_92 = arith.constant 32 : index
    %swap3A_93 = tpu.vector_load %arg7[%swap3A_91, %swap3A_92] {strides = array<i32>} : memref<2x64xi32, #tpu.memory_space<vmem>>, vector<16xi32>,
    tpu.vector_store %arg7[%swap3A_91, %swap3A_92], %add3A_89 {strides = array<i32>} : memref<2x64xi32, #tpu.memory_space<vmem>>, vector<16xi32>,
    %get3A_94 = arith.constant 48 : index
    %get3A_95 = tpu.vector_load %arg5[%get3A_94] {strides = array<i32>} : memref<10048xi32, #tpu.memory_space<vmem>>, vector<16xi32>,
    %add3A_96 = vector.broadcast %mul3A_30 : i32 to vector<16xi32>
    %add3A_97 = arith.addi %get3A_95, %add3A_96 : vector<16xi32>
    %swap3A_98 = arith.constant 0 : i32
    %swap3A_99 = arith.index_cast %swap3A_98 : i32 to index
    %swap3A_100 = arith.constant 48 : index
    %swap3A_101 = tpu.vector_load %arg7[%swap3A_99, %swap3A_100] {strides = array<i32>} : memref<2x64xi32, #tpu.memory_space<vmem>>, vector<16xi32>,
    tpu.vector_store %arg7[%swap3A_99, %swap3A_100], %add3A_97 {strides = array<i32>} : memref<2x64xi32, #tpu.memory_space<vmem>>, vector<16xi32>,
    %dma_start3A = arith.constant 0 : i32
    %dma_start3A_102 = arith.constant 0 : i32
    %dma_start3A_103 = arith.constant 0 : i32
    %dma_start3A_104 = arith.constant 0 : i32
    %dma_start3A_105 = tpu.memref_slice %arg10[%dma_start3A_102, %dma_start3A_103, %dma_start3A_104] : memref<2x64x128xf32, #tpu.memory_space<vmem>> -> memref<1x64x128xf32, #tpu.memory_space<vmem>>
    %dma_start3A_106 = tpu.memref_squeeze %dma_start3A_105 : memref<1x64x128xf32, #tpu.memory_space<vmem>> -> memref<64x128xf32, #tpu.memory_space<vmem>>
    %dma_start3A_107 = arith.constant 0 : i32
    %dma_start3A_108 = tpu.memref_slice %arg7[%dma_start3A, %dma_start3A_107] : memref<2x64xi32, #tpu.memory_space<vmem>> -> memref<1x64xi32, #tpu.memory_space<vmem>>
    %dma_start3A_109 = tpu.memref_squeeze %dma_start3A_108 : memref<1x64xi32, #tpu.memory_space<vmem>> -> memref<64xi32, #tpu.memory_space<vmem>>
    %dma_start3A_110 = arith.constant 0 : i32
    %dma_start3A_111 = arith.constant 0 : i32
    %dma_start3A_112 = tpu.memref_slice %arg2[%dma_start3A_110, %dma_start3A_111] : memref<40960x128xf32, #tpu.memory_space<hbm>> -> memref<40960x128xf32, #tpu.memory_space<hbm>>
    tpu.enqueue_indirect_dma source(%dma_start3A_112 : memref<40960x128xf32, #tpu.memory_space<hbm>>) target(%dma_start3A_106 : memref<64x128xf32, #tpu.memory_space<vmem>>) offsets(%dma_start3A_109 : memref<64xi32, #tpu.memory_space<vmem>>) semaphore(%arg11 : memref<!tpu.dma_semaphore, #tpu.memory_space<semaphore_mem>>)
    %scan3A_113 = arith.constant 0 : i32
    %scan3A_114 = arith.constant 0 : i32
    %scan3A_115 = arith.constant 78 : i32
    %scan3A_116 = arith.addi %scan3A_114, %scan3A_115 : i32
    %scan3A_117 = arith.constant 1 : i32
    scf.for %scan3A_311 = %scan3A_114 to %scan3A_116 step %scan3A_117  : i32 {
      %mul3A_312 = arith.constant 2 : i32
      %mul3A_313 = arith.muli %mul3A_312, %scan3A_311 : i32
      %add3A_314 = arith.constant 1 : i32
      %add3A_315 = arith.addi %mul3A_313, %add3A_314 : i32
      %mul3A_316 = arith.constant 64 : i32
      %mul3A_317 = arith.muli %add3A_315, %mul3A_316 : i32
      %add3A_318 = arith.constant 0 : i32
      %add3A_319 = arith.addi %mul3A_317, %add3A_318 : i32
      %get3A_320 = arith.index_cast %add3A_319 : i32 to index
      %get3A_321 = tpu.vector_load %arg5[%get3A_320] {strides = array<i32>} : memref<10048xi32, #tpu.memory_space<vmem>>, vector<16xi32>,
      %add3A_322 = vector.broadcast %mul3A_30 : i32 to vector<16xi32>
      %add3A_323 = arith.addi %get3A_321, %add3A_322 : vector<16xi32>
      %swap3A_324 = arith.constant 1 : i32
      %swap3A_325 = arith.index_cast %swap3A_324 : i32 to index
      %swap3A_326 = arith.constant 0 : index
      %swap3A_327 = tpu.vector_load %arg7[%swap3A_325, %swap3A_326] {strides = array<i32>} : memref<2x64xi32, #tpu.memory_space<vmem>>, vector<16xi32>,
      tpu.vector_store %arg7[%swap3A_325, %swap3A_326], %add3A_323 {strides = array<i32>} : memref<2x64xi32, #tpu.memory_space<vmem>>, vector<16xi32>,
      %mul3A_328 = arith.constant 64 : i32
      %mul3A_329 = arith.muli %add3A_315, %mul3A_328 : i32
      %add3A_330 = arith.constant 16 : i32
      %add3A_331 = arith.addi %mul3A_329, %add3A_330 : i32
      %get3A_332 = arith.index_cast %add3A_331 : i32 to index
      %get3A_333 = tpu.vector_load %arg5[%get3A_332] {strides = array<i32>} : memref<10048xi32, #tpu.memory_space<vmem>>, vector<16xi32>,
      %add3A_334 = vector.broadcast %mul3A_30 : i32 to vector<16xi32>
      %add3A_335 = arith.addi %get3A_333, %add3A_334 : vector<16xi32>
      %swap3A_336 = arith.constant 1 : i32
      %swap3A_337 = arith.index_cast %swap3A_336 : i32 to index
      %swap3A_338 = arith.constant 16 : index
      %swap3A_339 = tpu.vector_load %arg7[%swap3A_337, %swap3A_338] {strides = array<i32>} : memref<2x64xi32, #tpu.memory_space<vmem>>, vector<16xi32>,
      tpu.vector_store %arg7[%swap3A_337, %swap3A_338], %add3A_335 {strides = array<i32>} : memref<2x64xi32, #tpu.memory_space<vmem>>, vector<16xi32>,
      %mul3A_340 = arith.constant 64 : i32
      %mul3A_341 = arith.muli %add3A_315, %mul3A_340 : i32
      %add3A_342 = arith.constant 32 : i32
      %add3A_343 = arith.addi %mul3A_341, %add3A_342 : i32
      %get3A_344 = arith.index_cast %add3A_343 : i32 to index
      %get3A_345 = tpu.vector_load %arg5[%get3A_344] {strides = array<i32>} : memref<10048xi32, #tpu.memory_space<vmem>>, vector<16xi32>,
      %add3A_346 = vector.broadcast %mul3A_30 : i32 to vector<16xi32>
      %add3A_347 = arith.addi %get3A_345, %add3A_346 : vector<16xi32>
      %swap3A_348 = arith.constant 1 : i32
      %swap3A_349 = arith.index_cast %swap3A_348 : i32 to index
      %swap3A_350 = arith.constant 32 : index
      %swap3A_351 = tpu.vector_load %arg7[%swap3A_349, %swap3A_350] {strides = array<i32>} : memref<2x64xi32, #tpu.memory_space<vmem>>, vector<16xi32>,
      tpu.vector_store %arg7[%swap3A_349, %swap3A_350], %add3A_347 {strides = array<i32>} : memref<2x64xi32, #tpu.memory_space<vmem>>, vector<16xi32>,
      %mul3A_352 = arith.constant 64 : i32
      %mul3A_353 = arith.muli %add3A_315, %mul3A_352 : i32
      %add3A_354 = arith.constant 48 : i32
      %add3A_355 = arith.addi %mul3A_353, %add3A_354 : i32
      %get3A_356 = arith.index_cast %add3A_355 : i32 to index
      %get3A_357 = tpu.vector_load %arg5[%get3A_356] {strides = array<i32>} : memref<10048xi32, #tpu.memory_space<vmem>>, vector<16xi32>,
      %add3A_358 = vector.broadcast %mul3A_30 : i32 to vector<16xi32>
      %add3A_359 = arith.addi %get3A_357, %add3A_358 : vector<16xi32>
      %swap3A_360 = arith.constant 1 : i32
      %swap3A_361 = arith.index_cast %swap3A_360 : i32 to index
      %swap3A_362 = arith.constant 48 : index
      %swap3A_363 = tpu.vector_load %arg7[%swap3A_361, %swap3A_362] {strides = array<i32>} : memref<2x64xi32, #tpu.memory_space<vmem>>, vector<16xi32>,
      tpu.vector_store %arg7[%swap3A_361, %swap3A_362], %add3A_359 {strides = array<i32>} : memref<2x64xi32, #tpu.memory_space<vmem>>, vector<16xi32>,
      %dma_start3A_364 = arith.constant 1 : i32
      %dma_start3A_365 = arith.constant 1 : i32
      %dma_start3A_366 = arith.constant 0 : i32
      %dma_start3A_367 = arith.constant 0 : i32
      %dma_start3A_368 = tpu.memref_slice %arg10[%dma_start3A_365, %dma_start3A_366, %dma_start3A_367] : memref<2x64x128xf32, #tpu.memory_space<vmem>> -> memref<1x64x128xf32, #tpu.memory_space<vmem>>
      %dma_start3A_369 = tpu.memref_squeeze %dma_start3A_368 : memref<1x64x128xf32, #tpu.memory_space<vmem>> -> memref<64x128xf32, #tpu.memory_space<vmem>>
      %dma_start3A_370 = arith.constant 0 : i32
      %dma_start3A_371 = tpu.memref_slice %arg7[%dma_start3A_364, %dma_start3A_370] : memref<2x64xi32, #tpu.memory_space<vmem>> -> memref<1x64xi32, #tpu.memory_space<vmem>>
      %dma_start3A_372 = tpu.memref_squeeze %dma_start3A_371 : memref<1x64xi32, #tpu.memory_space<vmem>> -> memref<64xi32, #tpu.memory_space<vmem>>
      %dma_start3A_373 = arith.constant 0 : i32
      %dma_start3A_374 = arith.constant 0 : i32
      %dma_start3A_375 = tpu.memref_slice %arg2[%dma_start3A_373, %dma_start3A_374] : memref<40960x128xf32, #tpu.memory_space<hbm>> -> memref<40960x128xf32, #tpu.memory_space<hbm>>
      tpu.enqueue_indirect_dma source(%dma_start3A_375 : memref<40960x128xf32, #tpu.memory_space<hbm>>) target(%dma_start3A_369 : memref<64x128xf32, #tpu.memory_space<vmem>>) offsets(%dma_start3A_372 : memref<64xi32, #tpu.memory_space<vmem>>) semaphore(%arg12 : memref<!tpu.dma_semaphore, #tpu.memory_space<semaphore_mem>>)
      %dma_wait3A_376 = arith.constant 0 : i32
      %dma_wait3A_377 = arith.constant 0 : i32
      %dma_wait3A_378 = arith.constant 0 : i32
      %dma_wait3A_379 = arith.constant 0 : i32
      %dma_wait3A_380 = tpu.memref_slice %arg10[%dma_wait3A_377, %dma_wait3A_378, %dma_wait3A_379] : memref<2x64x128xf32, #tpu.memory_space<vmem>> -> memref<1x64x128xf32, #tpu.memory_space<vmem>>
      %dma_wait3A_381 = tpu.memref_squeeze %dma_wait3A_380 : memref<1x64x128xf32, #tpu.memory_space<vmem>> -> memref<64x128xf32, #tpu.memory_space<vmem>>
      %dma_wait3A_382 = arith.constant 0 : i32
      %dma_wait3A_383 = tpu.memref_slice %arg7[%dma_wait3A_376, %dma_wait3A_382] : memref<2x64xi32, #tpu.memory_space<vmem>> -> memref<1x64xi32, #tpu.memory_space<vmem>>
      %dma_wait3A_384 = tpu.memref_squeeze %dma_wait3A_383 : memref<1x64xi32, #tpu.memory_space<vmem>> -> memref<64xi32, #tpu.memory_space<vmem>>
      %dma_wait3A_385 = arith.constant 0 : i32
      %dma_wait3A_386 = arith.constant 0 : i32
      %dma_wait3A_387 = tpu.memref_slice %arg2[%dma_wait3A_385, %dma_wait3A_386] : memref<40960x128xf32, #tpu.memory_space<hbm>> -> memref<40960x128xf32, #tpu.memory_space<hbm>>
      tpu.wait_indirect_dma semaphore(%arg11 : memref<!tpu.dma_semaphore, #tpu.memory_space<semaphore_mem>>) src(%dma_wait3A_387 : memref<40960x128xf32, #tpu.memory_space<hbm>>) dst(%dma_wait3A_381 : memref<64x128xf32, #tpu.memory_space<vmem>>)
      %mul3A_388 = arith.constant 64 : i32
      %mul3A_389 = arith.muli %mul3A_313, %mul3A_388 : i32
      %add3A_390 = arith.constant 0 : i32
      %add3A_391 = arith.addi %mul3A_389, %add3A_390 : i32
      %get3A_392 = arith.index_cast %add3A_391 : i32 to index
      %get3A_393 = tpu.vector_load %arg6[%get3A_392] {strides = array<i32>} : memref<10048xi32, #tpu.memory_space<vmem>>, vector<16xi32>,
      %swap3A_394 = arith.constant 0 : i32
      %swap3A_395 = arith.index_cast %swap3A_394 : i32 to index
      %swap3A_396 = arith.constant 0 : index
      %swap3A_397 = tpu.vector_load %arg8[%swap3A_395, %swap3A_396] {strides = array<i32>} : memref<2x64xi32, #tpu.memory_space<vmem>>, vector<16xi32>,
      tpu.vector_store %arg8[%swap3A_395, %swap3A_396], %get3A_393 {strides = array<i32>} : memref<2x64xi32, #tpu.memory_space<vmem>>, vector<16xi32>,
      %mul3A_398 = arith.constant 64 : i32
      %mul3A_399 = arith.muli %mul3A_313, %mul3A_398 : i32
      %add3A_400 = arith.constant 16 : i32
      %add3A_401 = arith.addi %mul3A_399, %add3A_400 : i32
      %get3A_402 = arith.index_cast %add3A_401 : i32 to index
      %get3A_403 = tpu.vector_load %arg6[%get3A_402] {strides = array<i32>} : memref<10048xi32, #tpu.memory_space<vmem>>, vector<16xi32>,
      %swap3A_404 = arith.constant 0 : i32
      %swap3A_405 = arith.index_cast %swap3A_404 : i32 to index
      %swap3A_406 = arith.constant 16 : index
      %swap3A_407 = tpu.vector_load %arg8[%swap3A_405, %swap3A_406] {strides = array<i32>} : memref<2x64xi32, #tpu.memory_space<vmem>>, vector<16xi32>,
      tpu.vector_store %arg8[%swap3A_405, %swap3A_406], %get3A_403 {strides = array<i32>} : memref<2x64xi32, #tpu.memory_space<vmem>>, vector<16xi32>,
      %mul3A_408 = arith.constant 64 : i32
      %mul3A_409 = arith.muli %mul3A_313, %mul3A_408 : i32
      %add3A_410 = arith.constant 32 : i32
      %add3A_411 = arith.addi %mul3A_409, %add3A_410 : i32
      %get3A_412 = arith.index_cast %add3A_411 : i32 to index
      %get3A_413 = tpu.vector_load %arg6[%get3A_412] {strides = array<i32>} : memref<10048xi32, #tpu.memory_space<vmem>>, vector<16xi32>,
      %swap3A_414 = arith.constant 0 : i32
      %swap3A_415 = arith.index_cast %swap3A_414 : i32 to index
      %swap3A_416 = arith.constant 32 : index
      %swap3A_417 = tpu.vector_load %arg8[%swap3A_415, %swap3A_416] {strides = array<i32>} : memref<2x64xi32, #tpu.memory_space<vmem>>, vector<16xi32>,
      tpu.vector_store %arg8[%swap3A_415, %swap3A_416], %get3A_413 {strides = array<i32>} : memref<2x64xi32, #tpu.memory_space<vmem>>, vector<16xi32>,
      %mul3A_418 = arith.constant 64 : i32
      %mul3A_419 = arith.muli %mul3A_313, %mul3A_418 : i32
      %add3A_420 = arith.constant 48 : i32
      %add3A_421 = arith.addi %mul3A_419, %add3A_420 : i32
      %get3A_422 = arith.index_cast %add3A_421 : i32 to index
      %get3A_423 = tpu.vector_load %arg6[%get3A_422] {strides = array<i32>} : memref<10048xi32, #tpu.memory_space<vmem>>, vector<16xi32>,
      %swap3A_424 = arith.constant 0 : i32
      %swap3A_425 = arith.index_cast %swap3A_424 : i32 to index
      %swap3A_426 = arith.constant 48 : index
      %swap3A_427 = tpu.vector_load %arg8[%swap3A_425, %swap3A_426] {strides = array<i32>} : memref<2x64xi32, #tpu.memory_space<vmem>>, vector<16xi32>,
      tpu.vector_store %arg8[%swap3A_425, %swap3A_426], %get3A_423 {strides = array<i32>} : memref<2x64xi32, #tpu.memory_space<vmem>>, vector<16xi32>,
      %run_scoped3A_428 = arith.constant 0 : i32
      %run_scoped3A_429 = arith.constant 0 : i32
      "tpu.region"() ({
        %run_scoped3A_546 = tpu.sem_alloc : memref<!tpu.dma_semaphore, #tpu.memory_space<semaphore_mem>>
        %dma_start3A_547 = arith.constant 0 : i32
        %dma_start3A_548 = arith.constant 0 : i32
        %dma_start3A_549 = tpu.memref_slice %arg10[%run_scoped3A_428, %dma_start3A_547, %dma_start3A_548] : memref<2x64x128xf32, #tpu.memory_space<vmem>> -> memref<1x64x128xf32, #tpu.memory_space<vmem>>
        %dma_start3A_550 = tpu.memref_squeeze %dma_start3A_549 : memref<1x64x128xf32, #tpu.memory_space<vmem>> -> memref<64x128xf32, #tpu.memory_space<vmem>>
        %dma_start3A_551 = arith.constant 0 : i32
        %dma_start3A_552 = tpu.memref_slice %arg8[%run_scoped3A_429, %dma_start3A_551] : memref<2x64xi32, #tpu.memory_space<vmem>> -> memref<1x64xi32, #tpu.memory_space<vmem>>
        %dma_start3A_553 = tpu.memref_squeeze %dma_start3A_552 : memref<1x64xi32, #tpu.memory_space<vmem>> -> memref<64xi32, #tpu.memory_space<vmem>>
        %dma_start3A_554 = arith.constant 0 : i32
        %dma_start3A_555 = arith.constant 0 : i32
        %dma_start3A_556 = tpu.memref_slice %arg13[%dma_start3A_554, %dma_start3A_555] : memref<10000x128xf32, #tpu.memory_space<vmem_shared>> -> memref<10000x128xf32, #tpu.memory_space<vmem_shared>>
        tpu.enqueue_indirect_dma source(%dma_start3A_550 : memref<64x128xf32, #tpu.memory_space<vmem>>) target(%dma_start3A_556 : memref<10000x128xf32, #tpu.memory_space<vmem_shared>>) offsets(%dma_start3A_553 : memref<64xi32, #tpu.memory_space<vmem>>) semaphore(%run_scoped3A_546 : memref<!tpu.dma_semaphore, #tpu.memory_space<semaphore_mem>>) {add = true}
        %dma_wait3A_557 = arith.constant 0 : i32
        %dma_wait3A_558 = arith.constant 0 : i32
        %dma_wait3A_559 = tpu.memref_slice %arg10[%run_scoped3A_428, %dma_wait3A_557, %dma_wait3A_558] : memref<2x64x128xf32, #tpu.memory_space<vmem>> -> memref<1x64x128xf32, #tpu.memory_space<vmem>>
        %dma_wait3A_560 = tpu.memref_squeeze %dma_wait3A_559 : memref<1x64x128xf32, #tpu.memory_space<vmem>> -> memref<64x128xf32, #tpu.memory_space<vmem>>
        %dma_wait3A_561 = arith.constant 0 : i32
        %dma_wait3A_562 = tpu.memref_slice %arg8[%run_scoped3A_429, %dma_wait3A_561] : memref<2x64xi32, #tpu.memory_space<vmem>> -> memref<1x64xi32, #tpu.memory_space<vmem>>
        %dma_wait3A_563 = tpu.memref_squeeze %dma_wait3A_562 : memref<1x64xi32, #tpu.memory_space<vmem>> -> memref<64xi32, #tpu.memory_space<vmem>>
        %dma_wait3A_564 = arith.constant 0 : i32
        %dma_wait3A_565 = arith.constant 0 : i32
        %dma_wait3A_566 = tpu.memref_slice %arg13[%dma_wait3A_564, %dma_wait3A_565] : memref<10000x128xf32, #tpu.memory_space<vmem_shared>> -> memref<10000x128xf32, #tpu.memory_space<vmem_shared>>
        tpu.wait_indirect_dma semaphore(%run_scoped3A_546 : memref<!tpu.dma_semaphore, #tpu.memory_space<semaphore_mem>>) src(%dma_wait3A_560 : memref<64x128xf32, #tpu.memory_space<vmem>>) dst(%dma_wait3A_566 : memref<10000x128xf32, #tpu.memory_space<vmem_shared>>)
        tpu.yield
      }) : () -> ()
      %add3A_430 = arith.constant 2 : i32
      %add3A_431 = arith.addi %mul3A_313, %add3A_430 : i32
      %mul3A_432 = arith.constant 64 : i32
      %mul3A_433 = arith.muli %add3A_431, %mul3A_432 : i32
      %add3A_434 = arith.constant 0 : i32
      %add3A_435 = arith.addi %mul3A_433, %add3A_434 : i32
      %get3A_436 = arith.index_cast %add3A_435 : i32 to index
      %get3A_437 = tpu.vector_load %arg5[%get3A_436] {strides = array<i32>} : memref<10048xi32, #tpu.memory_space<vmem>>, vector<16xi32>,
      %add3A_438 = vector.broadcast %mul3A_30 : i32 to vector<16xi32>
      %add3A_439 = arith.addi %get3A_437, %add3A_438 : vector<16xi32>
      %swap3A_440 = arith.constant 0 : i32
      %swap3A_441 = arith.index_cast %swap3A_440 : i32 to index
      %swap3A_442 = arith.constant 0 : index
      %swap3A_443 = tpu.vector_load %arg7[%swap3A_441, %swap3A_442] {strides = array<i32>} : memref<2x64xi32, #tpu.memory_space<vmem>>, vector<16xi32>,
      tpu.vector_store %arg7[%swap3A_441, %swap3A_442], %add3A_439 {strides = array<i32>} : memref<2x64xi32, #tpu.memory_space<vmem>>, vector<16xi32>,
      %mul3A_444 = arith.constant 64 : i32
      %mul3A_445 = arith.muli %add3A_431, %mul3A_444 : i32
      %add3A_446 = arith.constant 16 : i32
      %add3A_447 = arith.addi %mul3A_445, %add3A_446 : i32
      %get3A_448 = arith.index_cast %add3A_447 : i32 to index
      %get3A_449 = tpu.vector_load %arg5[%get3A_448] {strides = array<i32>} : memref<10048xi32, #tpu.memory_space<vmem>>, vector<16xi32>,
      %add3A_450 = vector.broadcast %mul3A_30 : i32 to vector<16xi32>
      %add3A_451 = arith.addi %get3A_449, %add3A_450 : vector<16xi32>
      %swap3A_452 = arith.constant 0 : i32
      %swap3A_453 = arith.index_cast %swap3A_452 : i32 to index
      %swap3A_454 = arith.constant 16 : index
      %swap3A_455 = tpu.vector_load %arg7[%swap3A_453, %swap3A_454] {strides = array<i32>} : memref<2x64xi32, #tpu.memory_space<vmem>>, vector<16xi32>,
      tpu.vector_store %arg7[%swap3A_453, %swap3A_454], %add3A_451 {strides = array<i32>} : memref<2x64xi32, #tpu.memory_space<vmem>>, vector<16xi32>,
      %mul3A_456 = arith.constant 64 : i32
      %mul3A_457 = arith.muli %add3A_431, %mul3A_456 : i32
      %add3A_458 = arith.constant 32 : i32
      %add3A_459 = arith.addi %mul3A_457, %add3A_458 : i32
      %get3A_460 = arith.index_cast %add3A_459 : i32 to index
      %get3A_461 = tpu.vector_load %arg5[%get3A_460] {strides = array<i32>} : memref<10048xi32, #tpu.memory_space<vmem>>, vector<16xi32>,
      %add3A_462 = vector.broadcast %mul3A_30 : i32 to vector<16xi32>
      %add3A_463 = arith.addi %get3A_461, %add3A_462 : vector<16xi32>
      %swap3A_464 = arith.constant 0 : i32
      %swap3A_465 = arith.index_cast %swap3A_464 : i32 to index
      %swap3A_466 = arith.constant 32 : index
      %swap3A_467 = tpu.vector_load %arg7[%swap3A_465, %swap3A_466] {strides = array<i32>} : memref<2x64xi32, #tpu.memory_space<vmem>>, vector<16xi32>,
      tpu.vector_store %arg7[%swap3A_465, %swap3A_466], %add3A_463 {strides = array<i32>} : memref<2x64xi32, #tpu.memory_space<vmem>>, vector<16xi32>,
      %mul3A_468 = arith.constant 64 : i32
      %mul3A_469 = arith.muli %add3A_431, %mul3A_468 : i32
      %add3A_470 = arith.constant 48 : i32
      %add3A_471 = arith.addi %mul3A_469, %add3A_470 : i32
      %get3A_472 = arith.index_cast %add3A_471 : i32 to index
      %get3A_473 = tpu.vector_load %arg5[%get3A_472] {strides = array<i32>} : memref<10048xi32, #tpu.memory_space<vmem>>, vector<16xi32>,
      %add3A_474 = vector.broadcast %mul3A_30 : i32 to vector<16xi32>
      %add3A_475 = arith.addi %get3A_473, %add3A_474 : vector<16xi32>
      %swap3A_476 = arith.constant 0 : i32
      %swap3A_477 = arith.index_cast %swap3A_476 : i32 to index
      %swap3A_478 = arith.constant 48 : index
      %swap3A_479 = tpu.vector_load %arg7[%swap3A_477, %swap3A_478] {strides = array<i32>} : memref<2x64xi32, #tpu.memory_space<vmem>>, vector<16xi32>,
      tpu.vector_store %arg7[%swap3A_477, %swap3A_478], %add3A_475 {strides = array<i32>} : memref<2x64xi32, #tpu.memory_space<vmem>>, vector<16xi32>,
      %dma_start3A_480 = arith.constant 0 : i32
      %dma_start3A_481 = arith.constant 0 : i32
      %dma_start3A_482 = arith.constant 0 : i32
      %dma_start3A_483 = arith.constant 0 : i32
      %dma_start3A_484 = tpu.memref_slice %arg10[%dma_start3A_481, %dma_start3A_482, %dma_start3A_483] : memref<2x64x128xf32, #tpu.memory_space<vmem>> -> memref<1x64x128xf32, #tpu.memory_space<vmem>>
      %dma_start3A_485 = tpu.memref_squeeze %dma_start3A_484 : memref<1x64x128xf32, #tpu.memory_space<vmem>> -> memref<64x128xf32, #tpu.memory_space<vmem>>
      %dma_start3A_486 = arith.constant 0 : i32
      %dma_start3A_487 = tpu.memref_slice %arg7[%dma_start3A_480, %dma_start3A_486] : memref<2x64xi32, #tpu.memory_space<vmem>> -> memref<1x64xi32, #tpu.memory_space<vmem>>
      %dma_start3A_488 = tpu.memref_squeeze %dma_start3A_487 : memref<1x64xi32, #tpu.memory_space<vmem>> -> memref<64xi32, #tpu.memory_space<vmem>>
      %dma_start3A_489 = arith.constant 0 : i32
      %dma_start3A_490 = arith.constant 0 : i32
      %dma_start3A_491 = tpu.memref_slice %arg2[%dma_start3A_489, %dma_start3A_490] : memref<40960x128xf32, #tpu.memory_space<hbm>> -> memref<40960x128xf32, #tpu.memory_space<hbm>>
      tpu.enqueue_indirect_dma source(%dma_start3A_491 : memref<40960x128xf32, #tpu.memory_space<hbm>>) target(%dma_start3A_485 : memref<64x128xf32, #tpu.memory_space<vmem>>) offsets(%dma_start3A_488 : memref<64xi32, #tpu.memory_space<vmem>>) semaphore(%arg11 : memref<!tpu.dma_semaphore, #tpu.memory_space<semaphore_mem>>)
      %dma_wait3A_492 = arith.constant 1 : i32
      %dma_wait3A_493 = arith.constant 1 : i32
      %dma_wait3A_494 = arith.constant 0 : i32
      %dma_wait3A_495 = arith.constant 0 : i32
      %dma_wait3A_496 = tpu.memref_slice %arg10[%dma_wait3A_493, %dma_wait3A_494, %dma_wait3A_495] : memref<2x64x128xf32, #tpu.memory_space<vmem>> -> memref<1x64x128xf32, #tpu.memory_space<vmem>>
      %dma_wait3A_497 = tpu.memref_squeeze %dma_wait3A_496 : memref<1x64x128xf32, #tpu.memory_space<vmem>> -> memref<64x128xf32, #tpu.memory_space<vmem>>
      %dma_wait3A_498 = arith.constant 0 : i32
      %dma_wait3A_499 = tpu.memref_slice %arg7[%dma_wait3A_492, %dma_wait3A_498] : memref<2x64xi32, #tpu.memory_space<vmem>> -> memref<1x64xi32, #tpu.memory_space<vmem>>
      %dma_wait3A_500 = tpu.memref_squeeze %dma_wait3A_499 : memref<1x64xi32, #tpu.memory_space<vmem>> -> memref<64xi32, #tpu.memory_space<vmem>>
      %dma_wait3A_501 = arith.constant 0 : i32
      %dma_wait3A_502 = arith.constant 0 : i32
      %dma_wait3A_503 = tpu.memref_slice %arg2[%dma_wait3A_501, %dma_wait3A_502] : memref<40960x128xf32, #tpu.memory_space<hbm>> -> memref<40960x128xf32, #tpu.memory_space<hbm>>
      tpu.wait_indirect_dma semaphore(%arg12 : memref<!tpu.dma_semaphore, #tpu.memory_space<semaphore_mem>>) src(%dma_wait3A_503 : memref<40960x128xf32, #tpu.memory_space<hbm>>) dst(%dma_wait3A_497 : memref<64x128xf32, #tpu.memory_space<vmem>>)
      %mul3A_504 = arith.constant 64 : i32
      %mul3A_505 = arith.muli %add3A_315, %mul3A_504 : i32
      %add3A_506 = arith.constant 0 : i32
      %add3A_507 = arith.addi %mul3A_505, %add3A_506 : i32
      %get3A_508 = arith.index_cast %add3A_507 : i32 to index
      %get3A_509 = tpu.vector_load %arg6[%get3A_508] {strides = array<i32>} : memref<10048xi32, #tpu.memory_space<vmem>>, vector<16xi32>,
      %swap3A_510 = arith.constant 1 : i32
      %swap3A_511 = arith.index_cast %swap3A_510 : i32 to index
      %swap3A_512 = arith.constant 0 : index
      %swap3A_513 = tpu.vector_load %arg8[%swap3A_511, %swap3A_512] {strides = array<i32>} : memref<2x64xi32, #tpu.memory_space<vmem>>, vector<16xi32>,
      tpu.vector_store %arg8[%swap3A_511, %swap3A_512], %get3A_509 {strides = array<i32>} : memref<2x64xi32, #tpu.memory_space<vmem>>, vector<16xi32>,
      %mul3A_514 = arith.constant 64 : i32
      %mul3A_515 = arith.muli %add3A_315, %mul3A_514 : i32
      %add3A_516 = arith.constant 16 : i32
      %add3A_517 = arith.addi %mul3A_515, %add3A_516 : i32
      %get3A_518 = arith.index_cast %add3A_517 : i32 to index
      %get3A_519 = tpu.vector_load %arg6[%get3A_518] {strides = array<i32>} : memref<10048xi32, #tpu.memory_space<vmem>>, vector<16xi32>,
      %swap3A_520 = arith.constant 1 : i32
      %swap3A_521 = arith.index_cast %swap3A_520 : i32 to index
      %swap3A_522 = arith.constant 16 : index
      %swap3A_523 = tpu.vector_load %arg8[%swap3A_521, %swap3A_522] {strides = array<i32>} : memref<2x64xi32, #tpu.memory_space<vmem>>, vector<16xi32>,
      tpu.vector_store %arg8[%swap3A_521, %swap3A_522], %get3A_519 {strides = array<i32>} : memref<2x64xi32, #tpu.memory_space<vmem>>, vector<16xi32>,
      %mul3A_524 = arith.constant 64 : i32
      %mul3A_525 = arith.muli %add3A_315, %mul3A_524 : i32
      %add3A_526 = arith.constant 32 : i32
      %add3A_527 = arith.addi %mul3A_525, %add3A_526 : i32
      %get3A_528 = arith.index_cast %add3A_527 : i32 to index
      %get3A_529 = tpu.vector_load %arg6[%get3A_528] {strides = array<i32>} : memref<10048xi32, #tpu.memory_space<vmem>>, vector<16xi32>,
      %swap3A_530 = arith.constant 1 : i32
      %swap3A_531 = arith.index_cast %swap3A_530 : i32 to index
      %swap3A_532 = arith.constant 32 : index
      %swap3A_533 = tpu.vector_load %arg8[%swap3A_531, %swap3A_532] {strides = array<i32>} : memref<2x64xi32, #tpu.memory_space<vmem>>, vector<16xi32>,
      tpu.vector_store %arg8[%swap3A_531, %swap3A_532], %get3A_529 {strides = array<i32>} : memref<2x64xi32, #tpu.memory_space<vmem>>, vector<16xi32>,
      %mul3A_534 = arith.constant 64 : i32
      %mul3A_535 = arith.muli %add3A_315, %mul3A_534 : i32
      %add3A_536 = arith.constant 48 : i32
      %add3A_537 = arith.addi %mul3A_535, %add3A_536 : i32
      %get3A_538 = arith.index_cast %add3A_537 : i32 to index
      %get3A_539 = tpu.vector_load %arg6[%get3A_538] {strides = array<i32>} : memref<10048xi32, #tpu.memory_space<vmem>>, vector<16xi32>,
      %swap3A_540 = arith.constant 1 : i32
      %swap3A_541 = arith.index_cast %swap3A_540 : i32 to index
      %swap3A_542 = arith.constant 48 : index
      %swap3A_543 = tpu.vector_load %arg8[%swap3A_541, %swap3A_542] {strides = array<i32>} : memref<2x64xi32, #tpu.memory_space<vmem>>, vector<16xi32>,
      tpu.vector_store %arg8[%swap3A_541, %swap3A_542], %get3A_539 {strides = array<i32>} : memref<2x64xi32, #tpu.memory_space<vmem>>, vector<16xi32>,
      %run_scoped3A_544 = arith.constant 1 : i32
      %run_scoped3A_545 = arith.constant 1 : i32
      "tpu.region"() ({
        %run_scoped3A_546 = tpu.sem_alloc : memref<!tpu.dma_semaphore, #tpu.memory_space<semaphore_mem>>
        %dma_start3A_547 = arith.constant 0 : i32
        %dma_start3A_548 = arith.constant 0 : i32
        %dma_start3A_549 = tpu.memref_slice %arg10[%run_scoped3A_544, %dma_start3A_547, %dma_start3A_548] : memref<2x64x128xf32, #tpu.memory_space<vmem>> -> memref<1x64x128xf32, #tpu.memory_space<vmem>>
        %dma_start3A_550 = tpu.memref_squeeze %dma_start3A_549 : memref<1x64x128xf32, #tpu.memory_space<vmem>> -> memref<64x128xf32, #tpu.memory_space<vmem>>
        %dma_start3A_551 = arith.constant 0 : i32
        %dma_start3A_552 = tpu.memref_slice %arg8[%run_scoped3A_545, %dma_start3A_551] : memref<2x64xi32, #tpu.memory_space<vmem>> -> memref<1x64xi32, #tpu.memory_space<vmem>>
        %dma_start3A_553 = tpu.memref_squeeze %dma_start3A_552 : memref<1x64xi32, #tpu.memory_space<vmem>> -> memref<64xi32, #tpu.memory_space<vmem>>
        %dma_start3A_554 = arith.constant 0 : i32
        %dma_start3A_555 = arith.constant 0 : i32
        %dma_start3A_556 = tpu.memref_slice %arg13[%dma_start3A_554, %dma_start3A_555] : memref<10000x128xf32, #tpu.memory_space<vmem_shared>> -> memref<10000x128xf32, #tpu.memory_space<vmem_shared>>
        tpu.enqueue_indirect_dma source(%dma_start3A_550 : memref<64x128xf32, #tpu.memory_space<vmem>>) target(%dma_start3A_556 : memref<10000x128xf32, #tpu.memory_space<vmem_shared>>) offsets(%dma_start3A_553 : memref<64xi32, #tpu.memory_space<vmem>>) semaphore(%run_scoped3A_546 : memref<!tpu.dma_semaphore, #tpu.memory_space<semaphore_mem>>) {add = true}
        %dma_wait3A_557 = arith.constant 0 : i32
        %dma_wait3A_558 = arith.constant 0 : i32
        %dma_wait3A_559 = tpu.memref_slice %arg10[%run_scoped3A_544, %dma_wait3A_557, %dma_wait3A_558] : memref<2x64x128xf32, #tpu.memory_space<vmem>> -> memref<1x64x128xf32, #tpu.memory_space<vmem>>
        %dma_wait3A_560 = tpu.memref_squeeze %dma_wait3A_559 : memref<1x64x128xf32, #tpu.memory_space<vmem>> -> memref<64x128xf32, #tpu.memory_space<vmem>>
        %dma_wait3A_561 = arith.constant 0 : i32
        %dma_wait3A_562 = tpu.memref_slice %arg8[%run_scoped3A_545, %dma_wait3A_561] : memref<2x64xi32, #tpu.memory_space<vmem>> -> memref<1x64xi32, #tpu.memory_space<vmem>>
        %dma_wait3A_563 = tpu.memref_squeeze %dma_wait3A_562 : memref<1x64xi32, #tpu.memory_space<vmem>> -> memref<64xi32, #tpu.memory_space<vmem>>
        %dma_wait3A_564 = arith.constant 0 : i32
        %dma_wait3A_565 = arith.constant 0 : i32
        %dma_wait3A_566 = tpu.memref_slice %arg13[%dma_wait3A_564, %dma_wait3A_565] : memref<10000x128xf32, #tpu.memory_space<vmem_shared>> -> memref<10000x128xf32, #tpu.memory_space<vmem_shared>>
        tpu.wait_indirect_dma semaphore(%run_scoped3A_546 : memref<!tpu.dma_semaphore, #tpu.memory_space<semaphore_mem>>) src(%dma_wait3A_560 : memref<64x128xf32, #tpu.memory_space<vmem>>) dst(%dma_wait3A_566 : memref<10000x128xf32, #tpu.memory_space<vmem_shared>>)
        tpu.yield
      }) : () -> ()
    }
    %scan3A_118 = arith.constant 78 : i32
    %dma_wait3A = arith.constant 0 : i32
    %dma_wait3A_119 = arith.constant 0 : i32
    %dma_wait3A_120 = arith.constant 0 : i32
    %dma_wait3A_121 = arith.constant 0 : i32
    %dma_wait3A_122 = tpu.memref_slice %arg10[%dma_wait3A_119, %dma_wait3A_120, %dma_wait3A_121] : memref<2x64x128xf32, #tpu.memory_space<vmem>> -> memref<1x64x128xf32, #tpu.memory_space<vmem>>
    %dma_wait3A_123 = tpu.memref_squeeze %dma_wait3A_122 : memref<1x64x128xf32, #tpu.memory_space<vmem>> -> memref<64x128xf32, #tpu.memory_space<vmem>>
    %dma_wait3A_124 = arith.constant 0 : i32
    %dma_wait3A_125 = tpu.memref_slice %arg7[%dma_wait3A, %dma_wait3A_124] : memref<2x64xi32, #tpu.memory_space<vmem>> -> memref<1x64xi32, #tpu.memory_space<vmem>>
    %dma_wait3A_126 = tpu.memref_squeeze %dma_wait3A_125 : memref<1x64xi32, #tpu.memory_space<vmem>> -> memref<64xi32, #tpu.memory_space<vmem>>
    %dma_wait3A_127 = arith.constant 0 : i32
    %dma_wait3A_128 = arith.constant 0 : i32
    %dma_wait3A_129 = tpu.memref_slice %arg2[%dma_wait3A_127, %dma_wait3A_128] : memref<40960x128xf32, #tpu.memory_space<hbm>> -> memref<40960x128xf32, #tpu.memory_space<hbm>>
    tpu.wait_indirect_dma semaphore(%arg11 : memref<!tpu.dma_semaphore, #tpu.memory_space<semaphore_mem>>) src(%dma_wait3A_129 : memref<40960x128xf32, #tpu.memory_space<hbm>>) dst(%dma_wait3A_123 : memref<64x128xf32, #tpu.memory_space<vmem>>)
    %get3A_130 = arith.constant 9984 : index
    %get3A_131 = tpu.vector_load %arg6[%get3A_130] {strides = array<i32>} : memref<10048xi32, #tpu.memory_space<vmem>>, vector<16xi32>,
    %swap3A_132 = arith.constant 0 : i32
    %swap3A_133 = arith.index_cast %swap3A_132 : i32 to index
    %swap3A_134 = arith.constant 0 : index
    %swap3A_135 = tpu.vector_load %arg8[%swap3A_133, %swap3A_134] {strides = array<i32>} : memref<2x64xi32, #tpu.memory_space<vmem>>, vector<16xi32>,
    tpu.vector_store %arg8[%swap3A_133, %swap3A_134], %get3A_131 {strides = array<i32>} : memref<2x64xi32, #tpu.memory_space<vmem>>, vector<16xi32>,
    %get3A_136 = arith.constant 10000 : index
    %get3A_137 = tpu.vector_load %arg6[%get3A_136] {strides = array<i32>} : memref<10048xi32, #tpu.memory_space<vmem>>, vector<16xi32>,
    %swap3A_138 = arith.constant 0 : i32
    %swap3A_139 = arith.index_cast %swap3A_138 : i32 to index
    %swap3A_140 = arith.constant 16 : index
    %swap3A_141 = tpu.vector_load %arg8[%swap3A_139, %swap3A_140] {strides = array<i32>} : memref<2x64xi32, #tpu.memory_space<vmem>>, vector<16xi32>,
    tpu.vector_store %arg8[%swap3A_139, %swap3A_140], %get3A_137 {strides = array<i32>} : memref<2x64xi32, #tpu.memory_space<vmem>>, vector<16xi32>,
    %get3A_142 = arith.constant 10016 : index
    %get3A_143 = tpu.vector_load %arg6[%get3A_142] {strides = array<i32>} : memref<10048xi32, #tpu.memory_space<vmem>>, vector<16xi32>,
    %swap3A_144 = arith.constant 0 : i32
    %swap3A_145 = arith.index_cast %swap3A_144 : i32 to index
    %swap3A_146 = arith.constant 32 : index
    %swap3A_147 = tpu.vector_load %arg8[%swap3A_145, %swap3A_146] {strides = array<i32>} : memref<2x64xi32, #tpu.memory_space<vmem>>, vector<16xi32>,
    tpu.vector_store %arg8[%swap3A_145, %swap3A_146], %get3A_143 {strides = array<i32>} : memref<2x64xi32, #tpu.memory_space<vmem>>, vector<16xi32>,
    %get3A_148 = arith.constant 10032 : index
    %get3A_149 = tpu.vector_load %arg6[%get3A_148] {strides = array<i32>} : memref<10048xi32, #tpu.memory_space<vmem>>, vector<16xi32>,
    %swap3A_150 = arith.constant 0 : i32
    %swap3A_151 = arith.index_cast %swap3A_150 : i32 to index
    %swap3A_152 = arith.constant 48 : index
    %swap3A_153 = tpu.vector_load %arg8[%swap3A_151, %swap3A_152] {strides = array<i32>} : memref<2x64xi32, #tpu.memory_space<vmem>>, vector<16xi32>,
    tpu.vector_store %arg8[%swap3A_151, %swap3A_152], %get3A_149 {strides = array<i32>} : memref<2x64xi32, #tpu.memory_space<vmem>>, vector<16xi32>,
    %run_scoped3A = arith.constant 0 : i32
    %run_scoped3A_154 = arith.constant 0 : i32
    "tpu.region"() ({
      %run_scoped3A_311 = tpu.sem_alloc : memref<!tpu.dma_semaphore, #tpu.memory_space<semaphore_mem>>
      %dma_start3A_312 = arith.constant 0 : i32
      %dma_start3A_313 = arith.constant 0 : i32
      %dma_start3A_314 = tpu.memref_slice %arg10[%run_scoped3A, %dma_start3A_312, %dma_start3A_313] : memref<2x64x128xf32, #tpu.memory_space<vmem>> -> memref<1x64x128xf32, #tpu.memory_space<vmem>>
      %dma_start3A_315 = tpu.memref_squeeze %dma_start3A_314 : memref<1x64x128xf32, #tpu.memory_space<vmem>> -> memref<64x128xf32, #tpu.memory_space<vmem>>
      %dma_start3A_316 = arith.constant 0 : i32
      %dma_start3A_317 = tpu.memref_slice %arg8[%run_scoped3A_154, %dma_start3A_316] : memref<2x64xi32, #tpu.memory_space<vmem>> -> memref<1x64xi32, #tpu.memory_space<vmem>>
      %dma_start3A_318 = tpu.memref_squeeze %dma_start3A_317 : memref<1x64xi32, #tpu.memory_space<vmem>> -> memref<64xi32, #tpu.memory_space<vmem>>
      %dma_start3A_319 = arith.constant 0 : i32
      %dma_start3A_320 = arith.constant 0 : i32
      %dma_start3A_321 = tpu.memref_slice %arg13[%dma_start3A_319, %dma_start3A_320] : memref<10000x128xf32, #tpu.memory_space<vmem_shared>> -> memref<10000x128xf32, #tpu.memory_space<vmem_shared>>
      tpu.enqueue_indirect_dma source(%dma_start3A_315 : memref<64x128xf32, #tpu.memory_space<vmem>>) target(%dma_start3A_321 : memref<10000x128xf32, #tpu.memory_space<vmem_shared>>) offsets(%dma_start3A_318 : memref<64xi32, #tpu.memory_space<vmem>>) semaphore(%run_scoped3A_311 : memref<!tpu.dma_semaphore, #tpu.memory_space<semaphore_mem>>) {add = true}
      %dma_wait3A_322 = arith.constant 0 : i32
      %dma_wait3A_323 = arith.constant 0 : i32
      %dma_wait3A_324 = tpu.memref_slice %arg10[%run_scoped3A, %dma_wait3A_322, %dma_wait3A_323] : memref<2x64x128xf32, #tpu.memory_space<vmem>> -> memref<1x64x128xf32, #tpu.memory_space<vmem>>
      %dma_wait3A_325 = tpu.memref_squeeze %dma_wait3A_324 : memref<1x64x128xf32, #tpu.memory_space<vmem>> -> memref<64x128xf32, #tpu.memory_space<vmem>>
      %dma_wait3A_326 = arith.constant 0 : i32
      %dma_wait3A_327 = tpu.memref_slice %arg8[%run_scoped3A_154, %dma_wait3A_326] : memref<2x64xi32, #tpu.memory_space<vmem>> -> memref<1x64xi32, #tpu.memory_space<vmem>>
      %dma_wait3A_328 = tpu.memref_squeeze %dma_wait3A_327 : memref<1x64xi32, #tpu.memory_space<vmem>> -> memref<64xi32, #tpu.memory_space<vmem>>
      %dma_wait3A_329 = arith.constant 0 : i32
      %dma_wait3A_330 = arith.constant 0 : i32
      %dma_wait3A_331 = tpu.memref_slice %arg13[%dma_wait3A_329, %dma_wait3A_330] : memref<10000x128xf32, #tpu.memory_space<vmem_shared>> -> memref<10000x128xf32, #tpu.memory_space<vmem_shared>>
      tpu.wait_indirect_dma semaphore(%run_scoped3A_311 : memref<!tpu.dma_semaphore, #tpu.memory_space<semaphore_mem>>) src(%dma_wait3A_325 : memref<64x128xf32, #tpu.memory_space<vmem>>) dst(%dma_wait3A_331 : memref<10000x128xf32, #tpu.memory_space<vmem_shared>>)
      tpu.yield
    }) : () -> ()
    %barrier3A_155 = arith.constant 0 : index
    tpu.barrier barrier_id(%barrier3A_155)
    %eq3A = arith.constant 0 : i32
    %eq3A_156 = arith.cmpi eq, %arg0, %eq3A : i32
    %convert_element_type3A = arith.extui %eq3A_156 : i1 to i32
    %cond3A = arith.constant 0 : i32
    %cond3A_157 = arith.cmpi ne, %convert_element_type3A, %cond3A : i32
    scf.if %cond3A_157 {
      %mul3A_311 = arith.constant 625 : i32
      %mul3A_312 = arith.muli %arg1, %mul3A_311 : i32
      %run_scoped3A_313 = arith.constant 0 : i32
      "tpu.region"() ({
        %run_scoped3A_314 = tpu.sem_alloc : memref<!tpu.dma_semaphore, #tpu.memory_space<semaphore_mem>>
        %dma_start3A_315 = arith.constant 0 : i32
        %dma_start3A_316 = tpu.memref_slice %arg4[%run_scoped3A_313, %mul3A_312, %dma_start3A_315] : memref<4x10000x128xf32, #tpu.memory_space<hbm>> -> memref<1x625x128xf32, #tpu.memory_space<hbm>>
        %dma_start3A_317 = tpu.memref_squeeze %dma_start3A_316 : memref<1x625x128xf32, #tpu.memory_space<hbm>> -> memref<625x128xf32, #tpu.memory_space<hbm>>
        %dma_start3A_318 = arith.constant 0 : i32
        %dma_start3A_319 = tpu.memref_slice %arg13[%mul3A_312, %dma_start3A_318] : memref<10000x128xf32, #tpu.memory_space<vmem_shared>> -> memref<625x128xf32, #tpu.memory_space<vmem_shared>>
        tpu.enqueue_dma source(%dma_start3A_319 : memref<625x128xf32, #tpu.memory_space<vmem_shared>>) target(%dma_start3A_317 : memref<625x128xf32, #tpu.memory_space<hbm>>) target_semaphore(%run_scoped3A_314 : memref<!tpu.dma_semaphore, #tpu.memory_space<semaphore_mem>>)
        %dma_wait3A_320 = arith.constant 0 : i32
        %dma_wait3A_321 = tpu.memref_slice %arg4[%run_scoped3A_313, %mul3A_312, %dma_wait3A_320] : memref<4x10000x128xf32, #tpu.memory_space<hbm>> -> memref<1x625x128xf32, #tpu.memory_space<hbm>>
        %dma_wait3A_322 = tpu.memref_squeeze %dma_wait3A_321 : memref<1x625x128xf32, #tpu.memory_space<hbm>> -> memref<625x128xf32, #tpu.memory_space<hbm>>
        %dma_wait3A_323 = arith.constant 0 : i32
        %dma_wait3A_324 = tpu.memref_slice %arg13[%mul3A_312, %dma_wait3A_323] : memref<10000x128xf32, #tpu.memory_space<vmem_shared>> -> memref<625x128xf32, #tpu.memory_space<vmem_shared>>
        tpu.wait_dma2 semaphore(%run_scoped3A_314 : memref<!tpu.dma_semaphore, #tpu.memory_space<semaphore_mem>>) src(%dma_wait3A_324 : memref<625x128xf32, #tpu.memory_space<vmem_shared>>) dst(%dma_wait3A_322 : memref<625x128xf32, #tpu.memory_space<hbm>>)
        tpu.yield
      }) : () -> ()
    } else {
    }
    %eq3A_158 = arith.constant 1 : i32
    %eq3A_159 = arith.cmpi eq, %arg0, %eq3A_158 : i32
    %convert_element_type3A_160 = arith.extui %eq3A_159 : i1 to i32
    %cond3A_161 = arith.constant 0 : i32
    %cond3A_162 = arith.cmpi ne, %convert_element_type3A_160, %cond3A_161 : i32
    scf.if %cond3A_162 {
      %mul3A_311 = arith.constant 625 : i32
      %mul3A_312 = arith.muli %arg1, %mul3A_311 : i32
      %run_scoped3A_313 = arith.constant 2 : i32
      "tpu.region"() ({
        %run_scoped3A_314 = tpu.sem_alloc : memref<!tpu.dma_semaphore, #tpu.memory_space<semaphore_mem>>
        %dma_start3A_315 = arith.constant 0 : i32
        %dma_start3A_316 = tpu.memref_slice %arg4[%run_scoped3A_313, %mul3A_312, %dma_start3A_315] : memref<4x10000x128xf32, #tpu.memory_space<hbm>> -> memref<1x625x128xf32, #tpu.memory_space<hbm>>
        %dma_start3A_317 = tpu.memref_squeeze %dma_start3A_316 : memref<1x625x128xf32, #tpu.memory_space<hbm>> -> memref<625x128xf32, #tpu.memory_space<hbm>>
        %dma_start3A_318 = arith.constant 0 : i32
        %dma_start3A_319 = tpu.memref_slice %arg13[%mul3A_312, %dma_start3A_318] : memref<10000x128xf32, #tpu.memory_space<vmem_shared>> -> memref<625x128xf32, #tpu.memory_space<vmem_shared>>
        tpu.enqueue_dma source(%dma_start3A_319 : memref<625x128xf32, #tpu.memory_space<vmem_shared>>) target(%dma_start3A_317 : memref<625x128xf32, #tpu.memory_space<hbm>>) target_semaphore(%run_scoped3A_314 : memref<!tpu.dma_semaphore, #tpu.memory_space<semaphore_mem>>)
        %dma_wait3A_320 = arith.constant 0 : i32
        %dma_wait3A_321 = tpu.memref_slice %arg4[%run_scoped3A_313, %mul3A_312, %dma_wait3A_320] : memref<4x10000x128xf32, #tpu.memory_space<hbm>> -> memref<1x625x128xf32, #tpu.memory_space<hbm>>
        %dma_wait3A_322 = tpu.memref_squeeze %dma_wait3A_321 : memref<1x625x128xf32, #tpu.memory_space<hbm>> -> memref<625x128xf32, #tpu.memory_space<hbm>>
        %dma_wait3A_323 = arith.constant 0 : i32
        %dma_wait3A_324 = tpu.memref_slice %arg13[%mul3A_312, %dma_wait3A_323] : memref<10000x128xf32, #tpu.memory_space<vmem_shared>> -> memref<625x128xf32, #tpu.memory_space<vmem_shared>>
        tpu.wait_dma2 semaphore(%run_scoped3A_314 : memref<!tpu.dma_semaphore, #tpu.memory_space<semaphore_mem>>) src(%dma_wait3A_324 : memref<625x128xf32, #tpu.memory_space<vmem_shared>>) dst(%dma_wait3A_322 : memref<625x128xf32, #tpu.memory_space<hbm>>)
        tpu.yield
      }) : () -> ()
    } else {
    }
    %barrier3A_163 = arith.constant 0 : index
    tpu.barrier barrier_id(%barrier3A_163)
    %mul3A_164 = arith.constant 2 : i32
    %mul3A_165 = arith.muli %mul3A_164, %arg0 : i32
    %add3A_166 = arith.constant 1 : i32
    %add3A_167 = arith.addi %mul3A_165, %add3A_166 : i32
    %mul3A_168 = arith.constant 10240 : i32
    %mul3A_169 = arith.muli %add3A_167, %mul3A_168 : i32
    %mul3A_170 = arith.constant 625 : i32
    %mul3A_171 = arith.muli %arg1, %mul3A_170 : i32
    %add3A_172 = arith.constant 0 : i32
    %add3A_173 = arith.addi %mul3A_171, %add3A_172 : i32
    "tpu.region"() ({
      %run_scoped3A_311 = tpu.sem_alloc : memref<!tpu.dma_semaphore, #tpu.memory_space<semaphore_mem>>
      %dma_start3A_312 = arith.constant 0 : i32
      %dma_start3A_313 = arith.constant 0 : i32
      %dma_start3A_314 = tpu.memref_slice %arg9[%dma_start3A_312, %dma_start3A_313] : memref<64x128xf32, #tpu.memory_space<vmem>> -> memref<64x128xf32, #tpu.memory_space<vmem>>
      %dma_start3A_315 = arith.constant 0 : i32
      %dma_start3A_316 = tpu.memref_slice %arg13[%add3A_173, %dma_start3A_315] : memref<10000x128xf32, #tpu.memory_space<vmem_shared>> -> memref<64x128xf32, #tpu.memory_space<vmem_shared>>
      %dma_start3A_317 = arith.constant 0 : i32
      %dma_start3A_318 = tpu.memref_slice %arg13[%add3A_173, %dma_start3A_317] : memref<10000x128xf32, #tpu.memory_space<vmem_shared>> -> memref<64x128xf32, #tpu.memory_space<vmem_shared>>
      %dma_start3A_319 = arith.constant 0 : i32
      %dma_start3A_320 = arith.constant 0 : i32
      %dma_start3A_321 = tpu.memref_slice %arg9[%dma_start3A_319, %dma_start3A_320] : memref<64x128xf32, #tpu.memory_space<vmem>> -> memref<64x128xf32, #tpu.memory_space<vmem>>
      tpu.enqueue_dma source(%dma_start3A_321 : memref<64x128xf32, #tpu.memory_space<vmem>>) target(%dma_start3A_318 : memref<64x128xf32, #tpu.memory_space<vmem_shared>>) target_semaphore(%run_scoped3A_311 : memref<!tpu.dma_semaphore, #tpu.memory_space<semaphore_mem>>)
      %dma_wait3A_322 = arith.constant 0 : i32
      %dma_wait3A_323 = arith.constant 0 : i32
      %dma_wait3A_324 = tpu.memref_slice %arg9[%dma_wait3A_322, %dma_wait3A_323] : memref<64x128xf32, #tpu.memory_space<vmem>> -> memref<64x128xf32, #tpu.memory_space<vmem>>
      %dma_wait3A_325 = arith.constant 0 : i32
      %dma_wait3A_326 = tpu.memref_slice %arg13[%add3A_173, %dma_wait3A_325] : memref<10000x128xf32, #tpu.memory_space<vmem_shared>> -> memref<64x128xf32, #tpu.memory_space<vmem_shared>>
      %dma_wait3A_327 = arith.constant 0 : i32
      %dma_wait3A_328 = tpu.memref_slice %arg13[%add3A_173, %dma_wait3A_327] : memref<10000x128xf32, #tpu.memory_space<vmem_shared>> -> memref<64x128xf32, #tpu.memory_space<vmem_shared>>
      %dma_wait3A_329 = arith.constant 0 : i32
      %dma_wait3A_330 = arith.constant 0 : i32
      %dma_wait3A_331 = tpu.memref_slice %arg9[%dma_wait3A_329, %dma_wait3A_330] : memref<64x128xf32, #tpu.memory_space<vmem>> -> memref<64x128xf32, #tpu.memory_space<vmem>>
      tpu.wait_dma2 semaphore(%run_scoped3A_311 : memref<!tpu.dma_semaphore, #tpu.memory_space<semaphore_mem>>) src(%dma_wait3A_331 : memref<64x128xf32, #tpu.memory_space<vmem>>) dst(%dma_wait3A_328 : memref<64x128xf32, #tpu.memory_space<vmem_shared>>)
      tpu.yield
    }) : () -> ()
    %mul3A_174 = arith.constant 625 : i32
    %mul3A_175 = arith.muli %arg1, %mul3A_174 : i32
    %add3A_176 = arith.constant 64 : i32
    %add3A_177 = arith.addi %mul3A_175, %add3A_176 : i32
    "tpu.region"() ({
      %run_scoped3A_311 = tpu.sem_alloc : memref<!tpu.dma_semaphore, #tpu.memory_space<semaphore_mem>>
      %dma_start3A_312 = arith.constant 0 : i32
      %dma_start3A_313 = arith.constant 0 : i32
      %dma_start3A_314 = tpu.memref_slice %arg9[%dma_start3A_312, %dma_start3A_313] : memref<64x128xf32, #tpu.memory_space<vmem>> -> memref<64x128xf32, #tpu.memory_space<vmem>>
      %dma_start3A_315 = arith.constant 0 : i32
      %dma_start3A_316 = tpu.memref_slice %arg13[%add3A_177, %dma_start3A_315] : memref<10000x128xf32, #tpu.memory_space<vmem_shared>> -> memref<64x128xf32, #tpu.memory_space<vmem_shared>>
      %dma_start3A_317 = arith.constant 0 : i32
      %dma_start3A_318 = tpu.memref_slice %arg13[%add3A_177, %dma_start3A_317] : memref<10000x128xf32, #tpu.memory_space<vmem_shared>> -> memref<64x128xf32, #tpu.memory_space<vmem_shared>>
      %dma_start3A_319 = arith.constant 0 : i32
      %dma_start3A_320 = arith.constant 0 : i32
      %dma_start3A_321 = tpu.memref_slice %arg9[%dma_start3A_319, %dma_start3A_320] : memref<64x128xf32, #tpu.memory_space<vmem>> -> memref<64x128xf32, #tpu.memory_space<vmem>>
      tpu.enqueue_dma source(%dma_start3A_321 : memref<64x128xf32, #tpu.memory_space<vmem>>) target(%dma_start3A_318 : memref<64x128xf32, #tpu.memory_space<vmem_shared>>) target_semaphore(%run_scoped3A_311 : memref<!tpu.dma_semaphore, #tpu.memory_space<semaphore_mem>>)
      %dma_wait3A_322 = arith.constant 0 : i32
      %dma_wait3A_323 = arith.constant 0 : i32
      %dma_wait3A_324 = tpu.memref_slice %arg9[%dma_wait3A_322, %dma_wait3A_323] : memref<64x128xf32, #tpu.memory_space<vmem>> -> memref<64x128xf32, #tpu.memory_space<vmem>>
      %dma_wait3A_325 = arith.constant 0 : i32
      %dma_wait3A_326 = tpu.memref_slice %arg13[%add3A_177, %dma_wait3A_325] : memref<10000x128xf32, #tpu.memory_space<vmem_shared>> -> memref<64x128xf32, #tpu.memory_space<vmem_shared>>
      %dma_wait3A_327 = arith.constant 0 : i32
      %dma_wait3A_328 = tpu.memref_slice %arg13[%add3A_177, %dma_wait3A_327] : memref<10000x128xf32, #tpu.memory_space<vmem_shared>> -> memref<64x128xf32, #tpu.memory_space<vmem_shared>>
      %dma_wait3A_329 = arith.constant 0 : i32
      %dma_wait3A_330 = arith.constant 0 : i32
      %dma_wait3A_331 = tpu.memref_slice %arg9[%dma_wait3A_329, %dma_wait3A_330] : memref<64x128xf32, #tpu.memory_space<vmem>> -> memref<64x128xf32, #tpu.memory_space<vmem>>
      tpu.wait_dma2 semaphore(%run_scoped3A_311 : memref<!tpu.dma_semaphore, #tpu.memory_space<semaphore_mem>>) src(%dma_wait3A_331 : memref<64x128xf32, #tpu.memory_space<vmem>>) dst(%dma_wait3A_328 : memref<64x128xf32, #tpu.memory_space<vmem_shared>>)
      tpu.yield
    }) : () -> ()
    %mul3A_178 = arith.constant 625 : i32
    %mul3A_179 = arith.muli %arg1, %mul3A_178 : i32
    %add3A_180 = arith.constant 128 : i32
    %add3A_181 = arith.addi %mul3A_179, %add3A_180 : i32
    "tpu.region"() ({
      %run_scoped3A_311 = tpu.sem_alloc : memref<!tpu.dma_semaphore, #tpu.memory_space<semaphore_mem>>
      %dma_start3A_312 = arith.constant 0 : i32
      %dma_start3A_313 = arith.constant 0 : i32
      %dma_start3A_314 = tpu.memref_slice %arg9[%dma_start3A_312, %dma_start3A_313] : memref<64x128xf32, #tpu.memory_space<vmem>> -> memref<64x128xf32, #tpu.memory_space<vmem>>
      %dma_start3A_315 = arith.constant 0 : i32
      %dma_start3A_316 = tpu.memref_slice %arg13[%add3A_181, %dma_start3A_315] : memref<10000x128xf32, #tpu.memory_space<vmem_shared>> -> memref<64x128xf32, #tpu.memory_space<vmem_shared>>
      %dma_start3A_317 = arith.constant 0 : i32
      %dma_start3A_318 = tpu.memref_slice %arg13[%add3A_181, %dma_start3A_317] : memref<10000x128xf32, #tpu.memory_space<vmem_shared>> -> memref<64x128xf32, #tpu.memory_space<vmem_shared>>
      %dma_start3A_319 = arith.constant 0 : i32
      %dma_start3A_320 = arith.constant 0 : i32
      %dma_start3A_321 = tpu.memref_slice %arg9[%dma_start3A_319, %dma_start3A_320] : memref<64x128xf32, #tpu.memory_space<vmem>> -> memref<64x128xf32, #tpu.memory_space<vmem>>
      tpu.enqueue_dma source(%dma_start3A_321 : memref<64x128xf32, #tpu.memory_space<vmem>>) target(%dma_start3A_318 : memref<64x128xf32, #tpu.memory_space<vmem_shared>>) target_semaphore(%run_scoped3A_311 : memref<!tpu.dma_semaphore, #tpu.memory_space<semaphore_mem>>)
      %dma_wait3A_322 = arith.constant 0 : i32
      %dma_wait3A_323 = arith.constant 0 : i32
      %dma_wait3A_324 = tpu.memref_slice %arg9[%dma_wait3A_322, %dma_wait3A_323] : memref<64x128xf32, #tpu.memory_space<vmem>> -> memref<64x128xf32, #tpu.memory_space<vmem>>
      %dma_wait3A_325 = arith.constant 0 : i32
      %dma_wait3A_326 = tpu.memref_slice %arg13[%add3A_181, %dma_wait3A_325] : memref<10000x128xf32, #tpu.memory_space<vmem_shared>> -> memref<64x128xf32, #tpu.memory_space<vmem_shared>>
      %dma_wait3A_327 = arith.constant 0 : i32
      %dma_wait3A_328 = tpu.memref_slice %arg13[%add3A_181, %dma_wait3A_327] : memref<10000x128xf32, #tpu.memory_space<vmem_shared>> -> memref<64x128xf32, #tpu.memory_space<vmem_shared>>
      %dma_wait3A_329 = arith.constant 0 : i32
      %dma_wait3A_330 = arith.constant 0 : i32
      %dma_wait3A_331 = tpu.memref_slice %arg9[%dma_wait3A_329, %dma_wait3A_330] : memref<64x128xf32, #tpu.memory_space<vmem>> -> memref<64x128xf32, #tpu.memory_space<vmem>>
      tpu.wait_dma2 semaphore(%run_scoped3A_311 : memref<!tpu.dma_semaphore, #tpu.memory_space<semaphore_mem>>) src(%dma_wait3A_331 : memref<64x128xf32, #tpu.memory_space<vmem>>) dst(%dma_wait3A_328 : memref<64x128xf32, #tpu.memory_space<vmem_shared>>)
      tpu.yield
    }) : () -> ()
    %mul3A_182 = arith.constant 625 : i32
    %mul3A_183 = arith.muli %arg1, %mul3A_182 : i32
    %add3A_184 = arith.constant 192 : i32
    %add3A_185 = arith.addi %mul3A_183, %add3A_184 : i32
    "tpu.region"() ({
      %run_scoped3A_311 = tpu.sem_alloc : memref<!tpu.dma_semaphore, #tpu.memory_space<semaphore_mem>>
      %dma_start3A_312 = arith.constant 0 : i32
      %dma_start3A_313 = arith.constant 0 : i32
      %dma_start3A_314 = tpu.memref_slice %arg9[%dma_start3A_312, %dma_start3A_313] : memref<64x128xf32, #tpu.memory_space<vmem>> -> memref<64x128xf32, #tpu.memory_space<vmem>>
      %dma_start3A_315 = arith.constant 0 : i32
      %dma_start3A_316 = tpu.memref_slice %arg13[%add3A_185, %dma_start3A_315] : memref<10000x128xf32, #tpu.memory_space<vmem_shared>> -> memref<64x128xf32, #tpu.memory_space<vmem_shared>>
      %dma_start3A_317 = arith.constant 0 : i32
      %dma_start3A_318 = tpu.memref_slice %arg13[%add3A_185, %dma_start3A_317] : memref<10000x128xf32, #tpu.memory_space<vmem_shared>> -> memref<64x128xf32, #tpu.memory_space<vmem_shared>>
      %dma_start3A_319 = arith.constant 0 : i32
      %dma_start3A_320 = arith.constant 0 : i32
      %dma_start3A_321 = tpu.memref_slice %arg9[%dma_start3A_319, %dma_start3A_320] : memref<64x128xf32, #tpu.memory_space<vmem>> -> memref<64x128xf32, #tpu.memory_space<vmem>>
      tpu.enqueue_dma source(%dma_start3A_321 : memref<64x128xf32, #tpu.memory_space<vmem>>) target(%dma_start3A_318 : memref<64x128xf32, #tpu.memory_space<vmem_shared>>) target_semaphore(%run_scoped3A_311 : memref<!tpu.dma_semaphore, #tpu.memory_space<semaphore_mem>>)
      %dma_wait3A_322 = arith.constant 0 : i32
      %dma_wait3A_323 = arith.constant 0 : i32
      %dma_wait3A_324 = tpu.memref_slice %arg9[%dma_wait3A_322, %dma_wait3A_323] : memref<64x128xf32, #tpu.memory_space<vmem>> -> memref<64x128xf32, #tpu.memory_space<vmem>>
      %dma_wait3A_325 = arith.constant 0 : i32
      %dma_wait3A_326 = tpu.memref_slice %arg13[%add3A_185, %dma_wait3A_325] : memref<10000x128xf32, #tpu.memory_space<vmem_shared>> -> memref<64x128xf32, #tpu.memory_space<vmem_shared>>
      %dma_wait3A_327 = arith.constant 0 : i32
      %dma_wait3A_328 = tpu.memref_slice %arg13[%add3A_185, %dma_wait3A_327] : memref<10000x128xf32, #tpu.memory_space<vmem_shared>> -> memref<64x128xf32, #tpu.memory_space<vmem_shared>>
      %dma_wait3A_329 = arith.constant 0 : i32
      %dma_wait3A_330 = arith.constant 0 : i32
      %dma_wait3A_331 = tpu.memref_slice %arg9[%dma_wait3A_329, %dma_wait3A_330] : memref<64x128xf32, #tpu.memory_space<vmem>> -> memref<64x128xf32, #tpu.memory_space<vmem>>
      tpu.wait_dma2 semaphore(%run_scoped3A_311 : memref<!tpu.dma_semaphore, #tpu.memory_space<semaphore_mem>>) src(%dma_wait3A_331 : memref<64x128xf32, #tpu.memory_space<vmem>>) dst(%dma_wait3A_328 : memref<64x128xf32, #tpu.memory_space<vmem_shared>>)
      tpu.yield
    }) : () -> ()
    %mul3A_186 = arith.constant 625 : i32
    %mul3A_187 = arith.muli %arg1, %mul3A_186 : i32
    %add3A_188 = arith.constant 256 : i32
    %add3A_189 = arith.addi %mul3A_187, %add3A_188 : i32
    "tpu.region"() ({
      %run_scoped3A_311 = tpu.sem_alloc : memref<!tpu.dma_semaphore, #tpu.memory_space<semaphore_mem>>
      %dma_start3A_312 = arith.constant 0 : i32
      %dma_start3A_313 = arith.constant 0 : i32
      %dma_start3A_314 = tpu.memref_slice %arg9[%dma_start3A_312, %dma_start3A_313] : memref<64x128xf32, #tpu.memory_space<vmem>> -> memref<64x128xf32, #tpu.memory_space<vmem>>
      %dma_start3A_315 = arith.constant 0 : i32
      %dma_start3A_316 = tpu.memref_slice %arg13[%add3A_189, %dma_start3A_315] : memref<10000x128xf32, #tpu.memory_space<vmem_shared>> -> memref<64x128xf32, #tpu.memory_space<vmem_shared>>
      %dma_start3A_317 = arith.constant 0 : i32
      %dma_start3A_318 = tpu.memref_slice %arg13[%add3A_189, %dma_start3A_317] : memref<10000x128xf32, #tpu.memory_space<vmem_shared>> -> memref<64x128xf32, #tpu.memory_space<vmem_shared>>
      %dma_start3A_319 = arith.constant 0 : i32
      %dma_start3A_320 = arith.constant 0 : i32
      %dma_start3A_321 = tpu.memref_slice %arg9[%dma_start3A_319, %dma_start3A_320] : memref<64x128xf32, #tpu.memory_space<vmem>> -> memref<64x128xf32, #tpu.memory_space<vmem>>
      tpu.enqueue_dma source(%dma_start3A_321 : memref<64x128xf32, #tpu.memory_space<vmem>>) target(%dma_start3A_318 : memref<64x128xf32, #tpu.memory_space<vmem_shared>>) target_semaphore(%run_scoped3A_311 : memref<!tpu.dma_semaphore, #tpu.memory_space<semaphore_mem>>)
      %dma_wait3A_322 = arith.constant 0 : i32
      %dma_wait3A_323 = arith.constant 0 : i32
      %dma_wait3A_324 = tpu.memref_slice %arg9[%dma_wait3A_322, %dma_wait3A_323] : memref<64x128xf32, #tpu.memory_space<vmem>> -> memref<64x128xf32, #tpu.memory_space<vmem>>
      %dma_wait3A_325 = arith.constant 0 : i32
      %dma_wait3A_326 = tpu.memref_slice %arg13[%add3A_189, %dma_wait3A_325] : memref<10000x128xf32, #tpu.memory_space<vmem_shared>> -> memref<64x128xf32, #tpu.memory_space<vmem_shared>>
      %dma_wait3A_327 = arith.constant 0 : i32
      %dma_wait3A_328 = tpu.memref_slice %arg13[%add3A_189, %dma_wait3A_327] : memref<10000x128xf32, #tpu.memory_space<vmem_shared>> -> memref<64x128xf32, #tpu.memory_space<vmem_shared>>
      %dma_wait3A_329 = arith.constant 0 : i32
      %dma_wait3A_330 = arith.constant 0 : i32
      %dma_wait3A_331 = tpu.memref_slice %arg9[%dma_wait3A_329, %dma_wait3A_330] : memref<64x128xf32, #tpu.memory_space<vmem>> -> memref<64x128xf32, #tpu.memory_space<vmem>>
      tpu.wait_dma2 semaphore(%run_scoped3A_311 : memref<!tpu.dma_semaphore, #tpu.memory_space<semaphore_mem>>) src(%dma_wait3A_331 : memref<64x128xf32, #tpu.memory_space<vmem>>) dst(%dma_wait3A_328 : memref<64x128xf32, #tpu.memory_space<vmem_shared>>)
      tpu.yield
    }) : () -> ()
    %mul3A_190 = arith.constant 625 : i32
    %mul3A_191 = arith.muli %arg1, %mul3A_190 : i32
    %add3A_192 = arith.constant 320 : i32
    %add3A_193 = arith.addi %mul3A_191, %add3A_192 : i32
    "tpu.region"() ({
      %run_scoped3A_311 = tpu.sem_alloc : memref<!tpu.dma_semaphore, #tpu.memory_space<semaphore_mem>>
      %dma_start3A_312 = arith.constant 0 : i32
      %dma_start3A_313 = arith.constant 0 : i32
      %dma_start3A_314 = tpu.memref_slice %arg9[%dma_start3A_312, %dma_start3A_313] : memref<64x128xf32, #tpu.memory_space<vmem>> -> memref<64x128xf32, #tpu.memory_space<vmem>>
      %dma_start3A_315 = arith.constant 0 : i32
      %dma_start3A_316 = tpu.memref_slice %arg13[%add3A_193, %dma_start3A_315] : memref<10000x128xf32, #tpu.memory_space<vmem_shared>> -> memref<64x128xf32, #tpu.memory_space<vmem_shared>>
      %dma_start3A_317 = arith.constant 0 : i32
      %dma_start3A_318 = tpu.memref_slice %arg13[%add3A_193, %dma_start3A_317] : memref<10000x128xf32, #tpu.memory_space<vmem_shared>> -> memref<64x128xf32, #tpu.memory_space<vmem_shared>>
      %dma_start3A_319 = arith.constant 0 : i32
      %dma_start3A_320 = arith.constant 0 : i32
      %dma_start3A_321 = tpu.memref_slice %arg9[%dma_start3A_319, %dma_start3A_320] : memref<64x128xf32, #tpu.memory_space<vmem>> -> memref<64x128xf32, #tpu.memory_space<vmem>>
      tpu.enqueue_dma source(%dma_start3A_321 : memref<64x128xf32, #tpu.memory_space<vmem>>) target(%dma_start3A_318 : memref<64x128xf32, #tpu.memory_space<vmem_shared>>) target_semaphore(%run_scoped3A_311 : memref<!tpu.dma_semaphore, #tpu.memory_space<semaphore_mem>>)
      %dma_wait3A_322 = arith.constant 0 : i32
      %dma_wait3A_323 = arith.constant 0 : i32
      %dma_wait3A_324 = tpu.memref_slice %arg9[%dma_wait3A_322, %dma_wait3A_323] : memref<64x128xf32, #tpu.memory_space<vmem>> -> memref<64x128xf32, #tpu.memory_space<vmem>>
      %dma_wait3A_325 = arith.constant 0 : i32
      %dma_wait3A_326 = tpu.memref_slice %arg13[%add3A_193, %dma_wait3A_325] : memref<10000x128xf32, #tpu.memory_space<vmem_shared>> -> memref<64x128xf32, #tpu.memory_space<vmem_shared>>
      %dma_wait3A_327 = arith.constant 0 : i32
      %dma_wait3A_328 = tpu.memref_slice %arg13[%add3A_193, %dma_wait3A_327] : memref<10000x128xf32, #tpu.memory_space<vmem_shared>> -> memref<64x128xf32, #tpu.memory_space<vmem_shared>>
      %dma_wait3A_329 = arith.constant 0 : i32
      %dma_wait3A_330 = arith.constant 0 : i32
      %dma_wait3A_331 = tpu.memref_slice %arg9[%dma_wait3A_329, %dma_wait3A_330] : memref<64x128xf32, #tpu.memory_space<vmem>> -> memref<64x128xf32, #tpu.memory_space<vmem>>
      tpu.wait_dma2 semaphore(%run_scoped3A_311 : memref<!tpu.dma_semaphore, #tpu.memory_space<semaphore_mem>>) src(%dma_wait3A_331 : memref<64x128xf32, #tpu.memory_space<vmem>>) dst(%dma_wait3A_328 : memref<64x128xf32, #tpu.memory_space<vmem_shared>>)
      tpu.yield
    }) : () -> ()
    %mul3A_194 = arith.constant 625 : i32
    %mul3A_195 = arith.muli %arg1, %mul3A_194 : i32
    %add3A_196 = arith.constant 384 : i32
    %add3A_197 = arith.addi %mul3A_195, %add3A_196 : i32
    "tpu.region"() ({
      %run_scoped3A_311 = tpu.sem_alloc : memref<!tpu.dma_semaphore, #tpu.memory_space<semaphore_mem>>
      %dma_start3A_312 = arith.constant 0 : i32
      %dma_start3A_313 = arith.constant 0 : i32
      %dma_start3A_314 = tpu.memref_slice %arg9[%dma_start3A_312, %dma_start3A_313] : memref<64x128xf32, #tpu.memory_space<vmem>> -> memref<64x128xf32, #tpu.memory_space<vmem>>
      %dma_start3A_315 = arith.constant 0 : i32
      %dma_start3A_316 = tpu.memref_slice %arg13[%add3A_197, %dma_start3A_315] : memref<10000x128xf32, #tpu.memory_space<vmem_shared>> -> memref<64x128xf32, #tpu.memory_space<vmem_shared>>
      %dma_start3A_317 = arith.constant 0 : i32
      %dma_start3A_318 = tpu.memref_slice %arg13[%add3A_197, %dma_start3A_317] : memref<10000x128xf32, #tpu.memory_space<vmem_shared>> -> memref<64x128xf32, #tpu.memory_space<vmem_shared>>
      %dma_start3A_319 = arith.constant 0 : i32
      %dma_start3A_320 = arith.constant 0 : i32
      %dma_start3A_321 = tpu.memref_slice %arg9[%dma_start3A_319, %dma_start3A_320] : memref<64x128xf32, #tpu.memory_space<vmem>> -> memref<64x128xf32, #tpu.memory_space<vmem>>
      tpu.enqueue_dma source(%dma_start3A_321 : memref<64x128xf32, #tpu.memory_space<vmem>>) target(%dma_start3A_318 : memref<64x128xf32, #tpu.memory_space<vmem_shared>>) target_semaphore(%run_scoped3A_311 : memref<!tpu.dma_semaphore, #tpu.memory_space<semaphore_mem>>)
      %dma_wait3A_322 = arith.constant 0 : i32
      %dma_wait3A_323 = arith.constant 0 : i32
      %dma_wait3A_324 = tpu.memref_slice %arg9[%dma_wait3A_322, %dma_wait3A_323] : memref<64x128xf32, #tpu.memory_space<vmem>> -> memref<64x128xf32, #tpu.memory_space<vmem>>
      %dma_wait3A_325 = arith.constant 0 : i32
      %dma_wait3A_326 = tpu.memref_slice %arg13[%add3A_197, %dma_wait3A_325] : memref<10000x128xf32, #tpu.memory_space<vmem_shared>> -> memref<64x128xf32, #tpu.memory_space<vmem_shared>>
      %dma_wait3A_327 = arith.constant 0 : i32
      %dma_wait3A_328 = tpu.memref_slice %arg13[%add3A_197, %dma_wait3A_327] : memref<10000x128xf32, #tpu.memory_space<vmem_shared>> -> memref<64x128xf32, #tpu.memory_space<vmem_shared>>
      %dma_wait3A_329 = arith.constant 0 : i32
      %dma_wait3A_330 = arith.constant 0 : i32
      %dma_wait3A_331 = tpu.memref_slice %arg9[%dma_wait3A_329, %dma_wait3A_330] : memref<64x128xf32, #tpu.memory_space<vmem>> -> memref<64x128xf32, #tpu.memory_space<vmem>>
      tpu.wait_dma2 semaphore(%run_scoped3A_311 : memref<!tpu.dma_semaphore, #tpu.memory_space<semaphore_mem>>) src(%dma_wait3A_331 : memref<64x128xf32, #tpu.memory_space<vmem>>) dst(%dma_wait3A_328 : memref<64x128xf32, #tpu.memory_space<vmem_shared>>)
      tpu.yield
    }) : () -> ()
    %mul3A_198 = arith.constant 625 : i32
    %mul3A_199 = arith.muli %arg1, %mul3A_198 : i32
    %add3A_200 = arith.constant 448 : i32
    %add3A_201 = arith.addi %mul3A_199, %add3A_200 : i32
    "tpu.region"() ({
      %run_scoped3A_311 = tpu.sem_alloc : memref<!tpu.dma_semaphore, #tpu.memory_space<semaphore_mem>>
      %dma_start3A_312 = arith.constant 0 : i32
      %dma_start3A_313 = arith.constant 0 : i32
      %dma_start3A_314 = tpu.memref_slice %arg9[%dma_start3A_312, %dma_start3A_313] : memref<64x128xf32, #tpu.memory_space<vmem>> -> memref<64x128xf32, #tpu.memory_space<vmem>>
      %dma_start3A_315 = arith.constant 0 : i32
      %dma_start3A_316 = tpu.memref_slice %arg13[%add3A_201, %dma_start3A_315] : memref<10000x128xf32, #tpu.memory_space<vmem_shared>> -> memref<64x128xf32, #tpu.memory_space<vmem_shared>>
      %dma_start3A_317 = arith.constant 0 : i32
      %dma_start3A_318 = tpu.memref_slice %arg13[%add3A_201, %dma_start3A_317] : memref<10000x128xf32, #tpu.memory_space<vmem_shared>> -> memref<64x128xf32, #tpu.memory_space<vmem_shared>>
      %dma_start3A_319 = arith.constant 0 : i32
      %dma_start3A_320 = arith.constant 0 : i32
      %dma_start3A_321 = tpu.memref_slice %arg9[%dma_start3A_319, %dma_start3A_320] : memref<64x128xf32, #tpu.memory_space<vmem>> -> memref<64x128xf32, #tpu.memory_space<vmem>>
      tpu.enqueue_dma source(%dma_start3A_321 : memref<64x128xf32, #tpu.memory_space<vmem>>) target(%dma_start3A_318 : memref<64x128xf32, #tpu.memory_space<vmem_shared>>) target_semaphore(%run_scoped3A_311 : memref<!tpu.dma_semaphore, #tpu.memory_space<semaphore_mem>>)
      %dma_wait3A_322 = arith.constant 0 : i32
      %dma_wait3A_323 = arith.constant 0 : i32
      %dma_wait3A_324 = tpu.memref_slice %arg9[%dma_wait3A_322, %dma_wait3A_323] : memref<64x128xf32, #tpu.memory_space<vmem>> -> memref<64x128xf32, #tpu.memory_space<vmem>>
      %dma_wait3A_325 = arith.constant 0 : i32
      %dma_wait3A_326 = tpu.memref_slice %arg13[%add3A_201, %dma_wait3A_325] : memref<10000x128xf32, #tpu.memory_space<vmem_shared>> -> memref<64x128xf32, #tpu.memory_space<vmem_shared>>
      %dma_wait3A_327 = arith.constant 0 : i32
      %dma_wait3A_328 = tpu.memref_slice %arg13[%add3A_201, %dma_wait3A_327] : memref<10000x128xf32, #tpu.memory_space<vmem_shared>> -> memref<64x128xf32, #tpu.memory_space<vmem_shared>>
      %dma_wait3A_329 = arith.constant 0 : i32
      %dma_wait3A_330 = arith.constant 0 : i32
      %dma_wait3A_331 = tpu.memref_slice %arg9[%dma_wait3A_329, %dma_wait3A_330] : memref<64x128xf32, #tpu.memory_space<vmem>> -> memref<64x128xf32, #tpu.memory_space<vmem>>
      tpu.wait_dma2 semaphore(%run_scoped3A_311 : memref<!tpu.dma_semaphore, #tpu.memory_space<semaphore_mem>>) src(%dma_wait3A_331 : memref<64x128xf32, #tpu.memory_space<vmem>>) dst(%dma_wait3A_328 : memref<64x128xf32, #tpu.memory_space<vmem_shared>>)
      tpu.yield
    }) : () -> ()
    %mul3A_202 = arith.constant 625 : i32
    %mul3A_203 = arith.muli %arg1, %mul3A_202 : i32
    %add3A_204 = arith.constant 512 : i32
    %add3A_205 = arith.addi %mul3A_203, %add3A_204 : i32
    "tpu.region"() ({
      %run_scoped3A_311 = tpu.sem_alloc : memref<!tpu.dma_semaphore, #tpu.memory_space<semaphore_mem>>
      %dma_start3A_312 = arith.constant 0 : i32
      %dma_start3A_313 = arith.constant 0 : i32
      %dma_start3A_314 = tpu.memref_slice %arg9[%dma_start3A_312, %dma_start3A_313] : memref<64x128xf32, #tpu.memory_space<vmem>> -> memref<64x128xf32, #tpu.memory_space<vmem>>
      %dma_start3A_315 = arith.constant 0 : i32
      %dma_start3A_316 = tpu.memref_slice %arg13[%add3A_205, %dma_start3A_315] : memref<10000x128xf32, #tpu.memory_space<vmem_shared>> -> memref<64x128xf32, #tpu.memory_space<vmem_shared>>
      %dma_start3A_317 = arith.constant 0 : i32
      %dma_start3A_318 = tpu.memref_slice %arg13[%add3A_205, %dma_start3A_317] : memref<10000x128xf32, #tpu.memory_space<vmem_shared>> -> memref<64x128xf32, #tpu.memory_space<vmem_shared>>
      %dma_start3A_319 = arith.constant 0 : i32
      %dma_start3A_320 = arith.constant 0 : i32
      %dma_start3A_321 = tpu.memref_slice %arg9[%dma_start3A_319, %dma_start3A_320] : memref<64x128xf32, #tpu.memory_space<vmem>> -> memref<64x128xf32, #tpu.memory_space<vmem>>
      tpu.enqueue_dma source(%dma_start3A_321 : memref<64x128xf32, #tpu.memory_space<vmem>>) target(%dma_start3A_318 : memref<64x128xf32, #tpu.memory_space<vmem_shared>>) target_semaphore(%run_scoped3A_311 : memref<!tpu.dma_semaphore, #tpu.memory_space<semaphore_mem>>)
      %dma_wait3A_322 = arith.constant 0 : i32
      %dma_wait3A_323 = arith.constant 0 : i32
      %dma_wait3A_324 = tpu.memref_slice %arg9[%dma_wait3A_322, %dma_wait3A_323] : memref<64x128xf32, #tpu.memory_space<vmem>> -> memref<64x128xf32, #tpu.memory_space<vmem>>
      %dma_wait3A_325 = arith.constant 0 : i32
      %dma_wait3A_326 = tpu.memref_slice %arg13[%add3A_205, %dma_wait3A_325] : memref<10000x128xf32, #tpu.memory_space<vmem_shared>> -> memref<64x128xf32, #tpu.memory_space<vmem_shared>>
      %dma_wait3A_327 = arith.constant 0 : i32
      %dma_wait3A_328 = tpu.memref_slice %arg13[%add3A_205, %dma_wait3A_327] : memref<10000x128xf32, #tpu.memory_space<vmem_shared>> -> memref<64x128xf32, #tpu.memory_space<vmem_shared>>
      %dma_wait3A_329 = arith.constant 0 : i32
      %dma_wait3A_330 = arith.constant 0 : i32
      %dma_wait3A_331 = tpu.memref_slice %arg9[%dma_wait3A_329, %dma_wait3A_330] : memref<64x128xf32, #tpu.memory_space<vmem>> -> memref<64x128xf32, #tpu.memory_space<vmem>>
      tpu.wait_dma2 semaphore(%run_scoped3A_311 : memref<!tpu.dma_semaphore, #tpu.memory_space<semaphore_mem>>) src(%dma_wait3A_331 : memref<64x128xf32, #tpu.memory_space<vmem>>) dst(%dma_wait3A_328 : memref<64x128xf32, #tpu.memory_space<vmem_shared>>)
      tpu.yield
    }) : () -> ()
    %mul3A_206 = arith.constant 625 : i32
    %mul3A_207 = arith.muli %arg1, %mul3A_206 : i32
    %add3A_208 = arith.constant 576 : i32
    %add3A_209 = arith.addi %mul3A_207, %add3A_208 : i32
    "tpu.region"() ({
      %run_scoped3A_311 = tpu.sem_alloc : memref<!tpu.dma_semaphore, #tpu.memory_space<semaphore_mem>>
      %dma_start3A_312 = arith.constant 0 : i32
      %dma_start3A_313 = arith.constant 0 : i32
      %dma_start3A_314 = tpu.memref_slice %arg9[%dma_start3A_312, %dma_start3A_313] : memref<64x128xf32, #tpu.memory_space<vmem>> -> memref<49x128xf32, #tpu.memory_space<vmem>>
      %dma_start3A_315 = arith.constant 0 : i32
      %dma_start3A_316 = tpu.memref_slice %arg13[%add3A_209, %dma_start3A_315] : memref<10000x128xf32, #tpu.memory_space<vmem_shared>> -> memref<49x128xf32, #tpu.memory_space<vmem_shared>>
      %dma_start3A_317 = arith.constant 0 : i32
      %dma_start3A_318 = tpu.memref_slice %arg13[%add3A_209, %dma_start3A_317] : memref<10000x128xf32, #tpu.memory_space<vmem_shared>> -> memref<49x128xf32, #tpu.memory_space<vmem_shared>>
      %dma_start3A_319 = arith.constant 0 : i32
      %dma_start3A_320 = arith.constant 0 : i32
      %dma_start3A_321 = tpu.memref_slice %arg9[%dma_start3A_319, %dma_start3A_320] : memref<64x128xf32, #tpu.memory_space<vmem>> -> memref<49x128xf32, #tpu.memory_space<vmem>>
      tpu.enqueue_dma source(%dma_start3A_321 : memref<49x128xf32, #tpu.memory_space<vmem>>) target(%dma_start3A_318 : memref<49x128xf32, #tpu.memory_space<vmem_shared>>) target_semaphore(%run_scoped3A_311 : memref<!tpu.dma_semaphore, #tpu.memory_space<semaphore_mem>>)
      %dma_wait3A_322 = arith.constant 0 : i32
      %dma_wait3A_323 = arith.constant 0 : i32
      %dma_wait3A_324 = tpu.memref_slice %arg9[%dma_wait3A_322, %dma_wait3A_323] : memref<64x128xf32, #tpu.memory_space<vmem>> -> memref<49x128xf32, #tpu.memory_space<vmem>>
      %dma_wait3A_325 = arith.constant 0 : i32
      %dma_wait3A_326 = tpu.memref_slice %arg13[%add3A_209, %dma_wait3A_325] : memref<10000x128xf32, #tpu.memory_space<vmem_shared>> -> memref<49x128xf32, #tpu.memory_space<vmem_shared>>
      %dma_wait3A_327 = arith.constant 0 : i32
      %dma_wait3A_328 = tpu.memref_slice %arg13[%add3A_209, %dma_wait3A_327] : memref<10000x128xf32, #tpu.memory_space<vmem_shared>> -> memref<49x128xf32, #tpu.memory_space<vmem_shared>>
      %dma_wait3A_329 = arith.constant 0 : i32
      %dma_wait3A_330 = arith.constant 0 : i32
      %dma_wait3A_331 = tpu.memref_slice %arg9[%dma_wait3A_329, %dma_wait3A_330] : memref<64x128xf32, #tpu.memory_space<vmem>> -> memref<49x128xf32, #tpu.memory_space<vmem>>
      tpu.wait_dma2 semaphore(%run_scoped3A_311 : memref<!tpu.dma_semaphore, #tpu.memory_space<semaphore_mem>>) src(%dma_wait3A_331 : memref<49x128xf32, #tpu.memory_space<vmem>>) dst(%dma_wait3A_328 : memref<49x128xf32, #tpu.memory_space<vmem_shared>>)
      tpu.yield
    }) : () -> ()
    %barrier3A_210 = arith.constant 0 : index
    tpu.barrier barrier_id(%barrier3A_210)
    %get3A_211 = arith.constant 0 : index
    %get3A_212 = tpu.vector_load %arg5[%get3A_211] {strides = array<i32>} : memref<10048xi32, #tpu.memory_space<vmem>>, vector<16xi32>,
    %add3A_213 = vector.broadcast %mul3A_169 : i32 to vector<16xi32>
    %add3A_214 = arith.addi %get3A_212, %add3A_213 : vector<16xi32>
    %swap3A_215 = arith.constant 0 : i32
    %swap3A_216 = arith.index_cast %swap3A_215 : i32 to index
    %swap3A_217 = arith.constant 0 : index
    %swap3A_218 = tpu.vector_load %arg7[%swap3A_216, %swap3A_217] {strides = array<i32>} : memref<2x64xi32, #tpu.memory_space<vmem>>, vector<16xi32>,
    tpu.vector_store %arg7[%swap3A_216, %swap3A_217], %add3A_214 {strides = array<i32>} : memref<2x64xi32, #tpu.memory_space<vmem>>, vector<16xi32>,
    %get3A_219 = arith.constant 16 : index
    %get3A_220 = tpu.vector_load %arg5[%get3A_219] {strides = array<i32>} : memref<10048xi32, #tpu.memory_space<vmem>>, vector<16xi32>,
    %add3A_221 = vector.broadcast %mul3A_169 : i32 to vector<16xi32>
    %add3A_222 = arith.addi %get3A_220, %add3A_221 : vector<16xi32>
    %swap3A_223 = arith.constant 0 : i32
    %swap3A_224 = arith.index_cast %swap3A_223 : i32 to index
    %swap3A_225 = arith.constant 16 : index
    %swap3A_226 = tpu.vector_load %arg7[%swap3A_224, %swap3A_225] {strides = array<i32>} : memref<2x64xi32, #tpu.memory_space<vmem>>, vector<16xi32>,
    tpu.vector_store %arg7[%swap3A_224, %swap3A_225], %add3A_222 {strides = array<i32>} : memref<2x64xi32, #tpu.memory_space<vmem>>, vector<16xi32>,
    %get3A_227 = arith.constant 32 : index
    %get3A_228 = tpu.vector_load %arg5[%get3A_227] {strides = array<i32>} : memref<10048xi32, #tpu.memory_space<vmem>>, vector<16xi32>,
    %add3A_229 = vector.broadcast %mul3A_169 : i32 to vector<16xi32>
    %add3A_230 = arith.addi %get3A_228, %add3A_229 : vector<16xi32>
    %swap3A_231 = arith.constant 0 : i32
    %swap3A_232 = arith.index_cast %swap3A_231 : i32 to index
    %swap3A_233 = arith.constant 32 : index
    %swap3A_234 = tpu.vector_load %arg7[%swap3A_232, %swap3A_233] {strides = array<i32>} : memref<2x64xi32, #tpu.memory_space<vmem>>, vector<16xi32>,
    tpu.vector_store %arg7[%swap3A_232, %swap3A_233], %add3A_230 {strides = array<i32>} : memref<2x64xi32, #tpu.memory_space<vmem>>, vector<16xi32>,
    %get3A_235 = arith.constant 48 : index
    %get3A_236 = tpu.vector_load %arg5[%get3A_235] {strides = array<i32>} : memref<10048xi32, #tpu.memory_space<vmem>>, vector<16xi32>,
    %add3A_237 = vector.broadcast %mul3A_169 : i32 to vector<16xi32>
    %add3A_238 = arith.addi %get3A_236, %add3A_237 : vector<16xi32>
    %swap3A_239 = arith.constant 0 : i32
    %swap3A_240 = arith.index_cast %swap3A_239 : i32 to index
    %swap3A_241 = arith.constant 48 : index
    %swap3A_242 = tpu.vector_load %arg7[%swap3A_240, %swap3A_241] {strides = array<i32>} : memref<2x64xi32, #tpu.memory_space<vmem>>, vector<16xi32>,
    tpu.vector_store %arg7[%swap3A_240, %swap3A_241], %add3A_238 {strides = array<i32>} : memref<2x64xi32, #tpu.memory_space<vmem>>, vector<16xi32>,
    %dma_start3A_243 = arith.constant 0 : i32
    %dma_start3A_244 = arith.constant 0 : i32
    %dma_start3A_245 = arith.constant 0 : i32
    %dma_start3A_246 = arith.constant 0 : i32
    %dma_start3A_247 = tpu.memref_slice %arg10[%dma_start3A_244, %dma_start3A_245, %dma_start3A_246] : memref<2x64x128xf32, #tpu.memory_space<vmem>> -> memref<1x64x128xf32, #tpu.memory_space<vmem>>
    %dma_start3A_248 = tpu.memref_squeeze %dma_start3A_247 : memref<1x64x128xf32, #tpu.memory_space<vmem>> -> memref<64x128xf32, #tpu.memory_space<vmem>>
    %dma_start3A_249 = arith.constant 0 : i32
    %dma_start3A_250 = tpu.memref_slice %arg7[%dma_start3A_243, %dma_start3A_249] : memref<2x64xi32, #tpu.memory_space<vmem>> -> memref<1x64xi32, #tpu.memory_space<vmem>>
    %dma_start3A_251 = tpu.memref_squeeze %dma_start3A_250 : memref<1x64xi32, #tpu.memory_space<vmem>> -> memref<64xi32, #tpu.memory_space<vmem>>
    %dma_start3A_252 = arith.constant 0 : i32
    %dma_start3A_253 = arith.constant 0 : i32
    %dma_start3A_254 = tpu.memref_slice %arg2[%dma_start3A_252, %dma_start3A_253] : memref<40960x128xf32, #tpu.memory_space<hbm>> -> memref<40960x128xf32, #tpu.memory_space<hbm>>
    tpu.enqueue_indirect_dma source(%dma_start3A_254 : memref<40960x128xf32, #tpu.memory_space<hbm>>) target(%dma_start3A_248 : memref<64x128xf32, #tpu.memory_space<vmem>>) offsets(%dma_start3A_251 : memref<64xi32, #tpu.memory_space<vmem>>) semaphore(%arg11 : memref<!tpu.dma_semaphore, #tpu.memory_space<semaphore_mem>>)
    %scan3A_255 = arith.constant 0 : i32
    %scan3A_256 = arith.constant 0 : i32
    %scan3A_257 = arith.constant 78 : i32
    %scan3A_258 = arith.addi %scan3A_256, %scan3A_257 : i32
    %scan3A_259 = arith.constant 1 : i32
    scf.for %scan3A_311 = %scan3A_256 to %scan3A_258 step %scan3A_259  : i32 {
      %mul3A_312 = arith.constant 2 : i32
      %mul3A_313 = arith.muli %mul3A_312, %scan3A_311 : i32
      %add3A_314 = arith.constant 1 : i32
      %add3A_315 = arith.addi %mul3A_313, %add3A_314 : i32
      %mul3A_316 = arith.constant 64 : i32
      %mul3A_317 = arith.muli %add3A_315, %mul3A_316 : i32
      %add3A_318 = arith.constant 0 : i32
      %add3A_319 = arith.addi %mul3A_317, %add3A_318 : i32
      %get3A_320 = arith.index_cast %add3A_319 : i32 to index
      %get3A_321 = tpu.vector_load %arg5[%get3A_320] {strides = array<i32>} : memref<10048xi32, #tpu.memory_space<vmem>>, vector<16xi32>,
      %add3A_322 = vector.broadcast %mul3A_169 : i32 to vector<16xi32>
      %add3A_323 = arith.addi %get3A_321, %add3A_322 : vector<16xi32>
      %swap3A_324 = arith.constant 1 : i32
      %swap3A_325 = arith.index_cast %swap3A_324 : i32 to index
      %swap3A_326 = arith.constant 0 : index
      %swap3A_327 = tpu.vector_load %arg7[%swap3A_325, %swap3A_326] {strides = array<i32>} : memref<2x64xi32, #tpu.memory_space<vmem>>, vector<16xi32>,
      tpu.vector_store %arg7[%swap3A_325, %swap3A_326], %add3A_323 {strides = array<i32>} : memref<2x64xi32, #tpu.memory_space<vmem>>, vector<16xi32>,
      %mul3A_328 = arith.constant 64 : i32
      %mul3A_329 = arith.muli %add3A_315, %mul3A_328 : i32
      %add3A_330 = arith.constant 16 : i32
      %add3A_331 = arith.addi %mul3A_329, %add3A_330 : i32
      %get3A_332 = arith.index_cast %add3A_331 : i32 to index
      %get3A_333 = tpu.vector_load %arg5[%get3A_332] {strides = array<i32>} : memref<10048xi32, #tpu.memory_space<vmem>>, vector<16xi32>,
      %add3A_334 = vector.broadcast %mul3A_169 : i32 to vector<16xi32>
      %add3A_335 = arith.addi %get3A_333, %add3A_334 : vector<16xi32>
      %swap3A_336 = arith.constant 1 : i32
      %swap3A_337 = arith.index_cast %swap3A_336 : i32 to index
      %swap3A_338 = arith.constant 16 : index
      %swap3A_339 = tpu.vector_load %arg7[%swap3A_337, %swap3A_338] {strides = array<i32>} : memref<2x64xi32, #tpu.memory_space<vmem>>, vector<16xi32>,
      tpu.vector_store %arg7[%swap3A_337, %swap3A_338], %add3A_335 {strides = array<i32>} : memref<2x64xi32, #tpu.memory_space<vmem>>, vector<16xi32>,
      %mul3A_340 = arith.constant 64 : i32
      %mul3A_341 = arith.muli %add3A_315, %mul3A_340 : i32
      %add3A_342 = arith.constant 32 : i32
      %add3A_343 = arith.addi %mul3A_341, %add3A_342 : i32
      %get3A_344 = arith.index_cast %add3A_343 : i32 to index
      %get3A_345 = tpu.vector_load %arg5[%get3A_344] {strides = array<i32>} : memref<10048xi32, #tpu.memory_space<vmem>>, vector<16xi32>,
      %add3A_346 = vector.broadcast %mul3A_169 : i32 to vector<16xi32>
      %add3A_347 = arith.addi %get3A_345, %add3A_346 : vector<16xi32>
      %swap3A_348 = arith.constant 1 : i32
      %swap3A_349 = arith.index_cast %swap3A_348 : i32 to index
      %swap3A_350 = arith.constant 32 : index
      %swap3A_351 = tpu.vector_load %arg7[%swap3A_349, %swap3A_350] {strides = array<i32>} : memref<2x64xi32, #tpu.memory_space<vmem>>, vector<16xi32>,
      tpu.vector_store %arg7[%swap3A_349, %swap3A_350], %add3A_347 {strides = array<i32>} : memref<2x64xi32, #tpu.memory_space<vmem>>, vector<16xi32>,
      %mul3A_352 = arith.constant 64 : i32
      %mul3A_353 = arith.muli %add3A_315, %mul3A_352 : i32
      %add3A_354 = arith.constant 48 : i32
      %add3A_355 = arith.addi %mul3A_353, %add3A_354 : i32
      %get3A_356 = arith.index_cast %add3A_355 : i32 to index
      %get3A_357 = tpu.vector_load %arg5[%get3A_356] {strides = array<i32>} : memref<10048xi32, #tpu.memory_space<vmem>>, vector<16xi32>,
      %add3A_358 = vector.broadcast %mul3A_169 : i32 to vector<16xi32>
      %add3A_359 = arith.addi %get3A_357, %add3A_358 : vector<16xi32>
      %swap3A_360 = arith.constant 1 : i32
      %swap3A_361 = arith.index_cast %swap3A_360 : i32 to index
      %swap3A_362 = arith.constant 48 : index
      %swap3A_363 = tpu.vector_load %arg7[%swap3A_361, %swap3A_362] {strides = array<i32>} : memref<2x64xi32, #tpu.memory_space<vmem>>, vector<16xi32>,
      tpu.vector_store %arg7[%swap3A_361, %swap3A_362], %add3A_359 {strides = array<i32>} : memref<2x64xi32, #tpu.memory_space<vmem>>, vector<16xi32>,
      %dma_start3A_364 = arith.constant 1 : i32
      %dma_start3A_365 = arith.constant 1 : i32
      %dma_start3A_366 = arith.constant 0 : i32
      %dma_start3A_367 = arith.constant 0 : i32
      %dma_start3A_368 = tpu.memref_slice %arg10[%dma_start3A_365, %dma_start3A_366, %dma_start3A_367] : memref<2x64x128xf32, #tpu.memory_space<vmem>> -> memref<1x64x128xf32, #tpu.memory_space<vmem>>
      %dma_start3A_369 = tpu.memref_squeeze %dma_start3A_368 : memref<1x64x128xf32, #tpu.memory_space<vmem>> -> memref<64x128xf32, #tpu.memory_space<vmem>>
      %dma_start3A_370 = arith.constant 0 : i32
      %dma_start3A_371 = tpu.memref_slice %arg7[%dma_start3A_364, %dma_start3A_370] : memref<2x64xi32, #tpu.memory_space<vmem>> -> memref<1x64xi32, #tpu.memory_space<vmem>>
      %dma_start3A_372 = tpu.memref_squeeze %dma_start3A_371 : memref<1x64xi32, #tpu.memory_space<vmem>> -> memref<64xi32, #tpu.memory_space<vmem>>
      %dma_start3A_373 = arith.constant 0 : i32
      %dma_start3A_374 = arith.constant 0 : i32
      %dma_start3A_375 = tpu.memref_slice %arg2[%dma_start3A_373, %dma_start3A_374] : memref<40960x128xf32, #tpu.memory_space<hbm>> -> memref<40960x128xf32, #tpu.memory_space<hbm>>
      tpu.enqueue_indirect_dma source(%dma_start3A_375 : memref<40960x128xf32, #tpu.memory_space<hbm>>) target(%dma_start3A_369 : memref<64x128xf32, #tpu.memory_space<vmem>>) offsets(%dma_start3A_372 : memref<64xi32, #tpu.memory_space<vmem>>) semaphore(%arg12 : memref<!tpu.dma_semaphore, #tpu.memory_space<semaphore_mem>>)
      %dma_wait3A_376 = arith.constant 0 : i32
      %dma_wait3A_377 = arith.constant 0 : i32
      %dma_wait3A_378 = arith.constant 0 : i32
      %dma_wait3A_379 = arith.constant 0 : i32
      %dma_wait3A_380 = tpu.memref_slice %arg10[%dma_wait3A_377, %dma_wait3A_378, %dma_wait3A_379] : memref<2x64x128xf32, #tpu.memory_space<vmem>> -> memref<1x64x128xf32, #tpu.memory_space<vmem>>
      %dma_wait3A_381 = tpu.memref_squeeze %dma_wait3A_380 : memref<1x64x128xf32, #tpu.memory_space<vmem>> -> memref<64x128xf32, #tpu.memory_space<vmem>>
      %dma_wait3A_382 = arith.constant 0 : i32
      %dma_wait3A_383 = tpu.memref_slice %arg7[%dma_wait3A_376, %dma_wait3A_382] : memref<2x64xi32, #tpu.memory_space<vmem>> -> memref<1x64xi32, #tpu.memory_space<vmem>>
      %dma_wait3A_384 = tpu.memref_squeeze %dma_wait3A_383 : memref<1x64xi32, #tpu.memory_space<vmem>> -> memref<64xi32, #tpu.memory_space<vmem>>
      %dma_wait3A_385 = arith.constant 0 : i32
      %dma_wait3A_386 = arith.constant 0 : i32
      %dma_wait3A_387 = tpu.memref_slice %arg2[%dma_wait3A_385, %dma_wait3A_386] : memref<40960x128xf32, #tpu.memory_space<hbm>> -> memref<40960x128xf32, #tpu.memory_space<hbm>>
      tpu.wait_indirect_dma semaphore(%arg11 : memref<!tpu.dma_semaphore, #tpu.memory_space<semaphore_mem>>) src(%dma_wait3A_387 : memref<40960x128xf32, #tpu.memory_space<hbm>>) dst(%dma_wait3A_381 : memref<64x128xf32, #tpu.memory_space<vmem>>)
      %mul3A_388 = arith.constant 64 : i32
      %mul3A_389 = arith.muli %mul3A_313, %mul3A_388 : i32
      %add3A_390 = arith.constant 0 : i32
      %add3A_391 = arith.addi %mul3A_389, %add3A_390 : i32
      %get3A_392 = arith.index_cast %add3A_391 : i32 to index
      %get3A_393 = tpu.vector_load %arg6[%get3A_392] {strides = array<i32>} : memref<10048xi32, #tpu.memory_space<vmem>>, vector<16xi32>,
      %swap3A_394 = arith.constant 0 : i32
      %swap3A_395 = arith.index_cast %swap3A_394 : i32 to index
      %swap3A_396 = arith.constant 0 : index
      %swap3A_397 = tpu.vector_load %arg8[%swap3A_395, %swap3A_396] {strides = array<i32>} : memref<2x64xi32, #tpu.memory_space<vmem>>, vector<16xi32>,
      tpu.vector_store %arg8[%swap3A_395, %swap3A_396], %get3A_393 {strides = array<i32>} : memref<2x64xi32, #tpu.memory_space<vmem>>, vector<16xi32>,
      %mul3A_398 = arith.constant 64 : i32
      %mul3A_399 = arith.muli %mul3A_313, %mul3A_398 : i32
      %add3A_400 = arith.constant 16 : i32
      %add3A_401 = arith.addi %mul3A_399, %add3A_400 : i32
      %get3A_402 = arith.index_cast %add3A_401 : i32 to index
      %get3A_403 = tpu.vector_load %arg6[%get3A_402] {strides = array<i32>} : memref<10048xi32, #tpu.memory_space<vmem>>, vector<16xi32>,
      %swap3A_404 = arith.constant 0 : i32
      %swap3A_405 = arith.index_cast %swap3A_404 : i32 to index
      %swap3A_406 = arith.constant 16 : index
      %swap3A_407 = tpu.vector_load %arg8[%swap3A_405, %swap3A_406] {strides = array<i32>} : memref<2x64xi32, #tpu.memory_space<vmem>>, vector<16xi32>,
      tpu.vector_store %arg8[%swap3A_405, %swap3A_406], %get3A_403 {strides = array<i32>} : memref<2x64xi32, #tpu.memory_space<vmem>>, vector<16xi32>,
      %mul3A_408 = arith.constant 64 : i32
      %mul3A_409 = arith.muli %mul3A_313, %mul3A_408 : i32
      %add3A_410 = arith.constant 32 : i32
      %add3A_411 = arith.addi %mul3A_409, %add3A_410 : i32
      %get3A_412 = arith.index_cast %add3A_411 : i32 to index
      %get3A_413 = tpu.vector_load %arg6[%get3A_412] {strides = array<i32>} : memref<10048xi32, #tpu.memory_space<vmem>>, vector<16xi32>,
      %swap3A_414 = arith.constant 0 : i32
      %swap3A_415 = arith.index_cast %swap3A_414 : i32 to index
      %swap3A_416 = arith.constant 32 : index
      %swap3A_417 = tpu.vector_load %arg8[%swap3A_415, %swap3A_416] {strides = array<i32>} : memref<2x64xi32, #tpu.memory_space<vmem>>, vector<16xi32>,
      tpu.vector_store %arg8[%swap3A_415, %swap3A_416], %get3A_413 {strides = array<i32>} : memref<2x64xi32, #tpu.memory_space<vmem>>, vector<16xi32>,
      %mul3A_418 = arith.constant 64 : i32
      %mul3A_419 = arith.muli %mul3A_313, %mul3A_418 : i32
      %add3A_420 = arith.constant 48 : i32
      %add3A_421 = arith.addi %mul3A_419, %add3A_420 : i32
      %get3A_422 = arith.index_cast %add3A_421 : i32 to index
      %get3A_423 = tpu.vector_load %arg6[%get3A_422] {strides = array<i32>} : memref<10048xi32, #tpu.memory_space<vmem>>, vector<16xi32>,
      %swap3A_424 = arith.constant 0 : i32
      %swap3A_425 = arith.index_cast %swap3A_424 : i32 to index
      %swap3A_426 = arith.constant 48 : index
      %swap3A_427 = tpu.vector_load %arg8[%swap3A_425, %swap3A_426] {strides = array<i32>} : memref<2x64xi32, #tpu.memory_space<vmem>>, vector<16xi32>,
      tpu.vector_store %arg8[%swap3A_425, %swap3A_426], %get3A_423 {strides = array<i32>} : memref<2x64xi32, #tpu.memory_space<vmem>>, vector<16xi32>,
      %run_scoped3A_428 = arith.constant 0 : i32
      %run_scoped3A_429 = arith.constant 0 : i32
      "tpu.region"() ({
        %run_scoped3A_546 = tpu.sem_alloc : memref<!tpu.dma_semaphore, #tpu.memory_space<semaphore_mem>>
        %dma_start3A_547 = arith.constant 0 : i32
        %dma_start3A_548 = arith.constant 0 : i32
        %dma_start3A_549 = tpu.memref_slice %arg10[%run_scoped3A_428, %dma_start3A_547, %dma_start3A_548] : memref<2x64x128xf32, #tpu.memory_space<vmem>> -> memref<1x64x128xf32, #tpu.memory_space<vmem>>
        %dma_start3A_550 = tpu.memref_squeeze %dma_start3A_549 : memref<1x64x128xf32, #tpu.memory_space<vmem>> -> memref<64x128xf32, #tpu.memory_space<vmem>>
        %dma_start3A_551 = arith.constant 0 : i32
        %dma_start3A_552 = tpu.memref_slice %arg8[%run_scoped3A_429, %dma_start3A_551] : memref<2x64xi32, #tpu.memory_space<vmem>> -> memref<1x64xi32, #tpu.memory_space<vmem>>
        %dma_start3A_553 = tpu.memref_squeeze %dma_start3A_552 : memref<1x64xi32, #tpu.memory_space<vmem>> -> memref<64xi32, #tpu.memory_space<vmem>>
        %dma_start3A_554 = arith.constant 0 : i32
        %dma_start3A_555 = arith.constant 0 : i32
        %dma_start3A_556 = tpu.memref_slice %arg13[%dma_start3A_554, %dma_start3A_555] : memref<10000x128xf32, #tpu.memory_space<vmem_shared>> -> memref<10000x128xf32, #tpu.memory_space<vmem_shared>>
        tpu.enqueue_indirect_dma source(%dma_start3A_550 : memref<64x128xf32, #tpu.memory_space<vmem>>) target(%dma_start3A_556 : memref<10000x128xf32, #tpu.memory_space<vmem_shared>>) offsets(%dma_start3A_553 : memref<64xi32, #tpu.memory_space<vmem>>) semaphore(%run_scoped3A_546 : memref<!tpu.dma_semaphore, #tpu.memory_space<semaphore_mem>>) {add = true}
        %dma_wait3A_557 = arith.constant 0 : i32
        %dma_wait3A_558 = arith.constant 0 : i32
        %dma_wait3A_559 = tpu.memref_slice %arg10[%run_scoped3A_428, %dma_wait3A_557, %dma_wait3A_558] : memref<2x64x128xf32, #tpu.memory_space<vmem>> -> memref<1x64x128xf32, #tpu.memory_space<vmem>>
        %dma_wait3A_560 = tpu.memref_squeeze %dma_wait3A_559 : memref<1x64x128xf32, #tpu.memory_space<vmem>> -> memref<64x128xf32, #tpu.memory_space<vmem>>
        %dma_wait3A_561 = arith.constant 0 : i32
        %dma_wait3A_562 = tpu.memref_slice %arg8[%run_scoped3A_429, %dma_wait3A_561] : memref<2x64xi32, #tpu.memory_space<vmem>> -> memref<1x64xi32, #tpu.memory_space<vmem>>
        %dma_wait3A_563 = tpu.memref_squeeze %dma_wait3A_562 : memref<1x64xi32, #tpu.memory_space<vmem>> -> memref<64xi32, #tpu.memory_space<vmem>>
        %dma_wait3A_564 = arith.constant 0 : i32
        %dma_wait3A_565 = arith.constant 0 : i32
        %dma_wait3A_566 = tpu.memref_slice %arg13[%dma_wait3A_564, %dma_wait3A_565] : memref<10000x128xf32, #tpu.memory_space<vmem_shared>> -> memref<10000x128xf32, #tpu.memory_space<vmem_shared>>
        tpu.wait_indirect_dma semaphore(%run_scoped3A_546 : memref<!tpu.dma_semaphore, #tpu.memory_space<semaphore_mem>>) src(%dma_wait3A_560 : memref<64x128xf32, #tpu.memory_space<vmem>>) dst(%dma_wait3A_566 : memref<10000x128xf32, #tpu.memory_space<vmem_shared>>)
        tpu.yield
      }) : () -> ()
      %add3A_430 = arith.constant 2 : i32
      %add3A_431 = arith.addi %mul3A_313, %add3A_430 : i32
      %mul3A_432 = arith.constant 64 : i32
      %mul3A_433 = arith.muli %add3A_431, %mul3A_432 : i32
      %add3A_434 = arith.constant 0 : i32
      %add3A_435 = arith.addi %mul3A_433, %add3A_434 : i32
      %get3A_436 = arith.index_cast %add3A_435 : i32 to index
      %get3A_437 = tpu.vector_load %arg5[%get3A_436] {strides = array<i32>} : memref<10048xi32, #tpu.memory_space<vmem>>, vector<16xi32>,
      %add3A_438 = vector.broadcast %mul3A_169 : i32 to vector<16xi32>
      %add3A_439 = arith.addi %get3A_437, %add3A_438 : vector<16xi32>
      %swap3A_440 = arith.constant 0 : i32
      %swap3A_441 = arith.index_cast %swap3A_440 : i32 to index
      %swap3A_442 = arith.constant 0 : index
      %swap3A_443 = tpu.vector_load %arg7[%swap3A_441, %swap3A_442] {strides = array<i32>} : memref<2x64xi32, #tpu.memory_space<vmem>>, vector<16xi32>,
      tpu.vector_store %arg7[%swap3A_441, %swap3A_442], %add3A_439 {strides = array<i32>} : memref<2x64xi32, #tpu.memory_space<vmem>>, vector<16xi32>,
      %mul3A_444 = arith.constant 64 : i32
      %mul3A_445 = arith.muli %add3A_431, %mul3A_444 : i32
      %add3A_446 = arith.constant 16 : i32
      %add3A_447 = arith.addi %mul3A_445, %add3A_446 : i32
      %get3A_448 = arith.index_cast %add3A_447 : i32 to index
      %get3A_449 = tpu.vector_load %arg5[%get3A_448] {strides = array<i32>} : memref<10048xi32, #tpu.memory_space<vmem>>, vector<16xi32>,
      %add3A_450 = vector.broadcast %mul3A_169 : i32 to vector<16xi32>
      %add3A_451 = arith.addi %get3A_449, %add3A_450 : vector<16xi32>
      %swap3A_452 = arith.constant 0 : i32
      %swap3A_453 = arith.index_cast %swap3A_452 : i32 to index
      %swap3A_454 = arith.constant 16 : index
      %swap3A_455 = tpu.vector_load %arg7[%swap3A_453, %swap3A_454] {strides = array<i32>} : memref<2x64xi32, #tpu.memory_space<vmem>>, vector<16xi32>,
      tpu.vector_store %arg7[%swap3A_453, %swap3A_454], %add3A_451 {strides = array<i32>} : memref<2x64xi32, #tpu.memory_space<vmem>>, vector<16xi32>,
      %mul3A_456 = arith.constant 64 : i32
      %mul3A_457 = arith.muli %add3A_431, %mul3A_456 : i32
      %add3A_458 = arith.constant 32 : i32
      %add3A_459 = arith.addi %mul3A_457, %add3A_458 : i32
      %get3A_460 = arith.index_cast %add3A_459 : i32 to index
      %get3A_461 = tpu.vector_load %arg5[%get3A_460] {strides = array<i32>} : memref<10048xi32, #tpu.memory_space<vmem>>, vector<16xi32>,
      %add3A_462 = vector.broadcast %mul3A_169 : i32 to vector<16xi32>
      %add3A_463 = arith.addi %get3A_461, %add3A_462 : vector<16xi32>
      %swap3A_464 = arith.constant 0 : i32
      %swap3A_465 = arith.index_cast %swap3A_464 : i32 to index
      %swap3A_466 = arith.constant 32 : index
      %swap3A_467 = tpu.vector_load %arg7[%swap3A_465, %swap3A_466] {strides = array<i32>} : memref<2x64xi32, #tpu.memory_space<vmem>>, vector<16xi32>,
      tpu.vector_store %arg7[%swap3A_465, %swap3A_466], %add3A_463 {strides = array<i32>} : memref<2x64xi32, #tpu.memory_space<vmem>>, vector<16xi32>,
      %mul3A_468 = arith.constant 64 : i32
      %mul3A_469 = arith.muli %add3A_431, %mul3A_468 : i32
      %add3A_470 = arith.constant 48 : i32
      %add3A_471 = arith.addi %mul3A_469, %add3A_470 : i32
      %get3A_472 = arith.index_cast %add3A_471 : i32 to index
      %get3A_473 = tpu.vector_load %arg5[%get3A_472] {strides = array<i32>} : memref<10048xi32, #tpu.memory_space<vmem>>, vector<16xi32>,
      %add3A_474 = vector.broadcast %mul3A_169 : i32 to vector<16xi32>
      %add3A_475 = arith.addi %get3A_473, %add3A_474 : vector<16xi32>
      %swap3A_476 = arith.constant 0 : i32
      %swap3A_477 = arith.index_cast %swap3A_476 : i32 to index
      %swap3A_478 = arith.constant 48 : index
      %swap3A_479 = tpu.vector_load %arg7[%swap3A_477, %swap3A_478] {strides = array<i32>} : memref<2x64xi32, #tpu.memory_space<vmem>>, vector<16xi32>,
      tpu.vector_store %arg7[%swap3A_477, %swap3A_478], %add3A_475 {strides = array<i32>} : memref<2x64xi32, #tpu.memory_space<vmem>>, vector<16xi32>,
      %dma_start3A_480 = arith.constant 0 : i32
      %dma_start3A_481 = arith.constant 0 : i32
      %dma_start3A_482 = arith.constant 0 : i32
      %dma_start3A_483 = arith.constant 0 : i32
      %dma_start3A_484 = tpu.memref_slice %arg10[%dma_start3A_481, %dma_start3A_482, %dma_start3A_483] : memref<2x64x128xf32, #tpu.memory_space<vmem>> -> memref<1x64x128xf32, #tpu.memory_space<vmem>>
      %dma_start3A_485 = tpu.memref_squeeze %dma_start3A_484 : memref<1x64x128xf32, #tpu.memory_space<vmem>> -> memref<64x128xf32, #tpu.memory_space<vmem>>
      %dma_start3A_486 = arith.constant 0 : i32
      %dma_start3A_487 = tpu.memref_slice %arg7[%dma_start3A_480, %dma_start3A_486] : memref<2x64xi32, #tpu.memory_space<vmem>> -> memref<1x64xi32, #tpu.memory_space<vmem>>
      %dma_start3A_488 = tpu.memref_squeeze %dma_start3A_487 : memref<1x64xi32, #tpu.memory_space<vmem>> -> memref<64xi32, #tpu.memory_space<vmem>>
      %dma_start3A_489 = arith.constant 0 : i32
      %dma_start3A_490 = arith.constant 0 : i32
      %dma_start3A_491 = tpu.memref_slice %arg2[%dma_start3A_489, %dma_start3A_490] : memref<40960x128xf32, #tpu.memory_space<hbm>> -> memref<40960x128xf32, #tpu.memory_space<hbm>>
      tpu.enqueue_indirect_dma source(%dma_start3A_491 : memref<40960x128xf32, #tpu.memory_space<hbm>>) target(%dma_start3A_485 : memref<64x128xf32, #tpu.memory_space<vmem>>) offsets(%dma_start3A_488 : memref<64xi32, #tpu.memory_space<vmem>>) semaphore(%arg11 : memref<!tpu.dma_semaphore, #tpu.memory_space<semaphore_mem>>)
      %dma_wait3A_492 = arith.constant 1 : i32
      %dma_wait3A_493 = arith.constant 1 : i32
      %dma_wait3A_494 = arith.constant 0 : i32
      %dma_wait3A_495 = arith.constant 0 : i32
      %dma_wait3A_496 = tpu.memref_slice %arg10[%dma_wait3A_493, %dma_wait3A_494, %dma_wait3A_495] : memref<2x64x128xf32, #tpu.memory_space<vmem>> -> memref<1x64x128xf32, #tpu.memory_space<vmem>>
      %dma_wait3A_497 = tpu.memref_squeeze %dma_wait3A_496 : memref<1x64x128xf32, #tpu.memory_space<vmem>> -> memref<64x128xf32, #tpu.memory_space<vmem>>
      %dma_wait3A_498 = arith.constant 0 : i32
      %dma_wait3A_499 = tpu.memref_slice %arg7[%dma_wait3A_492, %dma_wait3A_498] : memref<2x64xi32, #tpu.memory_space<vmem>> -> memref<1x64xi32, #tpu.memory_space<vmem>>
      %dma_wait3A_500 = tpu.memref_squeeze %dma_wait3A_499 : memref<1x64xi32, #tpu.memory_space<vmem>> -> memref<64xi32, #tpu.memory_space<vmem>>
      %dma_wait3A_501 = arith.constant 0 : i32
      %dma_wait3A_502 = arith.constant 0 : i32
      %dma_wait3A_503 = tpu.memref_slice %arg2[%dma_wait3A_501, %dma_wait3A_502] : memref<40960x128xf32, #tpu.memory_space<hbm>> -> memref<40960x128xf32, #tpu.memory_space<hbm>>
      tpu.wait_indirect_dma semaphore(%arg12 : memref<!tpu.dma_semaphore, #tpu.memory_space<semaphore_mem>>) src(%dma_wait3A_503 : memref<40960x128xf32, #tpu.memory_space<hbm>>) dst(%dma_wait3A_497 : memref<64x128xf32, #tpu.memory_space<vmem>>)
      %mul3A_504 = arith.constant 64 : i32
      %mul3A_505 = arith.muli %add3A_315, %mul3A_504 : i32
      %add3A_506 = arith.constant 0 : i32
      %add3A_507 = arith.addi %mul3A_505, %add3A_506 : i32
      %get3A_508 = arith.index_cast %add3A_507 : i32 to index
      %get3A_509 = tpu.vector_load %arg6[%get3A_508] {strides = array<i32>} : memref<10048xi32, #tpu.memory_space<vmem>>, vector<16xi32>,
      %swap3A_510 = arith.constant 1 : i32
      %swap3A_511 = arith.index_cast %swap3A_510 : i32 to index
      %swap3A_512 = arith.constant 0 : index
      %swap3A_513 = tpu.vector_load %arg8[%swap3A_511, %swap3A_512] {strides = array<i32>} : memref<2x64xi32, #tpu.memory_space<vmem>>, vector<16xi32>,
      tpu.vector_store %arg8[%swap3A_511, %swap3A_512], %get3A_509 {strides = array<i32>} : memref<2x64xi32, #tpu.memory_space<vmem>>, vector<16xi32>,
      %mul3A_514 = arith.constant 64 : i32
      %mul3A_515 = arith.muli %add3A_315, %mul3A_514 : i32
      %add3A_516 = arith.constant 16 : i32
      %add3A_517 = arith.addi %mul3A_515, %add3A_516 : i32
      %get3A_518 = arith.index_cast %add3A_517 : i32 to index
      %get3A_519 = tpu.vector_load %arg6[%get3A_518] {strides = array<i32>} : memref<10048xi32, #tpu.memory_space<vmem>>, vector<16xi32>,
      %swap3A_520 = arith.constant 1 : i32
      %swap3A_521 = arith.index_cast %swap3A_520 : i32 to index
      %swap3A_522 = arith.constant 16 : index
      %swap3A_523 = tpu.vector_load %arg8[%swap3A_521, %swap3A_522] {strides = array<i32>} : memref<2x64xi32, #tpu.memory_space<vmem>>, vector<16xi32>,
      tpu.vector_store %arg8[%swap3A_521, %swap3A_522], %get3A_519 {strides = array<i32>} : memref<2x64xi32, #tpu.memory_space<vmem>>, vector<16xi32>,
      %mul3A_524 = arith.constant 64 : i32
      %mul3A_525 = arith.muli %add3A_315, %mul3A_524 : i32
      %add3A_526 = arith.constant 32 : i32
      %add3A_527 = arith.addi %mul3A_525, %add3A_526 : i32
      %get3A_528 = arith.index_cast %add3A_527 : i32 to index
      %get3A_529 = tpu.vector_load %arg6[%get3A_528] {strides = array<i32>} : memref<10048xi32, #tpu.memory_space<vmem>>, vector<16xi32>,
      %swap3A_530 = arith.constant 1 : i32
      %swap3A_531 = arith.index_cast %swap3A_530 : i32 to index
      %swap3A_532 = arith.constant 32 : index
      %swap3A_533 = tpu.vector_load %arg8[%swap3A_531, %swap3A_532] {strides = array<i32>} : memref<2x64xi32, #tpu.memory_space<vmem>>, vector<16xi32>,
      tpu.vector_store %arg8[%swap3A_531, %swap3A_532], %get3A_529 {strides = array<i32>} : memref<2x64xi32, #tpu.memory_space<vmem>>, vector<16xi32>,
      %mul3A_534 = arith.constant 64 : i32
      %mul3A_535 = arith.muli %add3A_315, %mul3A_534 : i32
      %add3A_536 = arith.constant 48 : i32
      %add3A_537 = arith.addi %mul3A_535, %add3A_536 : i32
      %get3A_538 = arith.index_cast %add3A_537 : i32 to index
      %get3A_539 = tpu.vector_load %arg6[%get3A_538] {strides = array<i32>} : memref<10048xi32, #tpu.memory_space<vmem>>, vector<16xi32>,
      %swap3A_540 = arith.constant 1 : i32
      %swap3A_541 = arith.index_cast %swap3A_540 : i32 to index
      %swap3A_542 = arith.constant 48 : index
      %swap3A_543 = tpu.vector_load %arg8[%swap3A_541, %swap3A_542] {strides = array<i32>} : memref<2x64xi32, #tpu.memory_space<vmem>>, vector<16xi32>,
      tpu.vector_store %arg8[%swap3A_541, %swap3A_542], %get3A_539 {strides = array<i32>} : memref<2x64xi32, #tpu.memory_space<vmem>>, vector<16xi32>,
      %run_scoped3A_544 = arith.constant 1 : i32
      %run_scoped3A_545 = arith.constant 1 : i32
      "tpu.region"() ({
        %run_scoped3A_546 = tpu.sem_alloc : memref<!tpu.dma_semaphore, #tpu.memory_space<semaphore_mem>>
        %dma_start3A_547 = arith.constant 0 : i32
        %dma_start3A_548 = arith.constant 0 : i32
        %dma_start3A_549 = tpu.memref_slice %arg10[%run_scoped3A_544, %dma_start3A_547, %dma_start3A_548] : memref<2x64x128xf32, #tpu.memory_space<vmem>> -> memref<1x64x128xf32, #tpu.memory_space<vmem>>
        %dma_start3A_550 = tpu.memref_squeeze %dma_start3A_549 : memref<1x64x128xf32, #tpu.memory_space<vmem>> -> memref<64x128xf32, #tpu.memory_space<vmem>>
        %dma_start3A_551 = arith.constant 0 : i32
        %dma_start3A_552 = tpu.memref_slice %arg8[%run_scoped3A_545, %dma_start3A_551] : memref<2x64xi32, #tpu.memory_space<vmem>> -> memref<1x64xi32, #tpu.memory_space<vmem>>
        %dma_start3A_553 = tpu.memref_squeeze %dma_start3A_552 : memref<1x64xi32, #tpu.memory_space<vmem>> -> memref<64xi32, #tpu.memory_space<vmem>>
        %dma_start3A_554 = arith.constant 0 : i32
        %dma_start3A_555 = arith.constant 0 : i32
        %dma_start3A_556 = tpu.memref_slice %arg13[%dma_start3A_554, %dma_start3A_555] : memref<10000x128xf32, #tpu.memory_space<vmem_shared>> -> memref<10000x128xf32, #tpu.memory_space<vmem_shared>>
        tpu.enqueue_indirect_dma source(%dma_start3A_550 : memref<64x128xf32, #tpu.memory_space<vmem>>) target(%dma_start3A_556 : memref<10000x128xf32, #tpu.memory_space<vmem_shared>>) offsets(%dma_start3A_553 : memref<64xi32, #tpu.memory_space<vmem>>) semaphore(%run_scoped3A_546 : memref<!tpu.dma_semaphore, #tpu.memory_space<semaphore_mem>>) {add = true}
        %dma_wait3A_557 = arith.constant 0 : i32
        %dma_wait3A_558 = arith.constant 0 : i32
        %dma_wait3A_559 = tpu.memref_slice %arg10[%run_scoped3A_544, %dma_wait3A_557, %dma_wait3A_558] : memref<2x64x128xf32, #tpu.memory_space<vmem>> -> memref<1x64x128xf32, #tpu.memory_space<vmem>>
        %dma_wait3A_560 = tpu.memref_squeeze %dma_wait3A_559 : memref<1x64x128xf32, #tpu.memory_space<vmem>> -> memref<64x128xf32, #tpu.memory_space<vmem>>
        %dma_wait3A_561 = arith.constant 0 : i32
        %dma_wait3A_562 = tpu.memref_slice %arg8[%run_scoped3A_545, %dma_wait3A_561] : memref<2x64xi32, #tpu.memory_space<vmem>> -> memref<1x64xi32, #tpu.memory_space<vmem>>
        %dma_wait3A_563 = tpu.memref_squeeze %dma_wait3A_562 : memref<1x64xi32, #tpu.memory_space<vmem>> -> memref<64xi32, #tpu.memory_space<vmem>>
        %dma_wait3A_564 = arith.constant 0 : i32
        %dma_wait3A_565 = arith.constant 0 : i32
        %dma_wait3A_566 = tpu.memref_slice %arg13[%dma_wait3A_564, %dma_wait3A_565] : memref<10000x128xf32, #tpu.memory_space<vmem_shared>> -> memref<10000x128xf32, #tpu.memory_space<vmem_shared>>
        tpu.wait_indirect_dma semaphore(%run_scoped3A_546 : memref<!tpu.dma_semaphore, #tpu.memory_space<semaphore_mem>>) src(%dma_wait3A_560 : memref<64x128xf32, #tpu.memory_space<vmem>>) dst(%dma_wait3A_566 : memref<10000x128xf32, #tpu.memory_space<vmem_shared>>)
        tpu.yield
      }) : () -> ()
    }
    %scan3A_260 = arith.constant 78 : i32
    %dma_wait3A_261 = arith.constant 0 : i32
    %dma_wait3A_262 = arith.constant 0 : i32
    %dma_wait3A_263 = arith.constant 0 : i32
    %dma_wait3A_264 = arith.constant 0 : i32
    %dma_wait3A_265 = tpu.memref_slice %arg10[%dma_wait3A_262, %dma_wait3A_263, %dma_wait3A_264] : memref<2x64x128xf32, #tpu.memory_space<vmem>> -> memref<1x64x128xf32, #tpu.memory_space<vmem>>
    %dma_wait3A_266 = tpu.memref_squeeze %dma_wait3A_265 : memref<1x64x128xf32, #tpu.memory_space<vmem>> -> memref<64x128xf32, #tpu.memory_space<vmem>>
    %dma_wait3A_267 = arith.constant 0 : i32
    %dma_wait3A_268 = tpu.memref_slice %arg7[%dma_wait3A_261, %dma_wait3A_267] : memref<2x64xi32, #tpu.memory_space<vmem>> -> memref<1x64xi32, #tpu.memory_space<vmem>>
    %dma_wait3A_269 = tpu.memref_squeeze %dma_wait3A_268 : memref<1x64xi32, #tpu.memory_space<vmem>> -> memref<64xi32, #tpu.memory_space<vmem>>
    %dma_wait3A_270 = arith.constant 0 : i32
    %dma_wait3A_271 = arith.constant 0 : i32
    %dma_wait3A_272 = tpu.memref_slice %arg2[%dma_wait3A_270, %dma_wait3A_271] : memref<40960x128xf32, #tpu.memory_space<hbm>> -> memref<40960x128xf32, #tpu.memory_space<hbm>>
    tpu.wait_indirect_dma semaphore(%arg11 : memref<!tpu.dma_semaphore, #tpu.memory_space<semaphore_mem>>) src(%dma_wait3A_272 : memref<40960x128xf32, #tpu.memory_space<hbm>>) dst(%dma_wait3A_266 : memref<64x128xf32, #tpu.memory_space<vmem>>)
    %get3A_273 = arith.constant 9984 : index
    %get3A_274 = tpu.vector_load %arg6[%get3A_273] {strides = array<i32>} : memref<10048xi32, #tpu.memory_space<vmem>>, vector<16xi32>,
    %swap3A_275 = arith.constant 0 : i32
    %swap3A_276 = arith.index_cast %swap3A_275 : i32 to index
    %swap3A_277 = arith.constant 0 : index
    %swap3A_278 = tpu.vector_load %arg8[%swap3A_276, %swap3A_277] {strides = array<i32>} : memref<2x64xi32, #tpu.memory_space<vmem>>, vector<16xi32>,
    tpu.vector_store %arg8[%swap3A_276, %swap3A_277], %get3A_274 {strides = array<i32>} : memref<2x64xi32, #tpu.memory_space<vmem>>, vector<16xi32>,
    %get3A_279 = arith.constant 10000 : index
    %get3A_280 = tpu.vector_load %arg6[%get3A_279] {strides = array<i32>} : memref<10048xi32, #tpu.memory_space<vmem>>, vector<16xi32>,
    %swap3A_281 = arith.constant 0 : i32
    %swap3A_282 = arith.index_cast %swap3A_281 : i32 to index
    %swap3A_283 = arith.constant 16 : index
    %swap3A_284 = tpu.vector_load %arg8[%swap3A_282, %swap3A_283] {strides = array<i32>} : memref<2x64xi32, #tpu.memory_space<vmem>>, vector<16xi32>,
    tpu.vector_store %arg8[%swap3A_282, %swap3A_283], %get3A_280 {strides = array<i32>} : memref<2x64xi32, #tpu.memory_space<vmem>>, vector<16xi32>,
    %get3A_285 = arith.constant 10016 : index
    %get3A_286 = tpu.vector_load %arg6[%get3A_285] {strides = array<i32>} : memref<10048xi32, #tpu.memory_space<vmem>>, vector<16xi32>,
    %swap3A_287 = arith.constant 0 : i32
    %swap3A_288 = arith.index_cast %swap3A_287 : i32 to index
    %swap3A_289 = arith.constant 32 : index
    %swap3A_290 = tpu.vector_load %arg8[%swap3A_288, %swap3A_289] {strides = array<i32>} : memref<2x64xi32, #tpu.memory_space<vmem>>, vector<16xi32>,
    tpu.vector_store %arg8[%swap3A_288, %swap3A_289], %get3A_286 {strides = array<i32>} : memref<2x64xi32, #tpu.memory_space<vmem>>, vector<16xi32>,
    %get3A_291 = arith.constant 10032 : index
    %get3A_292 = tpu.vector_load %arg6[%get3A_291] {strides = array<i32>} : memref<10048xi32, #tpu.memory_space<vmem>>, vector<16xi32>,
    %swap3A_293 = arith.constant 0 : i32
    %swap3A_294 = arith.index_cast %swap3A_293 : i32 to index
    %swap3A_295 = arith.constant 48 : index
    %swap3A_296 = tpu.vector_load %arg8[%swap3A_294, %swap3A_295] {strides = array<i32>} : memref<2x64xi32, #tpu.memory_space<vmem>>, vector<16xi32>,
    tpu.vector_store %arg8[%swap3A_294, %swap3A_295], %get3A_292 {strides = array<i32>} : memref<2x64xi32, #tpu.memory_space<vmem>>, vector<16xi32>,
    %run_scoped3A_297 = arith.constant 0 : i32
    %run_scoped3A_298 = arith.constant 0 : i32
    "tpu.region"() ({
      %run_scoped3A_311 = tpu.sem_alloc : memref<!tpu.dma_semaphore, #tpu.memory_space<semaphore_mem>>
      %dma_start3A_312 = arith.constant 0 : i32
      %dma_start3A_313 = arith.constant 0 : i32
      %dma_start3A_314 = tpu.memref_slice %arg10[%run_scoped3A_297, %dma_start3A_312, %dma_start3A_313] : memref<2x64x128xf32, #tpu.memory_space<vmem>> -> memref<1x64x128xf32, #tpu.memory_space<vmem>>
      %dma_start3A_315 = tpu.memref_squeeze %dma_start3A_314 : memref<1x64x128xf32, #tpu.memory_space<vmem>> -> memref<64x128xf32, #tpu.memory_space<vmem>>
      %dma_start3A_316 = arith.constant 0 : i32
      %dma_start3A_317 = tpu.memref_slice %arg8[%run_scoped3A_298, %dma_start3A_316] : memref<2x64xi32, #tpu.memory_space<vmem>> -> memref<1x64xi32, #tpu.memory_space<vmem>>
      %dma_start3A_318 = tpu.memref_squeeze %dma_start3A_317 : memref<1x64xi32, #tpu.memory_space<vmem>> -> memref<64xi32, #tpu.memory_space<vmem>>
      %dma_start3A_319 = arith.constant 0 : i32
      %dma_start3A_320 = arith.constant 0 : i32
      %dma_start3A_321 = tpu.memref_slice %arg13[%dma_start3A_319, %dma_start3A_320] : memref<10000x128xf32, #tpu.memory_space<vmem_shared>> -> memref<10000x128xf32, #tpu.memory_space<vmem_shared>>
      tpu.enqueue_indirect_dma source(%dma_start3A_315 : memref<64x128xf32, #tpu.memory_space<vmem>>) target(%dma_start3A_321 : memref<10000x128xf32, #tpu.memory_space<vmem_shared>>) offsets(%dma_start3A_318 : memref<64xi32, #tpu.memory_space<vmem>>) semaphore(%run_scoped3A_311 : memref<!tpu.dma_semaphore, #tpu.memory_space<semaphore_mem>>) {add = true}
      %dma_wait3A_322 = arith.constant 0 : i32
      %dma_wait3A_323 = arith.constant 0 : i32
      %dma_wait3A_324 = tpu.memref_slice %arg10[%run_scoped3A_297, %dma_wait3A_322, %dma_wait3A_323] : memref<2x64x128xf32, #tpu.memory_space<vmem>> -> memref<1x64x128xf32, #tpu.memory_space<vmem>>
      %dma_wait3A_325 = tpu.memref_squeeze %dma_wait3A_324 : memref<1x64x128xf32, #tpu.memory_space<vmem>> -> memref<64x128xf32, #tpu.memory_space<vmem>>
      %dma_wait3A_326 = arith.constant 0 : i32
      %dma_wait3A_327 = tpu.memref_slice %arg8[%run_scoped3A_298, %dma_wait3A_326] : memref<2x64xi32, #tpu.memory_space<vmem>> -> memref<1x64xi32, #tpu.memory_space<vmem>>
      %dma_wait3A_328 = tpu.memref_squeeze %dma_wait3A_327 : memref<1x64xi32, #tpu.memory_space<vmem>> -> memref<64xi32, #tpu.memory_space<vmem>>
      %dma_wait3A_329 = arith.constant 0 : i32
      %dma_wait3A_330 = arith.constant 0 : i32
      %dma_wait3A_331 = tpu.memref_slice %arg13[%dma_wait3A_329, %dma_wait3A_330] : memref<10000x128xf32, #tpu.memory_space<vmem_shared>> -> memref<10000x128xf32, #tpu.memory_space<vmem_shared>>
      tpu.wait_indirect_dma semaphore(%run_scoped3A_311 : memref<!tpu.dma_semaphore, #tpu.memory_space<semaphore_mem>>) src(%dma_wait3A_325 : memref<64x128xf32, #tpu.memory_space<vmem>>) dst(%dma_wait3A_331 : memref<10000x128xf32, #tpu.memory_space<vmem_shared>>)
      tpu.yield
    }) : () -> ()
    %barrier3A_299 = arith.constant 0 : index
    tpu.barrier barrier_id(%barrier3A_299)
    %eq3A_300 = arith.constant 0 : i32
    %eq3A_301 = arith.cmpi eq, %arg0, %eq3A_300 : i32
    %convert_element_type3A_302 = arith.extui %eq3A_301 : i1 to i32
    %cond3A_303 = arith.constant 0 : i32
    %cond3A_304 = arith.cmpi ne, %convert_element_type3A_302, %cond3A_303 : i32
    scf.if %cond3A_304 {
      %mul3A_311 = arith.constant 625 : i32
      %mul3A_312 = arith.muli %arg1, %mul3A_311 : i32
      %run_scoped3A_313 = arith.constant 1 : i32
      "tpu.region"() ({
        %run_scoped3A_314 = tpu.sem_alloc : memref<!tpu.dma_semaphore, #tpu.memory_space<semaphore_mem>>
        %dma_start3A_315 = arith.constant 0 : i32
        %dma_start3A_316 = tpu.memref_slice %arg4[%run_scoped3A_313, %mul3A_312, %dma_start3A_315] : memref<4x10000x128xf32, #tpu.memory_space<hbm>> -> memref<1x625x128xf32, #tpu.memory_space<hbm>>
        %dma_start3A_317 = tpu.memref_squeeze %dma_start3A_316 : memref<1x625x128xf32, #tpu.memory_space<hbm>> -> memref<625x128xf32, #tpu.memory_space<hbm>>
        %dma_start3A_318 = arith.constant 0 : i32
        %dma_start3A_319 = tpu.memref_slice %arg13[%mul3A_312, %dma_start3A_318] : memref<10000x128xf32, #tpu.memory_space<vmem_shared>> -> memref<625x128xf32, #tpu.memory_space<vmem_shared>>
        tpu.enqueue_dma source(%dma_start3A_319 : memref<625x128xf32, #tpu.memory_space<vmem_shared>>) target(%dma_start3A_317 : memref<625x128xf32, #tpu.memory_space<hbm>>) target_semaphore(%run_scoped3A_314 : memref<!tpu.dma_semaphore, #tpu.memory_space<semaphore_mem>>)
        %dma_wait3A_320 = arith.constant 0 : i32
        %dma_wait3A_321 = tpu.memref_slice %arg4[%run_scoped3A_313, %mul3A_312, %dma_wait3A_320] : memref<4x10000x128xf32, #tpu.memory_space<hbm>> -> memref<1x625x128xf32, #tpu.memory_space<hbm>>
        %dma_wait3A_322 = tpu.memref_squeeze %dma_wait3A_321 : memref<1x625x128xf32, #tpu.memory_space<hbm>> -> memref<625x128xf32, #tpu.memory_space<hbm>>
        %dma_wait3A_323 = arith.constant 0 : i32
        %dma_wait3A_324 = tpu.memref_slice %arg13[%mul3A_312, %dma_wait3A_323] : memref<10000x128xf32, #tpu.memory_space<vmem_shared>> -> memref<625x128xf32, #tpu.memory_space<vmem_shared>>
        tpu.wait_dma2 semaphore(%run_scoped3A_314 : memref<!tpu.dma_semaphore, #tpu.memory_space<semaphore_mem>>) src(%dma_wait3A_324 : memref<625x128xf32, #tpu.memory_space<vmem_shared>>) dst(%dma_wait3A_322 : memref<625x128xf32, #tpu.memory_space<hbm>>)
        tpu.yield
      }) : () -> ()
    } else {
    }
    %eq3A_305 = arith.constant 1 : i32
    %eq3A_306 = arith.cmpi eq, %arg0, %eq3A_305 : i32
    %convert_element_type3A_307 = arith.extui %eq3A_306 : i1 to i32
    %cond3A_308 = arith.constant 0 : i32
    %cond3A_309 = arith.cmpi ne, %convert_element_type3A_307, %cond3A_308 : i32
    scf.if %cond3A_309 {
      %mul3A_311 = arith.constant 625 : i32
      %mul3A_312 = arith.muli %arg1, %mul3A_311 : i32
      %run_scoped3A_313 = arith.constant 3 : i32
      "tpu.region"() ({
        %run_scoped3A_314 = tpu.sem_alloc : memref<!tpu.dma_semaphore, #tpu.memory_space<semaphore_mem>>
        %dma_start3A_315 = arith.constant 0 : i32
        %dma_start3A_316 = tpu.memref_slice %arg4[%run_scoped3A_313, %mul3A_312, %dma_start3A_315] : memref<4x10000x128xf32, #tpu.memory_space<hbm>> -> memref<1x625x128xf32, #tpu.memory_space<hbm>>
        %dma_start3A_317 = tpu.memref_squeeze %dma_start3A_316 : memref<1x625x128xf32, #tpu.memory_space<hbm>> -> memref<625x128xf32, #tpu.memory_space<hbm>>
        %dma_start3A_318 = arith.constant 0 : i32
        %dma_start3A_319 = tpu.memref_slice %arg13[%mul3A_312, %dma_start3A_318] : memref<10000x128xf32, #tpu.memory_space<vmem_shared>> -> memref<625x128xf32, #tpu.memory_space<vmem_shared>>
        tpu.enqueue_dma source(%dma_start3A_319 : memref<625x128xf32, #tpu.memory_space<vmem_shared>>) target(%dma_start3A_317 : memref<625x128xf32, #tpu.memory_space<hbm>>) target_semaphore(%run_scoped3A_314 : memref<!tpu.dma_semaphore, #tpu.memory_space<semaphore_mem>>)
        %dma_wait3A_320 = arith.constant 0 : i32
        %dma_wait3A_321 = tpu.memref_slice %arg4[%run_scoped3A_313, %mul3A_312, %dma_wait3A_320] : memref<4x10000x128xf32, #tpu.memory_space<hbm>> -> memref<1x625x128xf32, #tpu.memory_space<hbm>>
        %dma_wait3A_322 = tpu.memref_squeeze %dma_wait3A_321 : memref<1x625x128xf32, #tpu.memory_space<hbm>> -> memref<625x128xf32, #tpu.memory_space<hbm>>
        %dma_wait3A_323 = arith.constant 0 : i32
        %dma_wait3A_324 = tpu.memref_slice %arg13[%mul3A_312, %dma_wait3A_323] : memref<10000x128xf32, #tpu.memory_space<vmem_shared>> -> memref<625x128xf32, #tpu.memory_space<vmem_shared>>
        tpu.wait_dma2 semaphore(%run_scoped3A_314 : memref<!tpu.dma_semaphore, #tpu.memory_space<semaphore_mem>>) src(%dma_wait3A_324 : memref<625x128xf32, #tpu.memory_space<vmem_shared>>) dst(%dma_wait3A_322 : memref<625x128xf32, #tpu.memory_space<hbm>>)
        tpu.yield
      }) : () -> ()
    } else {
    }
    %barrier3A_310 = arith.constant 0 : index
    tpu.barrier barrier_id(%barrier3A_310)
    return
  }
}

#map = affine_map<(d0, d1) -> (0)>
#map1 = affine_map<(d0, d1) -> (0, 0)>
module attributes {stable_mosaic.version = 14 : i64} {
  func.func @_degree_kernel(%arg0: i32, %arg1: i32, %arg2: memref<320000xi32, #tpu.memory_space<hbm>>, %arg3: memref<64x10112xi32, #tpu.memory_space<hbm>>, %arg4: memref<5008xi32, #tpu.memory_space<vmem>>, %arg5: memref<5008xi32, #tpu.memory_space<vmem>>, %arg6: memref<10112xi32, #tpu.memory_space<vmem>>, %arg7: memref<10112xi32, #tpu.memory_space<vmem>>) attributes {dimension_semantics = [#tpu.dimension_semantics<core_parallel>, #tpu.dimension_semantics<subcore_parallel>], iteration_bounds = array<i64: 2, 16>, scalar_prefetch = 0 : i64, scratch_operands = 4 : i64, tpu.core_type = #tpu.core_type<sc_vector_subcore>, window_params = [{transform_indices = #map}, {transform_indices = #map1}]} {
    %mul3A = arith.constant 16 : i32
    %mul3A_0 = arith.muli %arg0, %mul3A : i32
    %add3A = arith.addi %mul3A_0, %arg1 : i32
    %mul3A_1 = arith.constant 5000 : i32
    %mul3A_2 = arith.muli %add3A, %mul3A_1 : i32
    "tpu.region"() ({
      %run_scoped3A = tpu.sem_alloc : memref<!tpu.dma_semaphore, #tpu.memory_space<semaphore_mem>>
      %dma_start3A = arith.constant 0 : i32
      %dma_start3A_33 = tpu.memref_slice %arg4[%dma_start3A] : memref<5008xi32, #tpu.memory_space<vmem>> -> memref<5000xi32, #tpu.memory_space<vmem>>
      %dma_start3A_34 = tpu.memref_slice %arg2[%mul3A_2] : memref<320000xi32, #tpu.memory_space<hbm>> -> memref<5000xi32, #tpu.memory_space<hbm>>
      %dma_start3A_35 = arith.constant 0 : i32
      %dma_start3A_36 = tpu.memref_slice %arg4[%dma_start3A_35] : memref<5008xi32, #tpu.memory_space<vmem>> -> memref<5000xi32, #tpu.memory_space<vmem>>
      %dma_start3A_37 = tpu.memref_slice %arg2[%mul3A_2] : memref<320000xi32, #tpu.memory_space<hbm>> -> memref<5000xi32, #tpu.memory_space<hbm>>
      tpu.enqueue_dma source(%dma_start3A_37 : memref<5000xi32, #tpu.memory_space<hbm>>) target(%dma_start3A_36 : memref<5000xi32, #tpu.memory_space<vmem>>) target_semaphore(%run_scoped3A : memref<!tpu.dma_semaphore, #tpu.memory_space<semaphore_mem>>)
      %dma_wait3A = arith.constant 0 : i32
      %dma_wait3A_38 = tpu.memref_slice %arg4[%dma_wait3A] : memref<5008xi32, #tpu.memory_space<vmem>> -> memref<5000xi32, #tpu.memory_space<vmem>>
      %dma_wait3A_39 = tpu.memref_slice %arg2[%mul3A_2] : memref<320000xi32, #tpu.memory_space<hbm>> -> memref<5000xi32, #tpu.memory_space<hbm>>
      %dma_wait3A_40 = arith.constant 0 : i32
      %dma_wait3A_41 = tpu.memref_slice %arg4[%dma_wait3A_40] : memref<5008xi32, #tpu.memory_space<vmem>> -> memref<5000xi32, #tpu.memory_space<vmem>>
      %dma_wait3A_42 = tpu.memref_slice %arg2[%mul3A_2] : memref<320000xi32, #tpu.memory_space<hbm>> -> memref<5000xi32, #tpu.memory_space<hbm>>
      tpu.wait_dma2 semaphore(%run_scoped3A : memref<!tpu.dma_semaphore, #tpu.memory_space<semaphore_mem>>) src(%dma_wait3A_42 : memref<5000xi32, #tpu.memory_space<hbm>>) dst(%dma_wait3A_41 : memref<5000xi32, #tpu.memory_space<vmem>>)
      tpu.yield
    }) : () -> ()
    %mul3A_3 = arith.constant 5000 : i32
    %mul3A_4 = arith.muli %add3A, %mul3A_3 : i32
    %add3A_5 = arith.constant 160000 : i32
    %add3A_6 = arith.addi %add3A_5, %mul3A_4 : i32
    "tpu.region"() ({
      %run_scoped3A = tpu.sem_alloc : memref<!tpu.dma_semaphore, #tpu.memory_space<semaphore_mem>>
      %dma_start3A = arith.constant 0 : i32
      %dma_start3A_33 = tpu.memref_slice %arg5[%dma_start3A] : memref<5008xi32, #tpu.memory_space<vmem>> -> memref<5000xi32, #tpu.memory_space<vmem>>
      %dma_start3A_34 = tpu.memref_slice %arg2[%add3A_6] : memref<320000xi32, #tpu.memory_space<hbm>> -> memref<5000xi32, #tpu.memory_space<hbm>>
      %dma_start3A_35 = arith.constant 0 : i32
      %dma_start3A_36 = tpu.memref_slice %arg5[%dma_start3A_35] : memref<5008xi32, #tpu.memory_space<vmem>> -> memref<5000xi32, #tpu.memory_space<vmem>>
      %dma_start3A_37 = tpu.memref_slice %arg2[%add3A_6] : memref<320000xi32, #tpu.memory_space<hbm>> -> memref<5000xi32, #tpu.memory_space<hbm>>
      tpu.enqueue_dma source(%dma_start3A_37 : memref<5000xi32, #tpu.memory_space<hbm>>) target(%dma_start3A_36 : memref<5000xi32, #tpu.memory_space<vmem>>) target_semaphore(%run_scoped3A : memref<!tpu.dma_semaphore, #tpu.memory_space<semaphore_mem>>)
      %dma_wait3A = arith.constant 0 : i32
      %dma_wait3A_38 = tpu.memref_slice %arg5[%dma_wait3A] : memref<5008xi32, #tpu.memory_space<vmem>> -> memref<5000xi32, #tpu.memory_space<vmem>>
      %dma_wait3A_39 = tpu.memref_slice %arg2[%add3A_6] : memref<320000xi32, #tpu.memory_space<hbm>> -> memref<5000xi32, #tpu.memory_space<hbm>>
      %dma_wait3A_40 = arith.constant 0 : i32
      %dma_wait3A_41 = tpu.memref_slice %arg5[%dma_wait3A_40] : memref<5008xi32, #tpu.memory_space<vmem>> -> memref<5000xi32, #tpu.memory_space<vmem>>
      %dma_wait3A_42 = tpu.memref_slice %arg2[%add3A_6] : memref<320000xi32, #tpu.memory_space<hbm>> -> memref<5000xi32, #tpu.memory_space<hbm>>
      tpu.wait_dma2 semaphore(%run_scoped3A : memref<!tpu.dma_semaphore, #tpu.memory_space<semaphore_mem>>) src(%dma_wait3A_42 : memref<5000xi32, #tpu.memory_space<hbm>>) dst(%dma_wait3A_41 : memref<5000xi32, #tpu.memory_space<vmem>>)
      tpu.yield
    }) : () -> ()
    %iota3A = tpu.iota {dimensions = array<i32: 0>} : vector<16xi32>
    %lt3A = arith.constant 8 : i32
    %lt3A_7 = vector.broadcast %lt3A : i32 to vector<16xi32>
    %lt3A_8 = arith.cmpi slt, %iota3A, %lt3A_7 : vector<16xi32>
    %get3A = arith.constant 4992 : index
    %get3A_9 = tpu.vector_load %arg4[%get3A] {strides = array<i32>} : memref<5008xi32, #tpu.memory_space<vmem>>, vector<16xi32>,
    %jit3A = arith.constant 10000 : i32
    %broadcast_in_dim3A = vector.broadcast %jit3A : i32 to vector<16xi32>
    %select_n3A = arith.select %lt3A_8, %get3A_9, %broadcast_in_dim3A : vector<16xi1>, vector<16xi32>
    %swap3A = arith.constant 4992 : index
    %swap3A_10 = tpu.vector_load %arg4[%swap3A] {strides = array<i32>} : memref<5008xi32, #tpu.memory_space<vmem>>, vector<16xi32>,
    tpu.vector_store %arg4[%swap3A], %select_n3A {strides = array<i32>} : memref<5008xi32, #tpu.memory_space<vmem>>, vector<16xi32>,
    %get3A_11 = arith.constant 4992 : index
    %get3A_12 = tpu.vector_load %arg5[%get3A_11] {strides = array<i32>} : memref<5008xi32, #tpu.memory_space<vmem>>, vector<16xi32>,
    %jit3A_13 = arith.constant 10000 : i32
    %broadcast_in_dim3A_14 = vector.broadcast %jit3A_13 : i32 to vector<16xi32>
    %select_n3A_15 = arith.select %lt3A_8, %get3A_12, %broadcast_in_dim3A_14 : vector<16xi1>, vector<16xi32>
    %swap3A_16 = arith.constant 4992 : index
    %swap3A_17 = tpu.vector_load %arg5[%swap3A_16] {strides = array<i32>} : memref<5008xi32, #tpu.memory_space<vmem>>, vector<16xi32>,
    tpu.vector_store %arg5[%swap3A_16], %select_n3A_15 {strides = array<i32>} : memref<5008xi32, #tpu.memory_space<vmem>>, vector<16xi32>,
    %broadcast_in_dim3A_18 = arith.constant 0 : i32
    %broadcast_in_dim3A_19 = vector.broadcast %broadcast_in_dim3A_18 : i32 to vector<16xi32>
    %scan3A = arith.constant 0 : i32
    %scan3A_20 = arith.constant 0 : i32
    %scan3A_21 = arith.constant 632 : i32
    %scan3A_22 = arith.addi %scan3A_20, %scan3A_21 : i32
    %scan3A_23 = arith.constant 1 : i32
    scf.for %scan3A_33 = %scan3A_20 to %scan3A_22 step %scan3A_23  : i32 {
      %mul3A_34 = arith.constant 16 : i32
      %mul3A_35 = arith.muli %scan3A_33, %mul3A_34 : i32
      %swap3A_36 = arith.index_cast %mul3A_35 : i32 to index
      %swap3A_37 = tpu.vector_load %arg6[%swap3A_36] {strides = array<i32>} : memref<10112xi32, #tpu.memory_space<vmem>>, vector<16xi32>,
      tpu.vector_store %arg6[%swap3A_36], %broadcast_in_dim3A_19 {strides = array<i32>} : memref<10112xi32, #tpu.memory_space<vmem>>, vector<16xi32>,
      %mul3A_38 = arith.constant 16 : i32
      %mul3A_39 = arith.muli %scan3A_33, %mul3A_38 : i32
      %swap3A_40 = arith.index_cast %mul3A_39 : i32 to index
      %swap3A_41 = tpu.vector_load %arg7[%swap3A_40] {strides = array<i32>} : memref<10112xi32, #tpu.memory_space<vmem>>, vector<16xi32>,
      tpu.vector_store %arg7[%swap3A_40], %broadcast_in_dim3A_19 {strides = array<i32>} : memref<10112xi32, #tpu.memory_space<vmem>>, vector<16xi32>,
    }
    %scan3A_24 = arith.constant 632 : i32
    %scan3A_25 = arith.constant 0 : i32
    %scan3A_26 = arith.constant 0 : i32
    %scan3A_27 = arith.constant 313 : i32
    %scan3A_28 = arith.addi %scan3A_26, %scan3A_27 : i32
    %scan3A_29 = arith.constant 1 : i32
    scf.for %scan3A_33 = %scan3A_26 to %scan3A_28 step %scan3A_29  : i32 {
      %mul3A_34 = arith.constant 16 : i32
      %mul3A_35 = arith.muli %scan3A_33, %mul3A_34 : i32
      %get3A_36 = arith.index_cast %mul3A_35 : i32 to index
      %get3A_37 = tpu.vector_load %arg4[%get3A_36] {strides = array<i32>} : memref<5008xi32, #tpu.memory_space<vmem>>, vector<16xi32>,
      %broadcast_in_dim3A_38 = arith.constant true
      %broadcast_in_dim3A_39 = vector.broadcast %broadcast_in_dim3A_38 : i1 to vector<16xi1>
      %unique3A, %unique3A_40 = tpu.scan_count mask(%broadcast_in_dim3A_39 : vector<16xi1>) value(%get3A_37 : vector<16xi32>) : vector<16xi1>, vector<16xi32>
      tpu.vector_store_idx %arg6[%get3A_37], %unique3A_40 masked %unique3A {add = true} : memref<10112xi32, #tpu.memory_space<vmem>>[vector<16xi32>], vector<16xi32>, vector<16xi1>
      %mul3A_41 = arith.constant 16 : i32
      %mul3A_42 = arith.muli %scan3A_33, %mul3A_41 : i32
      %get3A_43 = arith.index_cast %mul3A_42 : i32 to index
      %get3A_44 = tpu.vector_load %arg5[%get3A_43] {strides = array<i32>} : memref<5008xi32, #tpu.memory_space<vmem>>, vector<16xi32>,
      %broadcast_in_dim3A_45 = arith.constant true
      %broadcast_in_dim3A_46 = vector.broadcast %broadcast_in_dim3A_45 : i1 to vector<16xi1>
      %unique3A_47, %unique3A_48 = tpu.scan_count mask(%broadcast_in_dim3A_46 : vector<16xi1>) value(%get3A_44 : vector<16xi32>) : vector<16xi1>, vector<16xi32>
      tpu.vector_store_idx %arg7[%get3A_44], %unique3A_48 masked %unique3A_47 {add = true} : memref<10112xi32, #tpu.memory_space<vmem>>[vector<16xi32>], vector<16xi32>, vector<16xi1>
    }
    %scan3A_30 = arith.constant 313 : i32
    "tpu.region"() ({
      %run_scoped3A = tpu.sem_alloc : memref<!tpu.dma_semaphore, #tpu.memory_space<semaphore_mem>>
      %dma_start3A = arith.constant 0 : i32
      %dma_start3A_33 = tpu.memref_slice %arg3[%add3A, %dma_start3A] : memref<64x10112xi32, #tpu.memory_space<hbm>> -> memref<1x10112xi32, #tpu.memory_space<hbm>>
      %dma_start3A_34 = tpu.memref_squeeze %dma_start3A_33 : memref<1x10112xi32, #tpu.memory_space<hbm>> -> memref<10112xi32, #tpu.memory_space<hbm>>
      %dma_start3A_35 = arith.constant 0 : i32
      %dma_start3A_36 = tpu.memref_slice %arg3[%add3A, %dma_start3A_35] : memref<64x10112xi32, #tpu.memory_space<hbm>> -> memref<1x10112xi32, #tpu.memory_space<hbm>>
      %dma_start3A_37 = tpu.memref_squeeze %dma_start3A_36 : memref<1x10112xi32, #tpu.memory_space<hbm>> -> memref<10112xi32, #tpu.memory_space<hbm>>
      tpu.enqueue_dma source(%arg6 : memref<10112xi32, #tpu.memory_space<vmem>>) target(%dma_start3A_37 : memref<10112xi32, #tpu.memory_space<hbm>>) target_semaphore(%run_scoped3A : memref<!tpu.dma_semaphore, #tpu.memory_space<semaphore_mem>>)
      %dma_wait3A = arith.constant 0 : i32
      %dma_wait3A_38 = tpu.memref_slice %arg3[%add3A, %dma_wait3A] : memref<64x10112xi32, #tpu.memory_space<hbm>> -> memref<1x10112xi32, #tpu.memory_space<hbm>>
      %dma_wait3A_39 = tpu.memref_squeeze %dma_wait3A_38 : memref<1x10112xi32, #tpu.memory_space<hbm>> -> memref<10112xi32, #tpu.memory_space<hbm>>
      %dma_wait3A_40 = arith.constant 0 : i32
      %dma_wait3A_41 = tpu.memref_slice %arg3[%add3A, %dma_wait3A_40] : memref<64x10112xi32, #tpu.memory_space<hbm>> -> memref<1x10112xi32, #tpu.memory_space<hbm>>
      %dma_wait3A_42 = tpu.memref_squeeze %dma_wait3A_41 : memref<1x10112xi32, #tpu.memory_space<hbm>> -> memref<10112xi32, #tpu.memory_space<hbm>>
      tpu.wait_dma2 semaphore(%run_scoped3A : memref<!tpu.dma_semaphore, #tpu.memory_space<semaphore_mem>>) src(%arg6 : memref<10112xi32, #tpu.memory_space<vmem>>) dst(%dma_wait3A_42 : memref<10112xi32, #tpu.memory_space<hbm>>)
      tpu.yield
    }) : () -> ()
    %add3A_31 = arith.constant 32 : i32
    %add3A_32 = arith.addi %add3A_31, %add3A : i32
    "tpu.region"() ({
      %run_scoped3A = tpu.sem_alloc : memref<!tpu.dma_semaphore, #tpu.memory_space<semaphore_mem>>
      %dma_start3A = arith.constant 0 : i32
      %dma_start3A_33 = tpu.memref_slice %arg3[%add3A_32, %dma_start3A] : memref<64x10112xi32, #tpu.memory_space<hbm>> -> memref<1x10112xi32, #tpu.memory_space<hbm>>
      %dma_start3A_34 = tpu.memref_squeeze %dma_start3A_33 : memref<1x10112xi32, #tpu.memory_space<hbm>> -> memref<10112xi32, #tpu.memory_space<hbm>>
      %dma_start3A_35 = arith.constant 0 : i32
      %dma_start3A_36 = tpu.memref_slice %arg3[%add3A_32, %dma_start3A_35] : memref<64x10112xi32, #tpu.memory_space<hbm>> -> memref<1x10112xi32, #tpu.memory_space<hbm>>
      %dma_start3A_37 = tpu.memref_squeeze %dma_start3A_36 : memref<1x10112xi32, #tpu.memory_space<hbm>> -> memref<10112xi32, #tpu.memory_space<hbm>>
      tpu.enqueue_dma source(%arg7 : memref<10112xi32, #tpu.memory_space<vmem>>) target(%dma_start3A_37 : memref<10112xi32, #tpu.memory_space<hbm>>) target_semaphore(%run_scoped3A : memref<!tpu.dma_semaphore, #tpu.memory_space<semaphore_mem>>)
      %dma_wait3A = arith.constant 0 : i32
      %dma_wait3A_38 = tpu.memref_slice %arg3[%add3A_32, %dma_wait3A] : memref<64x10112xi32, #tpu.memory_space<hbm>> -> memref<1x10112xi32, #tpu.memory_space<hbm>>
      %dma_wait3A_39 = tpu.memref_squeeze %dma_wait3A_38 : memref<1x10112xi32, #tpu.memory_space<hbm>> -> memref<10112xi32, #tpu.memory_space<hbm>>
      %dma_wait3A_40 = arith.constant 0 : i32
      %dma_wait3A_41 = tpu.memref_slice %arg3[%add3A_32, %dma_wait3A_40] : memref<64x10112xi32, #tpu.memory_space<hbm>> -> memref<1x10112xi32, #tpu.memory_space<hbm>>
      %dma_wait3A_42 = tpu.memref_squeeze %dma_wait3A_41 : memref<1x10112xi32, #tpu.memory_space<hbm>> -> memref<10112xi32, #tpu.memory_space<hbm>>
      tpu.wait_dma2 semaphore(%run_scoped3A : memref<!tpu.dma_semaphore, #tpu.memory_space<semaphore_mem>>) src(%arg7 : memref<10112xi32, #tpu.memory_space<vmem>>) dst(%dma_wait3A_42 : memref<10112xi32, #tpu.memory_space<hbm>>)
      tpu.yield
    }) : () -> ()
    return
  }
}

module attributes {stable_mosaic.version = 14 : i64} {
  func.func @_pre_body(%arg0: i32, %arg1: memref<1x128x4x512xf32, #tpu.memory_space<vmem>>, %arg2: memref<64x512xi32, #tpu.memory_space<vmem>>, %arg3: memref<128x128xf32, #tpu.memory_space<vmem>>, %arg4: memref<4x512x128xf32, #tpu.memory_space<vmem>>) attributes {dimension_semantics = [#tpu.dimension_semantics<arbitrary>], iteration_bounds = array<i64: 20>, scalar_prefetch = 0 : i64, scratch_operands = 0 : i64, tpu.core_type = #tpu.core_type<tc>, window_params = [{transform_indices = @transform_0, window_bounds = array<i64: 1, 128, 4, 512>}, {transform_indices = @transform_1, window_bounds = array<i64: 64, 512>}, {pipeline_mode = #tpu.pipeline_mode<synchronous>, transform_indices = @transform_2, window_bounds = array<i64: 128, 128>}, {transform_indices = @transform_3, window_bounds = array<i64: 4, 512, 128>}]} {
    %iota3A = tpu.iota {dimensions = array<i32: 0>} : vector<512x1xi32>
    %mul3A = arith.constant 512 : i32
    %mul3A_0 = arith.muli %arg0, %mul3A : i32
    %add3A = vector.broadcast %mul3A_0 : i32 to vector<512x1xi32>
    %add3A_1 = arith.addi %iota3A, %add3A : vector<512x1xi32>
    %lt3A = arith.constant 10000 : i32
    %lt3A_2 = vector.broadcast %lt3A : i32 to vector<512x1xi32>
    %lt3A_3 = arith.cmpi slt, %add3A_1, %lt3A_2 : vector<512x1xi32>
    %get3A = arith.constant 0 : index
    %get3A_4 = arith.constant 0 : index
    %get3A_5 = vector.load %arg2[%get3A, %get3A_4] : memref<64x512xi32, #tpu.memory_space<vmem>>, vector<64x512xi32>
    %convert_element_type3A = arith.sitofp %get3A_5 : vector<64x512xi32> to vector<64x512xf32>
    %slice3A = vector.extract_strided_slice %convert_element_type3A {offsets = [0, 0], sizes = [32, 512], strides = [1, 1]} : vector<64x512xf32> to vector<32x512xf32>
    %reduce_sum3A = arith.constant dense<0.000000e+00> : vector<512xf32>
    %reduce_sum3A_6 = vector.multi_reduction <add>, %slice3A, %reduce_sum3A [0] : vector<32x512xf32> to vector<512xf32>
    %broadcast_in_dim3A = vector.shape_cast %reduce_sum3A_6 : vector<512xf32> to vector<1x512xf32>
    %gt3A = arith.constant 0.000000e+00 : f32
    %gt3A_7 = vector.broadcast %gt3A : f32 to vector<1x512xf32>
    %gt3A_8 = arith.cmpf ogt, %broadcast_in_dim3A, %gt3A_7 : vector<1x512xf32>
    %rsqrt3A = math.rsqrt %broadcast_in_dim3A : vector<1x512xf32>
    %jit3A = arith.constant 0.000000e+00 : f32
    %broadcast_in_dim3A_9 = vector.broadcast %jit3A : f32 to vector<1x512xf32>
    %select_n3A = arith.select %gt3A_8, %rsqrt3A, %broadcast_in_dim3A_9 : vector<1x512xi1>, vector<1x512xf32>
    %transpose3A = tpu.transpose %select_n3A, [1, 0] : vector<1x512xf32> -> vector<512x1xf32>
    %get3A_10 = arith.constant 0 : index
    %get3A_11 = arith.constant 0 : index
    %get3A_12 = vector.load %arg3[%get3A_10, %get3A_11] : memref<128x128xf32, #tpu.memory_space<vmem>>, vector<128x128xf32>
    %get3A_13 = arith.constant 0 : index
    %get3A_14 = arith.constant 0 : index
    %get3A_15 = arith.constant 0 : index
    %get3A_16 = arith.constant 0 : index
    %get3A_17 = vector.load %arg1[%get3A_13, %get3A_14, %get3A_15, %get3A_16] : memref<1x128x4x512xf32, #tpu.memory_space<vmem>>, vector<1x128x1x512xf32>
    %get3A_18 = vector.shape_cast %get3A_17 : vector<1x128x1x512xf32> to vector<128x512xf32>
    %dot_general3A = arith.constant dense<0.000000e+00> : vector<512x128xf32>
    %dot_general3A_19 = tpu.matmul %get3A_18, %get3A_12, %dot_general3A {dimension_numbers = #tpu.dot_dimension_numbers<[0], [0], [1], [1], [0, 1, 1, 1], [], []>, transpose_lhs_hint = false} : vector<128x512xf32>, vector<128x128xf32>, vector<512x128xf32> -> vector<512x128xf32>
    %mul3A_20 = vector.broadcast %transpose3A : vector<512x1xf32> to vector<512x128xf32>
    %mul3A_21 = arith.mulf %dot_general3A_19, %mul3A_20 : vector<512x128xf32>
    %jit3A_22 = arith.constant 0.000000e+00 : f32
    %broadcast_in_dim3A_23 = vector.shape_cast %lt3A_3 : vector<512x1xi1> to vector<512x1xi1>
    %broadcast_in_dim3A_24 = vector.broadcast %broadcast_in_dim3A_23 : vector<512x1xi1> to vector<512x128xi1>
    %broadcast_in_dim3A_25 = vector.broadcast %jit3A_22 : f32 to vector<512x128xf32>
    %select_n3A_26 = arith.select %broadcast_in_dim3A_24, %mul3A_21, %broadcast_in_dim3A_25 : vector<512x128xi1>, vector<512x128xf32>
    %swap3A = arith.constant 0 : index
    %swap3A_27 = arith.constant 0 : index
    %swap3A_28 = arith.constant 0 : index
    %swap3A_29 = vector.load %arg4[%swap3A, %swap3A_27, %swap3A_28] : memref<4x512x128xf32, #tpu.memory_space<vmem>>, vector<1x512x128xf32>
    %swap3A_30 = vector.shape_cast %swap3A_29 : vector<1x512x128xf32> to vector<512x128xf32>
    %swap3A_31 = vector.shape_cast %select_n3A_26 : vector<512x128xf32> to vector<1x512x128xf32>
    tpu.vector_store %arg4[%swap3A, %swap3A_27, %swap3A_28], %swap3A_31 {strides = array<i32>} : memref<4x512x128xf32, #tpu.memory_space<vmem>>, vector<1x512x128xf32>,
    %get3A_32 = arith.constant 0 : index
    %get3A_33 = arith.constant 0 : index
    %get3A_34 = arith.constant 1 : index
    %get3A_35 = arith.constant 0 : index
    %get3A_36 = vector.load %arg1[%get3A_32, %get3A_33, %get3A_34, %get3A_35] : memref<1x128x4x512xf32, #tpu.memory_space<vmem>>, vector<1x128x1x512xf32>
    %get3A_37 = vector.shape_cast %get3A_36 : vector<1x128x1x512xf32> to vector<128x512xf32>
    %dot_general3A_38 = arith.constant dense<0.000000e+00> : vector<512x128xf32>
    %dot_general3A_39 = tpu.matmul %get3A_37, %get3A_12, %dot_general3A_38 {dimension_numbers = #tpu.dot_dimension_numbers<[0], [0], [1], [1], [0, 1, 1, 1], [], []>, transpose_lhs_hint = false} : vector<128x512xf32>, vector<128x128xf32>, vector<512x128xf32> -> vector<512x128xf32>
    %mul3A_40 = vector.broadcast %transpose3A : vector<512x1xf32> to vector<512x128xf32>
    %mul3A_41 = arith.mulf %dot_general3A_39, %mul3A_40 : vector<512x128xf32>
    %jit3A_42 = arith.constant 0.000000e+00 : f32
    %broadcast_in_dim3A_43 = vector.shape_cast %lt3A_3 : vector<512x1xi1> to vector<512x1xi1>
    %broadcast_in_dim3A_44 = vector.broadcast %broadcast_in_dim3A_43 : vector<512x1xi1> to vector<512x128xi1>
    %broadcast_in_dim3A_45 = vector.broadcast %jit3A_42 : f32 to vector<512x128xf32>
    %select_n3A_46 = arith.select %broadcast_in_dim3A_44, %mul3A_41, %broadcast_in_dim3A_45 : vector<512x128xi1>, vector<512x128xf32>
    %swap3A_47 = arith.constant 1 : index
    %swap3A_48 = arith.constant 0 : index
    %swap3A_49 = arith.constant 0 : index
    %swap3A_50 = vector.load %arg4[%swap3A_47, %swap3A_48, %swap3A_49] : memref<4x512x128xf32, #tpu.memory_space<vmem>>, vector<1x512x128xf32>
    %swap3A_51 = vector.shape_cast %swap3A_50 : vector<1x512x128xf32> to vector<512x128xf32>
    %swap3A_52 = vector.shape_cast %select_n3A_46 : vector<512x128xf32> to vector<1x512x128xf32>
    tpu.vector_store %arg4[%swap3A_47, %swap3A_48, %swap3A_49], %swap3A_52 {strides = array<i32>} : memref<4x512x128xf32, #tpu.memory_space<vmem>>, vector<1x512x128xf32>,
    %get3A_53 = arith.constant 0 : index
    %get3A_54 = arith.constant 0 : index
    %get3A_55 = arith.constant 2 : index
    %get3A_56 = arith.constant 0 : index
    %get3A_57 = vector.load %arg1[%get3A_53, %get3A_54, %get3A_55, %get3A_56] : memref<1x128x4x512xf32, #tpu.memory_space<vmem>>, vector<1x128x1x512xf32>
    %get3A_58 = vector.shape_cast %get3A_57 : vector<1x128x1x512xf32> to vector<128x512xf32>
    %dot_general3A_59 = arith.constant dense<0.000000e+00> : vector<512x128xf32>
    %dot_general3A_60 = tpu.matmul %get3A_58, %get3A_12, %dot_general3A_59 {dimension_numbers = #tpu.dot_dimension_numbers<[0], [0], [1], [1], [0, 1, 1, 1], [], []>, transpose_lhs_hint = false} : vector<128x512xf32>, vector<128x128xf32>, vector<512x128xf32> -> vector<512x128xf32>
    %mul3A_61 = vector.broadcast %transpose3A : vector<512x1xf32> to vector<512x128xf32>
    %mul3A_62 = arith.mulf %dot_general3A_60, %mul3A_61 : vector<512x128xf32>
    %jit3A_63 = arith.constant 0.000000e+00 : f32
    %broadcast_in_dim3A_64 = vector.shape_cast %lt3A_3 : vector<512x1xi1> to vector<512x1xi1>
    %broadcast_in_dim3A_65 = vector.broadcast %broadcast_in_dim3A_64 : vector<512x1xi1> to vector<512x128xi1>
    %broadcast_in_dim3A_66 = vector.broadcast %jit3A_63 : f32 to vector<512x128xf32>
    %select_n3A_67 = arith.select %broadcast_in_dim3A_65, %mul3A_62, %broadcast_in_dim3A_66 : vector<512x128xi1>, vector<512x128xf32>
    %swap3A_68 = arith.constant 2 : index
    %swap3A_69 = arith.constant 0 : index
    %swap3A_70 = arith.constant 0 : index
    %swap3A_71 = vector.load %arg4[%swap3A_68, %swap3A_69, %swap3A_70] : memref<4x512x128xf32, #tpu.memory_space<vmem>>, vector<1x512x128xf32>
    %swap3A_72 = vector.shape_cast %swap3A_71 : vector<1x512x128xf32> to vector<512x128xf32>
    %swap3A_73 = vector.shape_cast %select_n3A_67 : vector<512x128xf32> to vector<1x512x128xf32>
    tpu.vector_store %arg4[%swap3A_68, %swap3A_69, %swap3A_70], %swap3A_73 {strides = array<i32>} : memref<4x512x128xf32, #tpu.memory_space<vmem>>, vector<1x512x128xf32>,
    %get3A_74 = arith.constant 0 : index
    %get3A_75 = arith.constant 0 : index
    %get3A_76 = arith.constant 3 : index
    %get3A_77 = arith.constant 0 : index
    %get3A_78 = vector.load %arg1[%get3A_74, %get3A_75, %get3A_76, %get3A_77] : memref<1x128x4x512xf32, #tpu.memory_space<vmem>>, vector<1x128x1x512xf32>
    %get3A_79 = vector.shape_cast %get3A_78 : vector<1x128x1x512xf32> to vector<128x512xf32>
    %dot_general3A_80 = arith.constant dense<0.000000e+00> : vector<512x128xf32>
    %dot_general3A_81 = tpu.matmul %get3A_79, %get3A_12, %dot_general3A_80 {dimension_numbers = #tpu.dot_dimension_numbers<[0], [0], [1], [1], [0, 1, 1, 1], [], []>, transpose_lhs_hint = false} : vector<128x512xf32>, vector<128x128xf32>, vector<512x128xf32> -> vector<512x128xf32>
    %mul3A_82 = vector.broadcast %transpose3A : vector<512x1xf32> to vector<512x128xf32>
    %mul3A_83 = arith.mulf %dot_general3A_81, %mul3A_82 : vector<512x128xf32>
    %jit3A_84 = arith.constant 0.000000e+00 : f32
    %broadcast_in_dim3A_85 = vector.shape_cast %lt3A_3 : vector<512x1xi1> to vector<512x1xi1>
    %broadcast_in_dim3A_86 = vector.broadcast %broadcast_in_dim3A_85 : vector<512x1xi1> to vector<512x128xi1>
    %broadcast_in_dim3A_87 = vector.broadcast %jit3A_84 : f32 to vector<512x128xf32>
    %select_n3A_88 = arith.select %broadcast_in_dim3A_86, %mul3A_83, %broadcast_in_dim3A_87 : vector<512x128xi1>, vector<512x128xf32>
    %swap3A_89 = arith.constant 3 : index
    %swap3A_90 = arith.constant 0 : index
    %swap3A_91 = arith.constant 0 : index
    %swap3A_92 = vector.load %arg4[%swap3A_89, %swap3A_90, %swap3A_91] : memref<4x512x128xf32, #tpu.memory_space<vmem>>, vector<1x512x128xf32>
    %swap3A_93 = vector.shape_cast %swap3A_92 : vector<1x512x128xf32> to vector<512x128xf32>
    %swap3A_94 = vector.shape_cast %select_n3A_88 : vector<512x128xf32> to vector<1x512x128xf32>
    tpu.vector_store %arg4[%swap3A_89, %swap3A_90, %swap3A_91], %swap3A_94 {strides = array<i32>} : memref<4x512x128xf32, #tpu.memory_space<vmem>>, vector<1x512x128xf32>,
    return
  }
  func.func @transform_0(%arg0: i32) -> (i32, i32, i32, i32) {
    %c0_i32 = arith.constant 0 : i32
    %c0_i32_0 = arith.constant 0 : i32
    %c0_i32_1 = arith.constant 0 : i32
    %c0_i32_2 = arith.constant 0 : i32
    return %c0_i32, %c0_i32_0, %c0_i32_1, %arg0 : i32, i32, i32, i32
  }
  func.func @transform_1(%arg0: i32) -> (i32, i32) {
    %c0_i32 = arith.constant 0 : i32
    %c0_i32_0 = arith.constant 0 : i32
    return %c0_i32, %arg0 : i32, i32
  }
  func.func @transform_2(%arg0: i32) -> (i32, i32) {
    %c0_i32 = arith.constant 0 : i32
    %c0_i32_0 = arith.constant 0 : i32
    %c0_i32_1 = arith.constant 0 : i32
    return %c0_i32, %c0_i32_0 : i32, i32
  }
  func.func @transform_3(%arg0: i32) -> (i32, i32, i32) {
    %c0_i32 = arith.constant 0 : i32
    %c0_i32_0 = arith.constant 0 : i32
    %c0_i32_1 = arith.constant 0 : i32
    return %c0_i32, %arg0, %c0_i32_0 : i32, i32, i32
  }
}

module attributes {stable_mosaic.version = 14 : i64} {
  func.func @_post_body(%arg0: i32, %arg1: memref<64x512xi32, #tpu.memory_space<vmem>>, %arg2: memref<4x512x128xf32, #tpu.memory_space<vmem>>, %arg3: memref<128x1xf32, #tpu.memory_space<vmem>>, %arg4: memref<1x128x4x512xf32, #tpu.memory_space<vmem>>) attributes {dimension_semantics = [#tpu.dimension_semantics<arbitrary>], iteration_bounds = array<i64: 20>, scalar_prefetch = 0 : i64, scratch_operands = 0 : i64, tpu.core_type = #tpu.core_type<tc>, window_params = [{transform_indices = @transform_0, window_bounds = array<i64: 64, 512>}, {transform_indices = @transform_1, window_bounds = array<i64: 4, 512, 128>}, {pipeline_mode = #tpu.pipeline_mode<synchronous>, transform_indices = @transform_2, window_bounds = array<i64: 128, 1>}, {transform_indices = @transform_3, window_bounds = array<i64: 1, 128, 4, 512>}]} {
    %get3A = arith.constant 0 : index
    %get3A_0 = arith.constant 0 : index
    %get3A_1 = vector.load %arg1[%get3A, %get3A_0] : memref<64x512xi32, #tpu.memory_space<vmem>>, vector<64x512xi32>
    %convert_element_type3A = arith.sitofp %get3A_1 : vector<64x512xi32> to vector<64x512xf32>
    %slice3A = vector.extract_strided_slice %convert_element_type3A {offsets = [32, 0], sizes = [32, 512], strides = [1, 1]} : vector<64x512xf32> to vector<32x512xf32>
    %reduce_sum3A = arith.constant dense<0.000000e+00> : vector<512xf32>
    %reduce_sum3A_2 = vector.multi_reduction <add>, %slice3A, %reduce_sum3A [0] : vector<32x512xf32> to vector<512xf32>
    %broadcast_in_dim3A = vector.shape_cast %reduce_sum3A_2 : vector<512xf32> to vector<1x512xf32>
    %gt3A = arith.constant 0.000000e+00 : f32
    %gt3A_3 = vector.broadcast %gt3A : f32 to vector<1x512xf32>
    %gt3A_4 = arith.cmpf ogt, %broadcast_in_dim3A, %gt3A_3 : vector<1x512xf32>
    %rsqrt3A = math.rsqrt %broadcast_in_dim3A : vector<1x512xf32>
    %jit3A = arith.constant 0.000000e+00 : f32
    %broadcast_in_dim3A_5 = vector.broadcast %jit3A : f32 to vector<1x512xf32>
    %select_n3A = arith.select %gt3A_4, %rsqrt3A, %broadcast_in_dim3A_5 : vector<1x512xi1>, vector<1x512xf32>
    %transpose3A = tpu.transpose %select_n3A, [1, 0] : vector<1x512xf32> -> vector<512x1xf32>
    %iota3A = tpu.iota {dimensions = array<i32: 0>} : vector<128x128xi32>
    %iota3A_6 = tpu.iota {dimensions = array<i32: 1>} : vector<128x128xi32>
    %eq3A = arith.cmpi eq, %iota3A, %iota3A_6 : vector<128x128xi32>
    %convert_element_type3A_7 = arith.extui %eq3A : vector<128x128xi1> to vector<128x128xi32>
    %convert_element_type3A_8 = arith.sitofp %convert_element_type3A_7 : vector<128x128xi32> to vector<128x128xf32>
    %get3A_9 = arith.constant 0 : index
    %get3A_10 = arith.constant 0 : index
    %get3A_11 = vector.load %arg3[%get3A_9, %get3A_10] : memref<128x1xf32, #tpu.memory_space<vmem>>, vector<128x1xf32>
    %get3A_12 = arith.constant 0 : index
    %get3A_13 = arith.constant 0 : index
    %get3A_14 = arith.constant 0 : index
    %get3A_15 = vector.load %arg2[%get3A_12, %get3A_13, %get3A_14] : memref<4x512x128xf32, #tpu.memory_space<vmem>>, vector<1x512x128xf32>
    %get3A_16 = vector.shape_cast %get3A_15 : vector<1x512x128xf32> to vector<512x128xf32>
    %mul3A = vector.broadcast %transpose3A : vector<512x1xf32> to vector<512x128xf32>
    %mul3A_17 = arith.mulf %get3A_16, %mul3A : vector<512x128xf32>
    %dot_general3A = arith.constant dense<0.000000e+00> : vector<128x512xf32>
    %dot_general3A_18 = tpu.matmul %convert_element_type3A_8, %mul3A_17, %dot_general3A {dimension_numbers = #tpu.dot_dimension_numbers<[0], [1], [1], [0], [0, 1, 1, 0], [], []>, transpose_lhs_hint = false} : vector<128x128xf32>, vector<512x128xf32>, vector<128x512xf32> -> vector<128x512xf32>
    %add3A = vector.broadcast %get3A_11 : vector<128x1xf32> to vector<128x512xf32>
    %add3A_19 = arith.addf %dot_general3A_18, %add3A : vector<128x512xf32>
    %max3A = arith.constant 0.000000e+00 : f32
    %max3A_20 = vector.broadcast %max3A : f32 to vector<128x512xf32>
    %max3A_21 = arith.maximumf %add3A_19, %max3A_20 : vector<128x512xf32>
    %swap3A = arith.constant 0 : index
    %swap3A_22 = arith.constant 0 : index
    %swap3A_23 = arith.constant 0 : index
    %swap3A_24 = arith.constant 0 : index
    %swap3A_25 = vector.load %arg4[%swap3A, %swap3A_22, %swap3A_23, %swap3A_24] : memref<1x128x4x512xf32, #tpu.memory_space<vmem>>, vector<1x128x1x512xf32>
    %swap3A_26 = vector.shape_cast %swap3A_25 : vector<1x128x1x512xf32> to vector<128x512xf32>
    %swap3A_27 = vector.shape_cast %max3A_21 : vector<128x512xf32> to vector<1x128x1x512xf32>
    tpu.vector_store %arg4[%swap3A, %swap3A_22, %swap3A_23, %swap3A_24], %swap3A_27 {strides = array<i32>} : memref<1x128x4x512xf32, #tpu.memory_space<vmem>>, vector<1x128x1x512xf32>,
    %get3A_28 = arith.constant 1 : index
    %get3A_29 = arith.constant 0 : index
    %get3A_30 = arith.constant 0 : index
    %get3A_31 = vector.load %arg2[%get3A_28, %get3A_29, %get3A_30] : memref<4x512x128xf32, #tpu.memory_space<vmem>>, vector<1x512x128xf32>
    %get3A_32 = vector.shape_cast %get3A_31 : vector<1x512x128xf32> to vector<512x128xf32>
    %mul3A_33 = vector.broadcast %transpose3A : vector<512x1xf32> to vector<512x128xf32>
    %mul3A_34 = arith.mulf %get3A_32, %mul3A_33 : vector<512x128xf32>
    %dot_general3A_35 = arith.constant dense<0.000000e+00> : vector<128x512xf32>
    %dot_general3A_36 = tpu.matmul %convert_element_type3A_8, %mul3A_34, %dot_general3A_35 {dimension_numbers = #tpu.dot_dimension_numbers<[0], [1], [1], [0], [0, 1, 1, 0], [], []>, transpose_lhs_hint = false} : vector<128x128xf32>, vector<512x128xf32>, vector<128x512xf32> -> vector<128x512xf32>
    %add3A_37 = vector.broadcast %get3A_11 : vector<128x1xf32> to vector<128x512xf32>
    %add3A_38 = arith.addf %dot_general3A_36, %add3A_37 : vector<128x512xf32>
    %max3A_39 = arith.constant 0.000000e+00 : f32
    %max3A_40 = vector.broadcast %max3A_39 : f32 to vector<128x512xf32>
    %max3A_41 = arith.maximumf %add3A_38, %max3A_40 : vector<128x512xf32>
    %swap3A_42 = arith.constant 0 : index
    %swap3A_43 = arith.constant 0 : index
    %swap3A_44 = arith.constant 1 : index
    %swap3A_45 = arith.constant 0 : index
    %swap3A_46 = vector.load %arg4[%swap3A_42, %swap3A_43, %swap3A_44, %swap3A_45] : memref<1x128x4x512xf32, #tpu.memory_space<vmem>>, vector<1x128x1x512xf32>
    %swap3A_47 = vector.shape_cast %swap3A_46 : vector<1x128x1x512xf32> to vector<128x512xf32>
    %swap3A_48 = vector.shape_cast %max3A_41 : vector<128x512xf32> to vector<1x128x1x512xf32>
    tpu.vector_store %arg4[%swap3A_42, %swap3A_43, %swap3A_44, %swap3A_45], %swap3A_48 {strides = array<i32>} : memref<1x128x4x512xf32, #tpu.memory_space<vmem>>, vector<1x128x1x512xf32>,
    %get3A_49 = arith.constant 2 : index
    %get3A_50 = arith.constant 0 : index
    %get3A_51 = arith.constant 0 : index
    %get3A_52 = vector.load %arg2[%get3A_49, %get3A_50, %get3A_51] : memref<4x512x128xf32, #tpu.memory_space<vmem>>, vector<1x512x128xf32>
    %get3A_53 = vector.shape_cast %get3A_52 : vector<1x512x128xf32> to vector<512x128xf32>
    %mul3A_54 = vector.broadcast %transpose3A : vector<512x1xf32> to vector<512x128xf32>
    %mul3A_55 = arith.mulf %get3A_53, %mul3A_54 : vector<512x128xf32>
    %dot_general3A_56 = arith.constant dense<0.000000e+00> : vector<128x512xf32>
    %dot_general3A_57 = tpu.matmul %convert_element_type3A_8, %mul3A_55, %dot_general3A_56 {dimension_numbers = #tpu.dot_dimension_numbers<[0], [1], [1], [0], [0, 1, 1, 0], [], []>, transpose_lhs_hint = false} : vector<128x128xf32>, vector<512x128xf32>, vector<128x512xf32> -> vector<128x512xf32>
    %add3A_58 = vector.broadcast %get3A_11 : vector<128x1xf32> to vector<128x512xf32>
    %add3A_59 = arith.addf %dot_general3A_57, %add3A_58 : vector<128x512xf32>
    %max3A_60 = arith.constant 0.000000e+00 : f32
    %max3A_61 = vector.broadcast %max3A_60 : f32 to vector<128x512xf32>
    %max3A_62 = arith.maximumf %add3A_59, %max3A_61 : vector<128x512xf32>
    %swap3A_63 = arith.constant 0 : index
    %swap3A_64 = arith.constant 0 : index
    %swap3A_65 = arith.constant 2 : index
    %swap3A_66 = arith.constant 0 : index
    %swap3A_67 = vector.load %arg4[%swap3A_63, %swap3A_64, %swap3A_65, %swap3A_66] : memref<1x128x4x512xf32, #tpu.memory_space<vmem>>, vector<1x128x1x512xf32>
    %swap3A_68 = vector.shape_cast %swap3A_67 : vector<1x128x1x512xf32> to vector<128x512xf32>
    %swap3A_69 = vector.shape_cast %max3A_62 : vector<128x512xf32> to vector<1x128x1x512xf32>
    tpu.vector_store %arg4[%swap3A_63, %swap3A_64, %swap3A_65, %swap3A_66], %swap3A_69 {strides = array<i32>} : memref<1x128x4x512xf32, #tpu.memory_space<vmem>>, vector<1x128x1x512xf32>,
    %get3A_70 = arith.constant 3 : index
    %get3A_71 = arith.constant 0 : index
    %get3A_72 = arith.constant 0 : index
    %get3A_73 = vector.load %arg2[%get3A_70, %get3A_71, %get3A_72] : memref<4x512x128xf32, #tpu.memory_space<vmem>>, vector<1x512x128xf32>
    %get3A_74 = vector.shape_cast %get3A_73 : vector<1x512x128xf32> to vector<512x128xf32>
    %mul3A_75 = vector.broadcast %transpose3A : vector<512x1xf32> to vector<512x128xf32>
    %mul3A_76 = arith.mulf %get3A_74, %mul3A_75 : vector<512x128xf32>
    %dot_general3A_77 = arith.constant dense<0.000000e+00> : vector<128x512xf32>
    %dot_general3A_78 = tpu.matmul %convert_element_type3A_8, %mul3A_76, %dot_general3A_77 {dimension_numbers = #tpu.dot_dimension_numbers<[0], [1], [1], [0], [0, 1, 1, 0], [], []>, transpose_lhs_hint = false} : vector<128x128xf32>, vector<512x128xf32>, vector<128x512xf32> -> vector<128x512xf32>
    %add3A_79 = vector.broadcast %get3A_11 : vector<128x1xf32> to vector<128x512xf32>
    %add3A_80 = arith.addf %dot_general3A_78, %add3A_79 : vector<128x512xf32>
    %max3A_81 = arith.constant 0.000000e+00 : f32
    %max3A_82 = vector.broadcast %max3A_81 : f32 to vector<128x512xf32>
    %max3A_83 = arith.maximumf %add3A_80, %max3A_82 : vector<128x512xf32>
    %swap3A_84 = arith.constant 0 : index
    %swap3A_85 = arith.constant 0 : index
    %swap3A_86 = arith.constant 3 : index
    %swap3A_87 = arith.constant 0 : index
    %swap3A_88 = vector.load %arg4[%swap3A_84, %swap3A_85, %swap3A_86, %swap3A_87] : memref<1x128x4x512xf32, #tpu.memory_space<vmem>>, vector<1x128x1x512xf32>
    %swap3A_89 = vector.shape_cast %swap3A_88 : vector<1x128x1x512xf32> to vector<128x512xf32>
    %swap3A_90 = vector.shape_cast %max3A_83 : vector<128x512xf32> to vector<1x128x1x512xf32>
    tpu.vector_store %arg4[%swap3A_84, %swap3A_85, %swap3A_86, %swap3A_87], %swap3A_90 {strides = array<i32>} : memref<1x128x4x512xf32, #tpu.memory_space<vmem>>, vector<1x128x1x512xf32>,
    return
  }
  func.func @transform_0(%arg0: i32) -> (i32, i32) {
    %c0_i32 = arith.constant 0 : i32
    %c0_i32_0 = arith.constant 0 : i32
    return %c0_i32, %arg0 : i32, i32
  }
  func.func @transform_1(%arg0: i32) -> (i32, i32, i32) {
    %c0_i32 = arith.constant 0 : i32
    %c0_i32_0 = arith.constant 0 : i32
    %c0_i32_1 = arith.constant 0 : i32
    return %c0_i32, %arg0, %c0_i32_0 : i32, i32, i32
  }
  func.func @transform_2(%arg0: i32) -> (i32, i32) {
    %c0_i32 = arith.constant 0 : i32
    %c0_i32_0 = arith.constant 0 : i32
    %c0_i32_1 = arith.constant 0 : i32
    return %c0_i32, %c0_i32_0 : i32, i32
  }
  func.func @transform_3(%arg0: i32) -> (i32, i32, i32, i32) {
    %c0_i32 = arith.constant 0 : i32
    %c0_i32_0 = arith.constant 0 : i32
    %c0_i32_1 = arith.constant 0 : i32
    %c0_i32_2 = arith.constant 0 : i32
    return %c0_i32, %c0_i32_0, %c0_i32_1, %arg0 : i32, i32, i32, i32
  }
}

</mosaic_0001>

<sc_bundles>
// kernel: kernel.6.cloned.1.call-start
scs
__scs_entry_jumppad:
0x0: {  	(pc) =	sbr.rel $0x88, $3  }
0x1: {  	(tag) =	ssettag $0x0;
	lr =	simm.s32 $0x1  }
0x2: {  	[smem:$0x3F9D] =	sst lr;
	_ =	strace $0xD0000000  }
0x3: {  	_ = 	snop  }
0x4: {  	_ = 	snop  }
0x5: {  	_ = 	snop  }
0x6: {  	_ = 	snop  }
0x7: {  	_ = 	snop  }
__scs_overlays_trampoline_lowered:
0x8: {  	[smem:$0x3FAC] =	sst s0  }
0x9: {  	[smem:$0x3FAD] =	sst s1  }
0xa: {  	[smem:$0x3FAE] =	sst s2  }
0xb: {  	[smem:$0x3FAF] =	sst s3  }
0xc: {  	[smem:$0x3FB0] =	sst s4  }
0xd: {  	[smem:$0x3FB1] =	sst s5  }
0xe: {  	[smem:$0x3FB2] =	sst s6  }
0xf: {  	[smem:$0x3FB3] =	sst s7  }
0x10: {  	[smem:$0x3FB4] =	sst s8  }
0x11: {  	[smem:$0x3FB5] =	sst s9;
	s0 =	simm.s32 @!p0 $0x0  }
0x12: {  	s1 =	sld [smem:$0x3F9B];
	s0 =	simm.s32 @p0 $0x1  }
0x13: {  	[smem:$0x3FB6] =	sst s0;
	s0 =	simm.s32 @!p1 $0x0  }
0x14: {  	s2 =	sld [smem:$0x3F9A];
	s0 =	simm.s32 @p1 $0x1  }
0x15: {  	[smem:$0x3FB7] =	sst s0;
	s0 =	simm.s32 @!p2 $0x0  }
0x16: {  	s3 =	sld [smem:$0x3FDB];
	s0 =	simm.s32 @p2 $0x1  }
0x17: {  	s4 =	simm.s32 $0x1BF5;
	[smem:$0x3FB9] =	sst s0  }
0x18: {  	s0 =	sld [smem:$0x3F9C];
	_ =	swait.ge [sflag:s4], $0x0  }
0x19: {  	s7 =	sld [smem:$0x3F9D]  }
0x1a: {  	s8 =	sadd.s32 $0xFFFFE003, lr  }
0x1b: {  	s9 =	sadd.s32 $0xFFFFFEF7, lr;
	s5 =	simm.s32 $0xFFFFFFFF;
	p2 =	slt.u32 s8, $0xFFFFF086  }
0x1c: {  	p1 =	slt.u32 s9, $0xF7A;
	s5 =	simm.s32 @!p2 $0x0  }
0x1d: {  	s5 =	simm.s32 @p1 $0x1;
	p0 =	seq.s32 s7, s2  }
0x1e: {  	s7 =	smul.u32 @!p0 $0xF7A, s2;
	p2 =	seq.s32 @!p0 s5, $0x0  }
0x1f: {  	s9 =	smul.u32 $0xF7A, s1;
	s8 =	simm.s32 @!p0 $0x1BF5;
	p2 =	por !p2, p0  }
0x20: {  	[sflag:s8] =	ssyncset.s32 @!p0 $0xFFFFF086;
	s6 =	sadd.s32 @!p0 s3, s7;
	s7 =	simm.s32 @!p0 $0x108  }
0x21: {  	s3 =	sadd.s32 s3, s9;
	s6 =	sadd.s32 @!p0 $0x88, s6;
	s7 =	simm.s32 @p2 $0x1082  }
0x22: {  	[simem:s7], [sflag:s8] =	dma.local @!p0 [hbm:s6], $0xF7A  }
0x23: {  	s9 =	sor.u32 $0xD0000000, s2;
	s6 =	simm.s32 $0x108;
	_ =	swait.ge @!p0 [sflag:s8], $0x0  }
0x24: {  	s3 =	sadd.s32 $0x88, s3;
	s6 =	simm.s32 @!p1 $0x1082;
	[sflag:s4] =	ssyncset.s32 $0xFFFFF086  }
0x25: {  	[simem:s6], [sflag:s4] =	dma.local [hbm:s3], $0xF7A  }
0x26: {  	[smem:$0x3F9D] =	sst s1;
	(tag) =	ssettag s2;
	_ =	strace s9  }
0x27: {  	s1 =	sld [smem:$0x3FAD]  }
0x28: {  	s2 =	sld [smem:$0x3FAE]  }
0x29: {  	s4 =	sld [smem:$0x3FB0]  }
0x2a: {  	p0 =	seq.s32 s5, $0x0;
	s5 =	sld [smem:$0x3FB1]  }
0x2b: {  	s6 =	sld [smem:$0x3FB2]  }
0x2c: {  	s7 =	sld [smem:$0x3FB3]  }
0x2d: {  	s3 =	simm.s32 $0x108;
	s8 =	sld [smem:$0x3FB4]  }
0x2e: {  	s3 =	simm.s32 @!p0 $0x1082;
	s9 =	sld [smem:$0x3FB5]  }
0x2f: {  	lr =	sadd.s32 s0, s3;
	s0 =	sld [smem:$0x3FAC]  }
0x30: {  	s3 =	sld [smem:$0x3FAF]  }
0x31: {  	[smem:$0x3FB8] =	sst s10  }
0x32: {  	s10 =	sld [smem:$0x3FB6];
	_ =	sdelay $0x3  }
0x33: {  	p0 =	seq.s32 s10, $0x1;
	s10 =	sld [smem:$0x3FB8];
	_ =	sdelay $0x3  }
0x34: {  	[smem:$0x3FB8] =	sst s10  }
0x35: {  	s10 =	sld [smem:$0x3FB7];
	_ =	sdelay $0x3  }
0x36: {  	p1 =	seq.s32 s10, $0x1;
	s10 =	sld [smem:$0x3FB8];
	_ =	sdelay $0x3  }
0x37: {  	[smem:$0x3FB8] =	sst s10  }
0x38: {  	s10 =	sld [smem:$0x3FB9]  }
0x39: {  	_ = 	snop;
	(pc) =	sbr.ind lr, $3  }
0x3a: {  	_ = 	snop  }
0x3b: {  	_ = 	snop  }
0x3c: {  	p2 =	seq.s32 s10, $0x1;
	s10 =	sld [smem:$0x3FB8]  }
0x3d: {  	_ =	shalt  }
0x3e: {  	_ =	shalt  }
0x3f: {  	_ =	shalt  }
0x40: {  	_ =	shalt  }
0x41: {  	_ =	shalt  }
0x42: {  	_ =	shalt  }
0x43: {  	_ =	shalt  }
0x44: {  	_ =	shalt  }
0x45: {  	_ =	shalt  }
0x46: {  	_ =	shalt  }
0x47: {  	_ =	shalt  }
0x48: {  	_ =	shalt  }
0x49: {  	_ =	shalt  }
0x4a: {  	_ =	shalt  }
0x4b: {  	_ =	shalt  }
0x4c: {  	_ =	shalt  }
0x4d: {  	_ =	shalt  }
0x4e: {  	_ =	shalt  }
0x4f: {  	_ =	shalt  }
0x50: {  	_ =	shalt  }
0x51: {  	_ =	shalt  }
0x52: {  	_ =	shalt  }
0x53: {  	_ =	shalt  }
0x54: {  	_ =	shalt  }
0x55: {  	_ =	shalt  }
0x56: {  	_ =	shalt  }
0x57: {  	_ =	shalt  }
0x58: {  	_ =	shalt  }
0x59: {  	_ =	shalt  }
0x5a: {  	_ =	shalt  }
0x5b: {  	_ =	shalt  }
0x5c: {  	_ =	shalt  }
0x5d: {  	_ =	shalt  }
0x5e: {  	_ =	shalt  }
0x5f: {  	_ =	shalt  }
0x60: {  	_ =	shalt  }
0x61: {  	_ =	shalt  }
0x62: {  	_ =	shalt  }
0x63: {  	_ =	shalt  }
0x64: {  	_ =	shalt  }
0x65: {  	_ =	shalt  }
0x66: {  	_ =	shalt  }
0x67: {  	_ =	shalt  }
0x68: {  	_ =	shalt  }
0x69: {  	_ =	shalt  }
0x6a: {  	_ =	shalt  }
0x6b: {  	_ =	shalt  }
0x6c: {  	_ =	shalt  }
0x6d: {  	_ =	shalt  }
0x6e: {  	_ =	shalt  }
0x6f: {  	_ =	shalt  }
0x70: {  	_ =	shalt  }
0x71: {  	_ =	shalt  }
0x72: {  	_ =	shalt  }
0x73: {  	_ =	shalt  }
0x74: {  	_ =	shalt  }
0x75: {  	_ =	shalt  }
0x76: {  	_ =	shalt  }
0x77: {  	_ =	shalt  }
0x78: {  	_ =	shalt  }
0x79: {  	_ =	shalt  }
0x7a: {  	_ =	shalt  }
0x7b: {  	_ =	shalt  }
0x7c: {  	_ =	shalt  }
0x7d: {  	_ =	shalt  }
0x7e: {  	_ =	shalt  }
0x7f: {  	_ =	shalt  }
0x80: {  	_ =	shalt  }
0x81: {  	_ =	shalt  }
0x82: {  	_ =	shalt  }
0x83: {  	_ =	shalt  }
0x84: {  	_ =	shalt  }
0x85: {  	_ =	shalt  }
0x86: {  	_ =	shalt  }
0x87: {  	_ =	shalt  }
.Lfunc_end0:
.L_simem_size_0:
called_computation_lowered:
.L_overlay_start_0:
0x88: {  	s2 =	sld [smem:$0x3FD9]  }
0x89: {  	s3 =	sld [smem:$0x3FFE];
	_ =	sdelay $0x1  }
0x8a: {  	s1 =	srdreg.scid  }
0x8b: {  	s0 =	sand.u32 $0x1, s1  }
0x8c: {  	s17 =	sshll.u32 s0, $0xA;
	s2 =	sadd.s32 s3, s2  }
0x8d: {  	s2 =	sadd.s32 s2, s17  }
0x8e: {  	[smem:$0x3FC4] =	sst s2  }
0x8f: {  	_ = 	snop  }
0x90: {  	s2 =	sld [smem:$0x3FD0];
	(tm) =	ssettm $0x1  }
0x91: {  	s18 =	sld [smem:$0x3FFB];
	_ =	sdelay $0x3  }
0x92: {  	_ =	strace s18  }
0x93: {  	s3 =	sld [smem:$0x3FFC];
	_ =	sdelay $0x3  }
0x94: {  	_ =	strace s3  }
0x95: {  	s3 =	sld [smem:$0x3FFD];
	_ =	sdelay $0x3  }
0x96: {  	_ =	strace s3  }
0x97: {  	_ =	strace $0x8FFFFFFF  }
0x98: {  	s19 =	sld [smem:$0x3FDB];
	_ =	sdelay $0x1  }
0x99: {  	s4 =	simm.s32 $_scs_section_size  }
0x9a: {  	s5 =	simm.s32 $_size__tile_overlayer_lowered;
	s6 =	simm.s32 $_tile_overlayer_lowered  }
0x9b: {  	s22 =	simm.s32 $0x1BFF;
	s21 =	sshll.u32 s6, $0x1;
	s3 =	sadd.s32 s4, s19  }
0x9c: {  	s7 =	simm.s32 $0x0;
	s20 =	sshll.u32 s5, $0x1;
	s5 =	sadd.s32 s21, s3  }
0x9d: {  	[timem:s7], [sflag:s22] =	dma.local [hbm:s5], s20  }
0x9e: {  	_ =	swait.ge [sflag:s22], s20  }
0x9f: {  	s4 =	ssub.s32 $0x0, s20;
	[sflag:s22] =	ssyncset.done $0x0  }
0xa0: {  	[sflag:s22] =	ssyncadd.s32 s4;
	_ =	sdelay $0x1  }
0xa1: {  	s23 =	simm.s32 $0x1B8B  }
0xa2: {  	_ =	swait.ge [sflag:s23], $0x1  }
0xa3: {  	[sflag:s23] =	ssyncset.done $0x0  }
0xa4: {  	s25 =	simm.s32 $0x1B8E;
	s24 =	sld [smem:$0x3FFE];
	[sflag:s23] =	ssyncadd.s32 $0xFFFFFFFF  }
0xa5: {  	s26 =	simm.s32 $execute0_lowered;
	[smem:$0x3FD2] =	sst s25  }
0xa6: {  	s5 =	sshll.u32 s26, $0x1;
	_ =	strace $0x80000046;
	[dreg:$0x1] =	wrdreg $0xFFFFFFFF  }
0xa7: {  	s28 =	simm.s32 $_size_execute0_lowered;
	s3 =	sadd.s32 s3, s5;
	[dreg:$0x0] =	wrdreg $0x0  }
0xa8: {  	s5 =	sshll.u32 s28, $0x1;
	[dreg:$0x2] =	wrdreg s3  }
0xa9: {  	[dreg:$0x3] =	wrdreg s5  }
0xaa: {  	[dreg:$0x4] =	wrdreg $0xC0  }
0xab: {  	_ =	task [dreg:s7], $0x5FFFF  }
0xac: {  	[dreg:$0x1] =	wrdreg $0xFFFFFFFF  }
0xad: {  	[dreg:$0x0] =	wrdreg $0x60  }
0xae: {  	[dreg:$0x2] =	wrdreg s24  }
0xaf: {  	[dreg:$0x3] =	wrdreg s2  }
0xb0: {  	[dreg:$0x4] =	wrdreg $0x9  }
0xb1: {  	_ =	task.clear_ibuf [dreg:s7], $0x5FFFF;
	_ =	strace $0x90000046  }
0xb2: {  	s29 =	simm.s32 $0x9;
	_ =	strace $0x80000048  }
0xb3: {  	_ =	swait.ge [sflag:s29], $0x1  }
0xb4: {  	[sflag:s29] =	ssyncadd.s32 $0xFFFFFFFF  }
0xb5: {  	_ =	strace $0x90000048  }
0xb6: {  	_ =	sfence  }
0xb7: {  	s30 =	sld [smem:$0x0];
	_ =	sdelay $0x2  }
0xb8: {  	s31 =	sshll.u32 s1, $0xD;
	s1 =	sshrl.u32 s1, $0x2  }
0xb9: {  	s3 =	sand.u32 $0x4000, s31;
	s1 =	sadd.s32 s1, s30  }
0xba: {  	s0 =	sor.u32 s3, s0;
	s1 =	sshll.u32 s1, $0x11  }
0xbb: {  	s0 =	sor.u32 s1, s0  }
0xbc: {  	s0 =	sadd.s32 $0x8F2B, s0  }
0xbd: {  	[sflag:s0] =	ssyncadd.remote.s32 $0x1  }
0xbe: {  	_ =	sfence.sel $0xFFFF  }
0xbf: {  	[dreg:$0x0] =	wrdreg $0xFFFFFFFF;
	(pc) =	sbr.abs _section_cstart, $3  }
0xc0: {  	[dreg:$0x1] =	wrdreg $0xFFFFFFFF  }
0xc1: {  	_ =	task.clear_ibuf [dreg:s7], $0x2FFFF;
	_ =	strace $0x9FFFFFFF  }
0xc2: {  	(tm) =	ssettm $0x7FFFFFFF  }
0xc3: {  	_ =	shalt  }
tec
execute0_lowered:
.L_overlay_start_1:
0x0: {  	(tag) =	ssettag $0x1  }
0x1: {  	s0 =	srdreg.scid;
	s4 =	rddreg [dreg:$0x0]  }
0x2: {  	s6 =	rddreg [dreg:$0x1];
	s3 =	sand.u32 $0x1, s0  }
0x3: {  	s2 =	simm.s32 $0x0;
	s0 =	stileid.u32;
	s1 =	sshll.u32 s3, $0x4  }
0x4: {  	s9 =	simm.s32 $0x1390;
	s10 =	simm.s32 $0x2720;
	s5 =	sor.u32 s0, s1  }
0x5: {  	s11 =	simm.s32 $0x4EA0;
	s12 =	simm.s32 $0x0;
	s7 =	smul.u32 $0x1388, s5  }
0x6: {  	[smem:$0x7FF] =	sst s2;
	s3 =	ssub.s32 $0x2, s3;
	s8 =	smul.u32 $0x2780, s5  }
0x7: {  	s1 =	rddreg [dreg:$0x2];
	_ =	strace $0x80000047;
	s5 =	smul.u32 $0x4F0, s5  }
0x8: {  	s31 =	sshrl.u32 s3, $0x1;
	s7 =	sshrl.u32 s7, $0x3;
	s8 =	sshrl.u32 s8, $0x3  }
0x9: {  	s5 =	sadd.s32 s6, s5;
	s4 =	sadd.s32 s7, s4;
	s7 =	ssub.s32 s3, s31  }
0xa: {  	s8 =	sadd.s32 s6, s8;
	s3 =	sadd.s32 $0xC00, s4;
	s4 =	sadd.s32 $0x5A20, s4  }
0xb: {  	vm0 =	vmmov $0xff;
	v0 =	vimm.s32 $0x0;
	s6 =	sadd.s32 $0x9E00, s8;
	s7 =	smax.u32 s7, $0x1;
	s8 =	simm.s32 $0x1  }
.LBB2_1:
0xc: {  	[tilespmem:s2], [sflag:$0x1] =	stream.linear.gather [hbm4b:s3+s2], $0x1388, $0x38;
	[tilespmem:$0x7620] =	vst v63  }
0xd: {  	_ =	swait.ge [sflag:s8], $0x1388  }
0xe: {  	[sflag:s8] =	ssyncset.done $0x0  }
0xf: {  	[sflag:s8] =	ssyncadd.s32 $0xFFFFEC78  }
0x10: {  	[tilespmem:s9], [sflag:$0x1] =	stream.linear.gather [hbm4b:s4+s2], $0x1388, $0x38;
	[tilespmem:$0x7620] =	vst v63  }
0x11: {  	_ =	swait.ge [sflag:s8], $0x1388  }
0x12: {  	[sflag:s8] =	ssyncset.done $0x0  }
0x13: {  	[sflag:s8] =	ssyncadd.s32 $0xFFFFEC78  }
0x14: {  	v1 =	vld [tilespmem:$0x1380]  }
0x15: {  	v2 =	vld [tilespmem:$0x2710];
	_ =	sdelay $0x3  }
0x16: {  	v1 =	vnsel vm0, $0x2710, v1  }
0x17: {  	[tilespmem:$0x1380] =	vst v1;
	v1 =	vnsel vm0, $0x2710, v2  }
0x18: {  	s13 =	simm.s32 $0x0;
	[tilespmem:$0x2710] =	vst v1  }
.LBB2_2:
0x19: {  	p0 =	sne.s32 s13, $0x9DC0  }
.Ltmp0:
0x1a: {  	_ = 	snop;
	(pc) =	sbr.rel @p0 .LBB2_2-.Ltmp0, $4  }
0x1b: {  	_ = 	snop  }
0x1c: {  	s14 =	sshra.s32 s13, $0x2  }
0x1d: {  	[tilespmem:s14+$0x2720] =	vst v0  }
0x1e: {  	s13 =	sadd.s32 $0x40, s13;
	[tilespmem:s14+$0x4EA0] =	vst v0  }
0x1f: {  	s13 =	simm.s32 $0x0  }
.LBB2_4:
0x20: {  	s14 =	sshra.s32 s13, $0x2  }
0x21: {  	v1 =	vld [tilespmem:s14+$0x0];
	_ =	sdelay $0x4  }
0x22: {  	(xrf1) =	vunique.msk.u32 $0xffff, v1;
	_ =	sdelay $0xd  }
0x23: {  	_, v2, vm1 =	vpop (xrf1);
	_ =	sdelay $0x5  }
0x24: {  	[tilespmem:v1+s10+$0x0] =	vst.idx.add.s32.msk vm1, v2  }
0x25: {  	v1 =	vld [tilespmem:s14+$0x1390];
	_ =	sdelay $0x4  }
0x26: {  	(xrf1) =	vunique.msk.u32 $0xffff, v1;
	_ =	sdelay $0xd  }
0x27: {  	_, v2, vm1 =	vpop (xrf1)  }
0x28: {  	p0 =	sne.s32 s13, $0x4E00  }
.Ltmp1:
0x29: {  	_ = 	snop;
	(pc) =	sbr.rel @p0 .LBB2_4-.Ltmp1, $2  }
0x2a: {  	_ =	sdelay $0x2  }
0x2b: {  	s13 =	sadd.s32 $0x40, s13;
	[tilespmem:v1+s11+$0x0] =	vst.idx.add.s32.msk vm1, v2  }
0x2c: {  	[hbm4b:s5+s2] =	stream.linear.scatter [tilespmem:s10], [sflag:$0x1], $0x2780, $0x38;
	[tilespmem:$0x7620] =	vst v63  }
0x2d: {  	s12 =	sadd.s32 $0x1, s12;
	_ =	swait.ge [sflag:s8], $0x2780  }
0x2e: {  	p0 =	sne.s32 s12, s7;
	[sflag:s8] =	ssyncset.done $0x0  }
.Ltmp2:
0x2f: {  	[sflag:s8] =	ssyncadd.s32 $0xFFFFD880;
	(pc) =	sbr.rel @p0 .LBB2_1-.Ltmp2, $4  }
0x30: {  	[hbm4b:s6+s2] =	stream.linear.scatter [tilespmem:s11], [sflag:$0x1], $0x2780, $0x38;
	[tilespmem:$0x7620] =	vst v63  }
0x31: {  	_ =	swait.ge [sflag:s8], $0x2780  }
0x32: {  	[sflag:s8] =	ssyncset.done $0x0  }
0x33: {  	[sflag:s8] =	ssyncadd.s32 $0xFFFFD880  }
0x34: {  	_ =	sfence.sel $0x180000  }
0x35: {  	[bflag:$0x0] =	sbarrier.arrive $0xFFFF  }
0x36: {  	p0 =	sne.s32 s0, $0x0;
	_ =	strace $0x90000047  }
0x37: {  	s0 =	sadd.s32 @!p0 $0x100000, s1;
	[bflag:$0x2] =	sbarrier.arrive $0xFFFF  }
0x38: {  	[sflag:s0] =	ssyncadd.tile.s32 @!p0 $0x1;
	_ =	shalt  }
.Lfunc_end2:
_tile_overlayer_lowered:
.L_overlay_start_2:
0x39: {  	(tag) =	ssettag $0x2  }
0x3a: {  	s0 =	rddreg [dreg:$0x0];
	s2 =	stileid.u32  }
0x3b: {  	s1 =	rddreg [dreg:$0x1];
	p0 =	sne.s32 s2, $0x0  }
0x3c: {  	s3 =	rddreg [dreg:$0x2];
	[bflag:$0x3] =	sbarrier.arrive $0xFFFF;
	s2 =	simm.s32 @!p0 $0x1C01  }
0x3d: {  	[timem:s3], [sflag:s2] =	dma.local @!p0 [hbm:s0], s1  }
0x3e: {  	s0 =	simm.s32 @!p0 $0x1  }
0x3f: {  	_ =	swait.ge @!p0 [sflag:s0], s1  }
0x40: {  	s1 =	ssub.s32 @!p0 $0x0, s1;
	[sflag:s0] =	ssyncset.done @!p0 $0x0  }
0x41: {  	[sflag:s0] =	ssyncadd.s32 @!p0 s1  }
0x42: {  	[bflag:$0x3] =	sbarrier.arrive $0xFFFF  }
0x43: {  	_ =	shalt  }

// kernel: kernel.9.cloned.1.call-start
scs
__scs_entry_jumppad:
0x0: {  	(pc) =	sbr.rel $0x88, $3  }
0x1: {  	(tag) =	ssettag $0x0;
	lr =	simm.s32 $0x1  }
0x2: {  	[smem:$0x3F9D] =	sst lr;
	_ =	strace $0xD0000000  }
0x3: {  	_ = 	snop  }
0x4: {  	_ = 	snop  }
0x5: {  	_ = 	snop  }
0x6: {  	_ = 	snop  }
0x7: {  	_ = 	snop  }
__scs_overlays_trampoline_lowered:
0x8: {  	[smem:$0x3FAC] =	sst s0  }
0x9: {  	[smem:$0x3FAD] =	sst s1  }
0xa: {  	[smem:$0x3FAE] =	sst s2  }
0xb: {  	[smem:$0x3FAF] =	sst s3  }
0xc: {  	[smem:$0x3FB0] =	sst s4  }
0xd: {  	[smem:$0x3FB1] =	sst s5  }
0xe: {  	[smem:$0x3FB2] =	sst s6  }
0xf: {  	[smem:$0x3FB3] =	sst s7  }
0x10: {  	[smem:$0x3FB4] =	sst s8  }
0x11: {  	[smem:$0x3FB5] =	sst s9;
	s0 =	simm.s32 @!p0 $0x0  }
0x12: {  	s1 =	sld [smem:$0x3F9B];
	s0 =	simm.s32 @p0 $0x1  }
0x13: {  	[smem:$0x3FB6] =	sst s0;
	s0 =	simm.s32 @!p1 $0x0  }
0x14: {  	s2 =	sld [smem:$0x3F9A];
	s0 =	simm.s32 @p1 $0x1  }
0x15: {  	[smem:$0x3FB7] =	sst s0;
	s0 =	simm.s32 @!p2 $0x0  }
0x16: {  	s3 =	sld [smem:$0x3FDB];
	s0 =	simm.s32 @p2 $0x1  }
0x17: {  	s4 =	simm.s32 $0x1BF5;
	[smem:$0x3FB9] =	sst s0  }
0x18: {  	s0 =	sld [smem:$0x3F9C];
	_ =	swait.ge [sflag:s4], $0x0  }
0x19: {  	s7 =	sld [smem:$0x3F9D]  }
0x1a: {  	s8 =	sadd.s32 $0xFFFFE003, lr  }
0x1b: {  	s9 =	sadd.s32 $0xFFFFFEF7, lr;
	s5 =	simm.s32 $0xFFFFFFFF;
	p2 =	slt.u32 s8, $0xFFFFF086  }
0x1c: {  	p1 =	slt.u32 s9, $0xF7A;
	s5 =	simm.s32 @!p2 $0x0  }
0x1d: {  	s5 =	simm.s32 @p1 $0x1;
	p0 =	seq.s32 s7, s2  }
0x1e: {  	s7 =	smul.u32 @!p0 $0xF7A, s2;
	p2 =	seq.s32 @!p0 s5, $0x0  }
0x1f: {  	s9 =	smul.u32 $0xF7A, s1;
	s8 =	simm.s32 @!p0 $0x1BF5;
	p2 =	por !p2, p0  }
0x20: {  	[sflag:s8] =	ssyncset.s32 @!p0 $0xFFFFF086;
	s6 =	sadd.s32 @!p0 s3, s7;
	s7 =	simm.s32 @!p0 $0x108  }
0x21: {  	s3 =	sadd.s32 s3, s9;
	s6 =	sadd.s32 @!p0 $0x88, s6;
	s7 =	simm.s32 @p2 $0x1082  }
0x22: {  	[simem:s7], [sflag:s8] =	dma.local @!p0 [hbm:s6], $0xF7A  }
0x23: {  	s9 =	sor.u32 $0xD0000000, s2;
	s6 =	simm.s32 $0x108;
	_ =	swait.ge @!p0 [sflag:s8], $0x0  }
0x24: {  	s3 =	sadd.s32 $0x88, s3;
	s6 =	simm.s32 @!p1 $0x1082;
	[sflag:s4] =	ssyncset.s32 $0xFFFFF086  }
0x25: {  	[simem:s6], [sflag:s4] =	dma.local [hbm:s3], $0xF7A  }
0x26: {  	[smem:$0x3F9D] =	sst s1;
	(tag) =	ssettag s2;
	_ =	strace s9  }
0x27: {  	s1 =	sld [smem:$0x3FAD]  }
0x28: {  	s2 =	sld [smem:$0x3FAE]  }
0x29: {  	s4 =	sld [smem:$0x3FB0]  }
0x2a: {  	p0 =	seq.s32 s5, $0x0;
	s5 =	sld [smem:$0x3FB1]  }
0x2b: {  	s6 =	sld [smem:$0x3FB2]  }
0x2c: {  	s7 =	sld [smem:$0x3FB3]  }
0x2d: {  	s3 =	simm.s32 $0x108;
	s8 =	sld [smem:$0x3FB4]  }
0x2e: {  	s3 =	simm.s32 @!p0 $0x1082;
	s9 =	sld [smem:$0x3FB5]  }
0x2f: {  	lr =	sadd.s32 s0, s3;
	s0 =	sld [smem:$0x3FAC]  }
0x30: {  	s3 =	sld [smem:$0x3FAF]  }
0x31: {  	[smem:$0x3FB8] =	sst s10  }
0x32: {  	s10 =	sld [smem:$0x3FB6];
	_ =	sdelay $0x3  }
0x33: {  	p0 =	seq.s32 s10, $0x1;
	s10 =	sld [smem:$0x3FB8];
	_ =	sdelay $0x3  }
0x34: {  	[smem:$0x3FB8] =	sst s10  }
0x35: {  	s10 =	sld [smem:$0x3FB7];
	_ =	sdelay $0x3  }
0x36: {  	p1 =	seq.s32 s10, $0x1;
	s10 =	sld [smem:$0x3FB8];
	_ =	sdelay $0x3  }
0x37: {  	[smem:$0x3FB8] =	sst s10  }
0x38: {  	s10 =	sld [smem:$0x3FB9]  }
0x39: {  	_ = 	snop;
	(pc) =	sbr.ind lr, $3  }
0x3a: {  	_ = 	snop  }
0x3b: {  	_ = 	snop  }
0x3c: {  	p2 =	seq.s32 s10, $0x1;
	s10 =	sld [smem:$0x3FB8]  }
0x3d: {  	_ =	shalt  }
0x3e: {  	_ =	shalt  }
0x3f: {  	_ =	shalt  }
0x40: {  	_ =	shalt  }
0x41: {  	_ =	shalt  }
0x42: {  	_ =	shalt  }
0x43: {  	_ =	shalt  }
0x44: {  	_ =	shalt  }
0x45: {  	_ =	shalt  }
0x46: {  	_ =	shalt  }
0x47: {  	_ =	shalt  }
0x48: {  	_ =	shalt  }
0x49: {  	_ =	shalt  }
0x4a: {  	_ =	shalt  }
0x4b: {  	_ =	shalt  }
0x4c: {  	_ =	shalt  }
0x4d: {  	_ =	shalt  }
0x4e: {  	_ =	shalt  }
0x4f: {  	_ =	shalt  }
0x50: {  	_ =	shalt  }
0x51: {  	_ =	shalt  }
0x52: {  	_ =	shalt  }
0x53: {  	_ =	shalt  }
0x54: {  	_ =	shalt  }
0x55: {  	_ =	shalt  }
0x56: {  	_ =	shalt  }
0x57: {  	_ =	shalt  }
0x58: {  	_ =	shalt  }
0x59: {  	_ =	shalt  }
0x5a: {  	_ =	shalt  }
0x5b: {  	_ =	shalt  }
0x5c: {  	_ =	shalt  }
0x5d: {  	_ =	shalt  }
0x5e: {  	_ =	shalt  }
0x5f: {  	_ =	shalt  }
0x60: {  	_ =	shalt  }
0x61: {  	_ =	shalt  }
0x62: {  	_ =	shalt  }
0x63: {  	_ =	shalt  }
0x64: {  	_ =	shalt  }
0x65: {  	_ =	shalt  }
0x66: {  	_ =	shalt  }
0x67: {  	_ =	shalt  }
0x68: {  	_ =	shalt  }
0x69: {  	_ =	shalt  }
0x6a: {  	_ =	shalt  }
0x6b: {  	_ =	shalt  }
0x6c: {  	_ =	shalt  }
0x6d: {  	_ =	shalt  }
0x6e: {  	_ =	shalt  }
0x6f: {  	_ =	shalt  }
0x70: {  	_ =	shalt  }
0x71: {  	_ =	shalt  }
0x72: {  	_ =	shalt  }
0x73: {  	_ =	shalt  }
0x74: {  	_ =	shalt  }
0x75: {  	_ =	shalt  }
0x76: {  	_ =	shalt  }
0x77: {  	_ =	shalt  }
0x78: {  	_ =	shalt  }
0x79: {  	_ =	shalt  }
0x7a: {  	_ =	shalt  }
0x7b: {  	_ =	shalt  }
0x7c: {  	_ =	shalt  }
0x7d: {  	_ =	shalt  }
0x7e: {  	_ =	shalt  }
0x7f: {  	_ =	shalt  }
0x80: {  	_ =	shalt  }
0x81: {  	_ =	shalt  }
0x82: {  	_ =	shalt  }
0x83: {  	_ =	shalt  }
0x84: {  	_ =	shalt  }
0x85: {  	_ =	shalt  }
0x86: {  	_ =	shalt  }
0x87: {  	_ =	shalt  }
.Lfunc_end0:
.L_simem_size_0:
called_computation.1_lowered:
.L_overlay_start_0:
0x88: {  	s2 =	sld [smem:$0x3FD9]  }
0x89: {  	s3 =	sld [smem:$0x3FFE];
	_ =	sdelay $0x1  }
0x8a: {  	s1 =	srdreg.scid  }
0x8b: {  	s0 =	sand.u32 $0x1, s1  }
0x8c: {  	s17 =	sshll.u32 s0, $0xA;
	s2 =	sadd.s32 s3, s2  }
0x8d: {  	s2 =	sadd.s32 s2, s17  }
0x8e: {  	[smem:$0x3FC4] =	sst s2  }
0x8f: {  	_ = 	snop  }
0x90: {  	s2 =	sld [smem:$0x3FD0];
	(tm) =	ssettm $0x1  }
0x91: {  	s18 =	sld [smem:$0x3FFB];
	_ =	sdelay $0x3  }
0x92: {  	_ =	strace s18  }
0x93: {  	s3 =	sld [smem:$0x3FFC];
	_ =	sdelay $0x3  }
0x94: {  	_ =	strace s3  }
0x95: {  	s3 =	sld [smem:$0x3FFD];
	_ =	sdelay $0x3  }
0x96: {  	_ =	strace s3  }
0x97: {  	_ =	strace $0x8FFFFFFF  }
0x98: {  	s19 =	sld [smem:$0x3FDB];
	_ =	sdelay $0x1  }
0x99: {  	s4 =	simm.s32 $_scs_section_size  }
0x9a: {  	s5 =	simm.s32 $_size__tile_overlayer_lowered;
	s6 =	simm.s32 $_tile_overlayer_lowered  }
0x9b: {  	s22 =	simm.s32 $0x1BFF;
	s21 =	sshll.u32 s6, $0x1;
	s3 =	sadd.s32 s4, s19  }
0x9c: {  	s7 =	simm.s32 $0x0;
	s20 =	sshll.u32 s5, $0x1;
	s5 =	sadd.s32 s21, s3  }
0x9d: {  	[timem:s7], [sflag:s22] =	dma.local [hbm:s5], s20  }
0x9e: {  	_ =	swait.ge [sflag:s22], s20  }
0x9f: {  	s4 =	ssub.s32 $0x0, s20;
	[sflag:s22] =	ssyncset.done $0x0  }
0xa0: {  	[sflag:s22] =	ssyncadd.s32 s4;
	_ =	sdelay $0x1  }
0xa1: {  	s23 =	simm.s32 $0x1B8B  }
0xa2: {  	_ =	swait.ge [sflag:s23], $0x1  }
0xa3: {  	[sflag:s23] =	ssyncset.done $0x0  }
0xa4: {  	s25 =	simm.s32 $0x1B8E;
	s24 =	sld [smem:$0x3FFE];
	[sflag:s23] =	ssyncadd.s32 $0xFFFFFFFF  }
0xa5: {  	s26 =	simm.s32 $execute0_lowered;
	[smem:$0x3FD2] =	sst s25  }
0xa6: {  	s5 =	sshll.u32 s26, $0x1;
	_ =	strace $0x80000049;
	[dreg:$0x1] =	wrdreg $0xFFFFFFFF  }
0xa7: {  	s28 =	simm.s32 $_size_execute0_lowered;
	s3 =	sadd.s32 s3, s5;
	[dreg:$0x0] =	wrdreg $0x0  }
0xa8: {  	s5 =	sshll.u32 s28, $0x1;
	[dreg:$0x2] =	wrdreg s3  }
0xa9: {  	[dreg:$0x3] =	wrdreg s5  }
0xaa: {  	[dreg:$0x4] =	wrdreg $0xC0  }
0xab: {  	_ =	task [dreg:s7], $0x5FFFF  }
0xac: {  	[dreg:$0x1] =	wrdreg $0xFFFFFFFF  }
0xad: {  	[dreg:$0x0] =	wrdreg $0x60  }
0xae: {  	[dreg:$0x2] =	wrdreg s24  }
0xaf: {  	[dreg:$0x3] =	wrdreg s2  }
0xb0: {  	[dreg:$0x4] =	wrdreg $0xAF800  }
0xb1: {  	[dreg:$0x5] =	wrdreg $0x9  }
0xb2: {  	_ =	task.clear_ibuf [dreg:s7], $0x6FFFF;
	_ =	strace $0x90000049  }
0xb3: {  	s29 =	simm.s32 $0x9;
	_ =	strace $0x8000004B  }
0xb4: {  	_ =	swait.ge [sflag:s29], $0x1  }
0xb5: {  	[sflag:s29] =	ssyncadd.s32 $0xFFFFFFFF  }
0xb6: {  	_ =	strace $0x9000004B  }
0xb7: {  	_ =	sfence  }
0xb8: {  	s30 =	sld [smem:$0x0];
	_ =	sdelay $0x2  }
0xb9: {  	s31 =	sshll.u32 s1, $0xD;
	s1 =	sshrl.u32 s1, $0x2  }
0xba: {  	s3 =	sand.u32 $0x4000, s31;
	s1 =	sadd.s32 s1, s30  }
0xbb: {  	s0 =	sor.u32 s3, s0;
	s1 =	sshll.u32 s1, $0x11  }
0xbc: {  	s0 =	sor.u32 s1, s0  }
0xbd: {  	s0 =	sadd.s32 $0x8F2B, s0  }
0xbe: {  	[sflag:s0] =	ssyncadd.remote.s32 $0x1  }
0xbf: {  	_ =	sfence.sel $0xFFFF  }
0xc0: {  	[dreg:$0x0] =	wrdreg $0xFFFFFFFF;
	(pc) =	sbr.abs _section_cstart, $3  }
0xc1: {  	[dreg:$0x1] =	wrdreg $0xFFFFFFFF  }
0xc2: {  	_ =	task.clear_ibuf [dreg:s7], $0x2FFFF;
	_ =	strace $0x9FFFFFFF  }
0xc3: {  	(tm) =	ssettm $0x7FFFFFFF  }
tec
execute0_lowered:
.L_overlay_start_1:
0x0: {  	(tag) =	ssettag $0x1  }
0x1: {  	s0 =	rddreg [dreg:$0x0]  }
0x2: {  	s1 =	rddreg [dreg:$0x1]  }
0x3: {  	s2 =	rddreg [dreg:$0x2];
	s3 =	simm.s32 $0x0  }
0x4: {  	s8 =	stileid.u32;
	s4 =	srdreg.scid;
	s20 =	simm.s32 $0x3  }
0x5: {  	s28 =	simm.s32 $0x8F80;
	s29 =	simm.s32 $0x1;
	s30 =	simm.s32 $0x4F00  }
0x6: {  	s31 =	simm.s32 $0x2;
	s21 =	simm.s32 $0x0;
	s22 =	smul.u32 $0x2710, s8  }
0x7: {  	[smem:$0x7FF] =	sst s3;
	s5 =	sand.u32 $0x1, s4;
	s7 =	smul.u32 $0x4E200, s8  }
0x8: {  	s4 =	sadd.s32 $0xA8A00, s0;
	_ =	strace $0x8000004A;
	s6 =	ssub.s32 $0x2, s5  }
0x9: {  	s17 =	smul.u32 $0x5000, s5;
	p0 =	seq.s32 s5, $0x0;
	s5 =	simm.s32 $0x138800  }
0xa: {  	s3 =	sshrl.u32 s22, $0x3;
	s23 =	sshrl.u32 s6, $0x1;
	s7 =	sshrl.u32 s7, $0x2  }
0xb: {  	s5 =	simm.s32 @!p0 $0x3A9800;
	s22 =	simm.s32 $0x4F80;
	s0 =	sadd.s32 s3, s0  }
0xc: {  	s3 =	ssub.s32 s6, s23;
	s6 =	smul.u32 $0x13880, s8;
	s25 =	sadd.s32 s7, s2  }
0xd: {  	s18 =	sadd.s32 $0x2800, s17;
	s23 =	simm.s32 $0x40;
	s24 =	sadd.s32 $0xC00, s0  }
0xe: {  	s0 =	sadd.s32 $0x5A20, s0;
	s8 =	sadd.s32 $0x2000, s25;
	s9 =	sadd.s32 $0x4000, s25  }
0xf: {  	s10 =	sadd.s32 $0x6000, s25;
	s11 =	sadd.s32 $0x8000, s25;
	s12 =	sadd.s32 $0xA000, s25  }
0x10: {  	s13 =	sadd.s32 $0xC000, s25;
	s14 =	sadd.s32 $0xE000, s25;
	s15 =	sadd.s32 $0x10000, s25  }
0x11: {  	s16 =	sadd.s32 $0x12000, s25;
	s3 =	smax.u32 s3, $0x1;
	[dreg:$0x4] =	wrdreg s24  }
0x12: {  	s25 =	simm.s32 $0x6F80;
	[dreg:$0x5] =	wrdreg s0;
	s0 =	sadd.s32 $0x271000, s6  }
0x13: {  	s7 =	sadd.s32 s6, s2;
	s5 =	sadd.s32 s5, s6;
	s0 =	smov.u32 @p0 s6  }
0x14: {  	[dreg:$0x6] =	wrdreg s3;
	s26 =	sshrl.u32 s5, $0x3;
	s0 =	sshrl.u32 s0, $0x3  }
0x15: {  	v2 =	vimm.s32 $0x2710;
	v3 =	vimm.s32 $0x0;
	s24 =	simm.s32 $0x4E80;
	s19 =	sadd.s32 s1, s26;
	s0 =	sadd.s32 s1, s0  }
0x16: {  	v4 =	vimm.f32 $0.0e+00;
	v0 =	vmov s17;
	v1 =	vmov s18;
	s26 =	simm.s32 $0x4EC0;
	[dreg:$0x7] =	wrdreg s0;
	s0 =	simm.s32 $0x4F40  }
.LBB2_1:
0x17: {  	s1 =	simm.s32 $0x0;
	s3 =	rddreg [dreg:$0x4]  }
0x18: {  	[tilespmem:s1], [sflag:$0x3] =	stream.linear.gather [hbm4b:s3+s1], $0x2710, $0x38;
	[tilespmem:$0x1E800] =	vst v63  }
0x19: {  	_ =	swait.ge [sflag:s20], $0x2710  }
0x1a: {  	[sflag:s20] =	ssyncset.done $0x0  }
0x1b: {  	s5 =	simm.s32 $0x2740;
	s18 =	rddreg [dreg:$0x5];
	[sflag:s20] =	ssyncadd.s32 $0xFFFFD8F0  }
0x1c: {  	[tilespmem:s5], [sflag:$0x3] =	stream.linear.gather [hbm4b:s18+s1], $0x2710, $0x38;
	[tilespmem:$0x1E800] =	vst v63  }
0x1d: {  	_ =	swait.ge [sflag:s20], $0x2710  }
0x1e: {  	[sflag:s20] =	ssyncset.done $0x0  }
0x1f: {  	[sflag:s20] =	ssyncadd.s32 $0xFFFFD8F0  }
0x20: {  	[tilespmem:$0x2710] =	vst v2  }
0x21: {  	[tilespmem:$0x4E50] =	vst v3  }
0x22: {  	[tilespmem:$0x2720] =	vst v2  }
0x23: {  	[tilespmem:$0x4E60] =	vst v3  }
0x24: {  	[tilespmem:$0x2730] =	vst v2  }
0x25: {  	s3 =	simm.s32 $0x200;
	s1 =	simm.s32 $0x0;
	[tilespmem:$0x4E70] =	vst v3  }
.LBB2_2:
0x26: {  	p0 =	sne.s32 s3, $0x7E00;
	[tilespmem:s1+$0x4FF0] =	vst v4  }
0x27: {  	[tilespmem:s1+$0x4F80] =	vst v4  }
0x28: {  	[tilespmem:s1+$0x4F90] =	vst v4  }
.Ltmp0:
0x29: {  	[tilespmem:s1+$0x4FA0] =	vst v4;
	(pc) =	sbr.rel @p0 .LBB2_2-.Ltmp0, $4  }
0x2a: {  	[tilespmem:s1+$0x4FB0] =	vst v4  }
0x2b: {  	[tilespmem:s1+$0x4FC0] =	vst v4  }
0x2c: {  	[tilespmem:s1+$0x4FD0] =	vst v4  }
0x2d: {  	[tilespmem:s1+$0x4FE0] =	vst v4;
	s1 =	sshra.s32 s3, $0x2;
	s3 =	sadd.s32 $0x200, s3  }
0x2e: {  	[tilespmem:s1+$0x4FF0] =	vst v4  }
0x2f: {  	[tilespmem:s1+$0x4F80] =	vst v4  }
0x30: {  	[tilespmem:s1+$0x4F90] =	vst v4  }
0x31: {  	[tilespmem:s1+$0x4FA0] =	vst v4  }
0x32: {  	[tilespmem:s1+$0x4FB0] =	vst v4  }
0x33: {  	[tilespmem:s1+$0x4FC0] =	vst v4  }
0x34: {  	[tilespmem:s1+$0x4FD0] =	vst v4  }
0x35: {  	[tilespmem:s1+$0x4FE0] =	vst v4  }
0x36: {  	[spmem:s7] =	stream.linear.scatter [tilespmem:s22], [sflag:$0x3], $0x2000, $0x38;
	[tilespmem:$0x1E800] =	vst v63  }
0x37: {  	_ =	swait.ge [sflag:s20], $0x2000  }
0x38: {  	[sflag:s20] =	ssyncset.done $0x0  }
0x39: {  	[sflag:s20] =	ssyncadd.s32 $0xFFFFE000  }
0x3a: {  	[spmem:s8] =	stream.linear.scatter [tilespmem:s22], [sflag:$0x3], $0x2000, $0x38;
	[tilespmem:$0x1E800] =	vst v63  }
0x3b: {  	_ =	swait.ge [sflag:s20], $0x2000  }
0x3c: {  	[sflag:s20] =	ssyncset.done $0x0  }
0x3d: {  	[sflag:s20] =	ssyncadd.s32 $0xFFFFE000  }
0x3e: {  	[spmem:s9] =	stream.linear.scatter [tilespmem:s22], [sflag:$0x3], $0x2000, $0x38;
	[tilespmem:$0x1E800] =	vst v63  }
0x3f: {  	_ =	swait.ge [sflag:s20], $0x2000  }
0x40: {  	[sflag:s20] =	ssyncset.done $0x0  }
0x41: {  	[sflag:s20] =	ssyncadd.s32 $0xFFFFE000  }
0x42: {  	[spmem:s10] =	stream.linear.scatter [tilespmem:s22], [sflag:$0x3], $0x2000, $0x38;
	[tilespmem:$0x1E800] =	vst v63  }
0x43: {  	_ =	swait.ge [sflag:s20], $0x2000  }
0x44: {  	[sflag:s20] =	ssyncset.done $0x0  }
0x45: {  	[sflag:s20] =	ssyncadd.s32 $0xFFFFE000  }
0x46: {  	[spmem:s11] =	stream.linear.scatter [tilespmem:s22], [sflag:$0x3], $0x2000, $0x38;
	[tilespmem:$0x1E800] =	vst v63  }
0x47: {  	_ =	swait.ge [sflag:s20], $0x2000  }
0x48: {  	[sflag:s20] =	ssyncset.done $0x0  }
0x49: {  	[sflag:s20] =	ssyncadd.s32 $0xFFFFE000  }
0x4a: {  	[spmem:s12] =	stream.linear.scatter [tilespmem:s22], [sflag:$0x3], $0x2000, $0x38;
	[tilespmem:$0x1E800] =	vst v63  }
0x4b: {  	_ =	swait.ge [sflag:s20], $0x2000  }
0x4c: {  	[sflag:s20] =	ssyncset.done $0x0  }
0x4d: {  	[sflag:s20] =	ssyncadd.s32 $0xFFFFE000  }
0x4e: {  	[spmem:s13] =	stream.linear.scatter [tilespmem:s22], [sflag:$0x3], $0x2000, $0x38;
	[tilespmem:$0x1E800] =	vst v63  }
0x4f: {  	_ =	swait.ge [sflag:s20], $0x2000  }
0x50: {  	[sflag:s20] =	ssyncset.done $0x0  }
0x51: {  	[sflag:s20] =	ssyncadd.s32 $0xFFFFE000  }
0x52: {  	[spmem:s14] =	stream.linear.scatter [tilespmem:s22], [sflag:$0x3], $0x2000, $0x38;
	[tilespmem:$0x1E800] =	vst v63  }
0x53: {  	_ =	swait.ge [sflag:s20], $0x2000  }
0x54: {  	[sflag:s20] =	ssyncset.done $0x0  }
0x55: {  	[sflag:s20] =	ssyncadd.s32 $0xFFFFE000  }
0x56: {  	[spmem:s15] =	stream.linear.scatter [tilespmem:s22], [sflag:$0x3], $0x2000, $0x38;
	[tilespmem:$0x1E800] =	vst v63  }
0x57: {  	_ =	swait.ge [sflag:s20], $0x2000  }
0x58: {  	[sflag:s20] =	ssyncset.done $0x0  }
0x59: {  	[sflag:s20] =	ssyncadd.s32 $0xFFFFE000  }
0x5a: {  	[spmem:s16] =	stream.linear.scatter [tilespmem:s22], [sflag:$0x3], $0x1880, $0x38;
	[tilespmem:$0x1E800] =	vst v63  }
0x5b: {  	_ =	swait.ge [sflag:s20], $0x1880  }
0x5c: {  	[sflag:s20] =	ssyncset.done $0x0  }
0x5d: {  	[sflag:s20] =	ssyncadd.s32 $0xFFFFE780  }
0x5e: {  	[bflag:$0x0] =	sbarrier.arrive $0xFFFF  }
0x5f: {  	v5 =	vld [tilespmem:$0x0]  }
0x60: {  	v6 =	vld [tilespmem:$0x10]  }
0x61: {  	v7 =	vld [tilespmem:$0x20]  }
0x62: {  	v8 =	vld [tilespmem:$0x30];
	_ =	sdelay $0x1  }
0x63: {  	v5 =	vadd.s32 v0, v5  }
0x64: {  	[tilespmem:$0x4E80] =	vst v5;
	v5 =	vadd.s32 v0, v6  }
0x65: {  	[tilespmem:$0x4E90] =	vst v5;
	v5 =	vadd.s32 v0, v7  }
0x66: {  	[tilespmem:$0x4EA0] =	vst v5;
	v5 =	vadd.s32 v0, v8  }
0x67: {  	s18 =	simm.s32 $0x0;
	[tilespmem:$0x4EB0] =	vst v5  }
0x68: {  	[tilespmem:s25], [sflag:$0x1] =	stream.indirect.gather [hbm4b:s4+s23], $0x80, s24, s23, $0xb8;
	[tilespmem:$0x1E800] =	vst v63  }
0x69: {  	v5 =	vld [tilespmem:s18+$0x40];
	_ =	sdelay $0x4  }
0x6a: {  	v5 =	vadd.s32 v0, v5  }
0x6b: {  	[tilespmem:$0x4EC0] =	vst v5  }
0x6c: {  	v5 =	vld [tilespmem:s18+$0x50];
	_ =	sdelay $0x4  }
0x6d: {  	v5 =	vadd.s32 v0, v5  }
0x6e: {  	[tilespmem:$0x4ED0] =	vst v5  }
0x6f: {  	v5 =	vld [tilespmem:s18+$0x60];
	_ =	sdelay $0x4  }
0x70: {  	v5 =	vadd.s32 v0, v5  }
0x71: {  	[tilespmem:$0x4EE0] =	vst v5  }
0x72: {  	v5 =	vld [tilespmem:s18+$0x70];
	_ =	sdelay $0x4  }
0x73: {  	v5 =	vadd.s32 v0, v5  }
0x74: {  	[tilespmem:$0x4EF0] =	vst v5  }
0x75: {  	[tilespmem:s28], [sflag:$0x2] =	stream.indirect.gather [hbm4b:s4+s23], $0x80, s26, s23, $0xb8;
	[tilespmem:$0x1E800] =	vst v63  }
0x76: {  	_ =	swait.ge [sflag:s29], $0x2000  }
0x77: {  	[sflag:s29] =	ssyncset.done $0x0  }
0x78: {  	[sflag:s29] =	ssyncadd.s32 $0xFFFFE000  }
0x79: {  	v5 =	vld [tilespmem:s18+$0x2740];
	_ =	sdelay $0x4  }
0x7a: {  	[tilespmem:$0x4F00] =	vst v5  }
0x7b: {  	v5 =	vld [tilespmem:s18+$0x2750];
	_ =	sdelay $0x4  }
0x7c: {  	[tilespmem:$0x4F10] =	vst v5  }
0x7d: {  	v5 =	vld [tilespmem:s18+$0x2760];
	_ =	sdelay $0x4  }
0x7e: {  	[tilespmem:$0x4F20] =	vst v5  }
0x7f: {  	v5 =	vld [tilespmem:s18+$0x2770];
	_ =	sdelay $0x4  }
0x80: {  	[tilespmem:$0x4F30] =	vst v5  }
0x81: {  	[spmem:s2] =	stream.indirect.scatter.add.f32 [tilespmem:s25], [sflag:$0x3], $0x80, s30, s23, $0xb8;
	[tilespmem:$0x1E800] =	vst v63  }
0x82: {  	_ =	swait.ge [sflag:s20], $0x2000  }
0x83: {  	[sflag:s20] =	ssyncset.done $0x0  }
0x84: {  	[sflag:s20] =	ssyncadd.s32 $0xFFFFE000  }
0x85: {  	v5 =	vld [tilespmem:s18+$0x80];
	_ =	sdelay $0x4  }
0x86: {  	v5 =	vadd.s32 v0, v5  }
0x87: {  	[tilespmem:$0x4E80] =	vst v5  }
0x88: {  	v5 =	vld [tilespmem:s18+$0x90];
	_ =	sdelay $0x4  }
0x89: {  	v5 =	vadd.s32 v0, v5  }
0x8a: {  	[tilespmem:$0x4E90] =	vst v5  }
0x8b: {  	v5 =	vld [tilespmem:s18+$0xA0];
	_ =	sdelay $0x4  }
0x8c: {  	v5 =	vadd.s32 v0, v5  }
0x8d: {  	[tilespmem:$0x4EA0] =	vst v5  }
0x8e: {  	v5 =	vld [tilespmem:s18+$0xB0];
	_ =	sdelay $0x4  }
0x8f: {  	v5 =	vadd.s32 v0, v5  }
0x90: {  	[tilespmem:$0x4EB0] =	vst v5  }
0x91: {  	[tilespmem:s25], [sflag:$0x1] =	stream.indirect.gather [hbm4b:s4+s23], $0x80, s24, s23, $0xb8;
	[tilespmem:$0x1E800] =	vst v63  }
0x92: {  	_ =	swait.ge [sflag:s31], $0x2000  }
0x93: {  	[sflag:s31] =	ssyncset.done $0x0  }
0x94: {  	[sflag:s31] =	ssyncadd.s32 $0xFFFFE000  }
0x95: {  	v5 =	vld [tilespmem:s18+$0x2780];
	_ =	sdelay $0x4  }
0x96: {  	[tilespmem:$0x4F40] =	vst v5  }
0x97: {  	v5 =	vld [tilespmem:s18+$0x2790];
	_ =	sdelay $0x4  }
0x98: {  	[tilespmem:$0x4F50] =	vst v5  }
0x99: {  	v5 =	vld [tilespmem:s18+$0x27A0];
	_ =	sdelay $0x4  }
0x9a: {  	[tilespmem:$0x4F60] =	vst v5  }
0x9b: {  	v5 =	vld [tilespmem:s18+$0x27B0];
	_ =	sdelay $0x4  }
0x9c: {  	[tilespmem:$0x4F70] =	vst v5  }
0x9d: {  	[spmem:s2] =	stream.indirect.scatter.add.f32 [tilespmem:s28], [sflag:$0x3], $0x80, s0, s23, $0xb8;
	[tilespmem:$0x1E800] =	vst v63  }
0x9e: {  	_ =	swait.ge [sflag:s20], $0x2000  }
0x9f: {  	s1 =	simm.s32 $0x200;
	s6 =	simm.s32 $0x400;
	[sflag:s20] =	ssyncset.done $0x0  }
.LBB2_4:
0xa0: {  	s5 =	sshra.s32 s1, $0x2  }
0xa1: {  	[sflag:s20] =	ssyncadd.s32 $0xFFFFE000;
	s1 =	smov.u32 s6;
	s3 =	sadd.s32 $0x200, s6  }
0xa2: {  	p0 =	sne.s32 s6, $0x9A00;
	v5 =	vld [tilespmem:s5+$0x40];
	_ =	sdelay $0x4  }
0xa3: {  	v5 =	vadd.s32 v0, v5  }
0xa4: {  	[tilespmem:$0x4EC0] =	vst v5  }
0xa5: {  	v5 =	vld [tilespmem:s5+$0x50];
	_ =	sdelay $0x4  }
0xa6: {  	v5 =	vadd.s32 v0, v5  }
0xa7: {  	[tilespmem:$0x4ED0] =	vst v5  }
0xa8: {  	v5 =	vld [tilespmem:s5+$0x60];
	_ =	sdelay $0x4  }
0xa9: {  	v5 =	vadd.s32 v0, v5  }
0xaa: {  	[tilespmem:$0x4EE0] =	vst v5  }
0xab: {  	v5 =	vld [tilespmem:s5+$0x70];
	_ =	sdelay $0x4  }
0xac: {  	v5 =	vadd.s32 v0, v5  }
0xad: {  	[tilespmem:$0x4EF0] =	vst v5  }
0xae: {  	[tilespmem:s28], [sflag:$0x2] =	stream.indirect.gather [hbm4b:s4+s23], $0x80, s26, s23, $0xb8;
	[tilespmem:$0x1E800] =	vst v63  }
0xaf: {  	_ =	swait.ge [sflag:s29], $0x2000  }
0xb0: {  	[sflag:s29] =	ssyncset.done $0x0  }
0xb1: {  	[sflag:s29] =	ssyncadd.s32 $0xFFFFE000  }
0xb2: {  	v5 =	vld [tilespmem:s5+$0x2740];
	_ =	sdelay $0x4  }
0xb3: {  	[tilespmem:$0x4F00] =	vst v5  }
0xb4: {  	v5 =	vld [tilespmem:s5+$0x2750];
	_ =	sdelay $0x4  }
0xb5: {  	[tilespmem:$0x4F10] =	vst v5  }
0xb6: {  	v5 =	vld [tilespmem:s5+$0x2760];
	_ =	sdelay $0x4  }
0xb7: {  	[tilespmem:$0x4F20] =	vst v5  }
0xb8: {  	v5 =	vld [tilespmem:s5+$0x2770];
	_ =	sdelay $0x4  }
0xb9: {  	[tilespmem:$0x4F30] =	vst v5  }
0xba: {  	[spmem:s2] =	stream.indirect.scatter.add.f32 [tilespmem:s25], [sflag:$0x3], $0x80, s30, s23, $0xb8;
	[tilespmem:$0x1E800] =	vst v63  }
0xbb: {  	_ =	swait.ge [sflag:s20], $0x2000  }
0xbc: {  	[sflag:s20] =	ssyncset.done $0x0  }
0xbd: {  	[sflag:s20] =	ssyncadd.s32 $0xFFFFE000  }
0xbe: {  	v5 =	vld [tilespmem:s5+$0x80];
	_ =	sdelay $0x4  }
0xbf: {  	v5 =	vadd.s32 v0, v5  }
0xc0: {  	[tilespmem:$0x4E80] =	vst v5  }
0xc1: {  	v5 =	vld [tilespmem:s5+$0x90];
	_ =	sdelay $0x4  }
0xc2: {  	v5 =	vadd.s32 v0, v5  }
0xc3: {  	[tilespmem:$0x4E90] =	vst v5  }
0xc4: {  	v5 =	vld [tilespmem:s5+$0xA0];
	_ =	sdelay $0x4  }
0xc5: {  	v5 =	vadd.s32 v0, v5  }
0xc6: {  	[tilespmem:$0x4EA0] =	vst v5  }
0xc7: {  	v5 =	vld [tilespmem:s5+$0xB0];
	_ =	sdelay $0x4  }
0xc8: {  	v5 =	vadd.s32 v0, v5  }
0xc9: {  	[tilespmem:$0x4EB0] =	vst v5  }
0xca: {  	[tilespmem:s25], [sflag:$0x1] =	stream.indirect.gather [hbm4b:s4+s23], $0x80, s24, s23, $0xb8;
	[tilespmem:$0x1E800] =	vst v63  }
0xcb: {  	_ =	swait.ge [sflag:s31], $0x2000  }
0xcc: {  	[sflag:s31] =	ssyncset.done $0x0  }
0xcd: {  	[sflag:s31] =	ssyncadd.s32 $0xFFFFE000  }
0xce: {  	v5 =	vld [tilespmem:s5+$0x2780];
	_ =	sdelay $0x4  }
0xcf: {  	[tilespmem:$0x4F40] =	vst v5  }
0xd0: {  	v5 =	vld [tilespmem:s5+$0x2790];
	_ =	sdelay $0x4  }
0xd1: {  	[tilespmem:$0x4F50] =	vst v5  }
0xd2: {  	v5 =	vld [tilespmem:s5+$0x27A0];
	_ =	sdelay $0x4  }
0xd3: {  	[tilespmem:$0x4F60] =	vst v5  }
0xd4: {  	v5 =	vld [tilespmem:s5+$0x27B0];
	_ =	sdelay $0x3  }
.Ltmp1:
0xd5: {  	(pc) =	sbr.rel @p0 .LBB2_4-.Ltmp1, $4  }
0xd6: {  	[tilespmem:$0x4F70] =	vst v5  }
0xd7: {  	[spmem:s2] =	stream.indirect.scatter.add.f32 [tilespmem:s28], [sflag:$0x3], $0x80, s0, s23, $0xb8;
	[tilespmem:$0x1E800] =	vst v63  }
0xd8: {  	_ =	swait.ge [sflag:s20], $0x2000  }
0xd9: {  	s6 =	smov.u32 s3;
	[sflag:s20] =	ssyncset.done $0x0  }
0xda: {  	s1 =	sshra.s32 s1, $0x2;
	[sflag:s20] =	ssyncadd.s32 $0xFFFFE000  }
0xdb: {  	v5 =	vld [tilespmem:s1+$0x40];
	_ =	sdelay $0x4  }
0xdc: {  	v5 =	vadd.s32 v0, v5  }
0xdd: {  	[tilespmem:$0x4EC0] =	vst v5  }
0xde: {  	v5 =	vld [tilespmem:s1+$0x50];
	_ =	sdelay $0x4  }
0xdf: {  	v5 =	vadd.s32 v0, v5  }
0xe0: {  	[tilespmem:$0x4ED0] =	vst v5  }
0xe1: {  	v5 =	vld [tilespmem:s1+$0x60];
	_ =	sdelay $0x4  }
0xe2: {  	v5 =	vadd.s32 v0, v5  }
0xe3: {  	[tilespmem:$0x4EE0] =	vst v5  }
0xe4: {  	v5 =	vld [tilespmem:s1+$0x70];
	_ =	sdelay $0x4  }
0xe5: {  	v5 =	vadd.s32 v0, v5  }
0xe6: {  	[tilespmem:$0x4EF0] =	vst v5  }
0xe7: {  	[tilespmem:s28], [sflag:$0x2] =	stream.indirect.gather [hbm4b:s4+s23], $0x80, s26, s23, $0xb8;
	[tilespmem:$0x1E800] =	vst v63  }
0xe8: {  	_ =	swait.ge [sflag:s29], $0x2000  }
0xe9: {  	[sflag:s29] =	ssyncset.done $0x0  }
0xea: {  	[sflag:s29] =	ssyncadd.s32 $0xFFFFE000  }
0xeb: {  	v5 =	vld [tilespmem:s1+$0x2740];
	_ =	sdelay $0x4  }
0xec: {  	[tilespmem:$0x4F00] =	vst v5  }
0xed: {  	v5 =	vld [tilespmem:s1+$0x2750];
	_ =	sdelay $0x4  }
0xee: {  	[tilespmem:$0x4F10] =	vst v5  }
0xef: {  	v5 =	vld [tilespmem:s1+$0x2760];
	_ =	sdelay $0x4  }
0xf0: {  	[tilespmem:$0x4F20] =	vst v5  }
0xf1: {  	v5 =	vld [tilespmem:s1+$0x2770];
	_ =	sdelay $0x4  }
0xf2: {  	[tilespmem:$0x4F30] =	vst v5  }
0xf3: {  	[spmem:s2] =	stream.indirect.scatter.add.f32 [tilespmem:s25], [sflag:$0x3], $0x80, s30, s23, $0xb8;
	[tilespmem:$0x1E800] =	vst v63  }
0xf4: {  	_ =	swait.ge [sflag:s20], $0x2000  }
0xf5: {  	[sflag:s20] =	ssyncset.done $0x0  }
0xf6: {  	[sflag:s20] =	ssyncadd.s32 $0xFFFFE000  }
0xf7: {  	v5 =	vld [tilespmem:s1+$0x80];
	_ =	sdelay $0x4  }
0xf8: {  	v5 =	vadd.s32 v0, v5  }
0xf9: {  	[tilespmem:$0x4E80] =	vst v5  }
0xfa: {  	v5 =	vld [tilespmem:s1+$0x90];
	_ =	sdelay $0x4  }
0xfb: {  	v5 =	vadd.s32 v0, v5  }
0xfc: {  	[tilespmem:$0x4E90] =	vst v5  }
0xfd: {  	v5 =	vld [tilespmem:s1+$0xA0];
	_ =	sdelay $0x4  }
0xfe: {  	v5 =	vadd.s32 v0, v5  }
0xff: {  	[tilespmem:$0x4EA0] =	vst v5  }
0x100: {  	v5 =	vld [tilespmem:s1+$0xB0];
	_ =	sdelay $0x4  }
0x101: {  	v5 =	vadd.s32 v0, v5  }
0x102: {  	[tilespmem:$0x4EB0] =	vst v5  }
0x103: {  	[tilespmem:s25], [sflag:$0x1] =	stream.indirect.gather [hbm4b:s4+s23], $0x80, s24, s23, $0xb8;
	[tilespmem:$0x1E800] =	vst v63  }
0x104: {  	_ =	swait.ge [sflag:s31], $0x2000  }
0x105: {  	[sflag:s31] =	ssyncset.done $0x0  }
0x106: {  	[sflag:s31] =	ssyncadd.s32 $0xFFFFE000  }
0x107: {  	v5 =	vld [tilespmem:s1+$0x2780];
	_ =	sdelay $0x4  }
0x108: {  	[tilespmem:$0x4F40] =	vst v5  }
0x109: {  	v5 =	vld [tilespmem:s1+$0x2790];
	_ =	sdelay $0x4  }
0x10a: {  	[tilespmem:$0x4F50] =	vst v5  }
0x10b: {  	v5 =	vld [tilespmem:s1+$0x27A0];
	_ =	sdelay $0x4  }
0x10c: {  	[tilespmem:$0x4F60] =	vst v5  }
0x10d: {  	v5 =	vld [tilespmem:s1+$0x27B0];
	_ =	sdelay $0x4  }
0x10e: {  	[tilespmem:$0x4F70] =	vst v5  }
0x10f: {  	[spmem:s2] =	stream.indirect.scatter.add.f32 [tilespmem:s28], [sflag:$0x3], $0x80, s0, s23, $0xb8;
	[tilespmem:$0x1E800] =	vst v63  }
0x110: {  	_ =	swait.ge [sflag:s20], $0x2000  }
0x111: {  	[sflag:s20] =	ssyncset.done $0x0  }
0x112: {  	[sflag:s20] =	ssyncadd.s32 $0xFFFFE000  }
0x113: {  	_ =	swait.ge [sflag:s29], $0x2000  }
0x114: {  	[sflag:s29] =	ssyncset.done $0x0  }
0x115: {  	[sflag:s29] =	ssyncadd.s32 $0xFFFFE000  }
0x116: {  	v5 =	vld [tilespmem:$0x4E40]  }
0x117: {  	v6 =	vld [tilespmem:$0x4E50]  }
0x118: {  	v7 =	vld [tilespmem:$0x4E60]  }
0x119: {  	v8 =	vld [tilespmem:$0x4E70];
	_ =	sdelay $0x1  }
0x11a: {  	[tilespmem:$0x4F00] =	vst v5  }
0x11b: {  	[tilespmem:$0x4F10] =	vst v6  }
0x11c: {  	[tilespmem:$0x4F20] =	vst v7  }
0x11d: {  	[tilespmem:$0x4F30] =	vst v8  }
0x11e: {  	[spmem:s2] =	stream.indirect.scatter.add.f32 [tilespmem:s25], [sflag:$0x3], $0x80, s30, s23, $0xb8;
	[tilespmem:$0x1E800] =	vst v63  }
0x11f: {  	_ =	swait.ge [sflag:s20], $0x2000  }
0x120: {  	[sflag:s20] =	ssyncset.done $0x0  }
0x121: {  	s17 =	stileid.u32;
	[sflag:s20] =	ssyncadd.s32 $0xFFFFE000  }
0x122: {  	s1 =	sshll.u32 s17, $0x6;
	[bflag:$0x0] =	sbarrier.arrive $0xFFFF  }
0x123: {  	s3 =	sshrl.u32 s7, $0x3;
	s1 =	sor.u32 $0x1C03, s1;
	s5 =	rddreg [dreg:$0x7]  }
0x124: {  	[hbm:s5], [sflag:s1] =	dma.local [spmem:s3], $0x2710  }
0x125: {  	_ =	swait.ge [sflag:s20], $0x2710  }
0x126: {  	[sflag:s20] =	ssyncset.done $0x0  }
0x127: {  	[sflag:s20] =	ssyncadd.s32 $0xFFFFD8F0  }
0x128: {  	[bflag:$0x0] =	sbarrier.arrive $0xFFFF  }
0x129: {  	[spmem:s7] =	stream.linear.scatter [tilespmem:s22], [sflag:$0x3], $0x2000, $0x38;
	[tilespmem:$0x1E800] =	vst v63  }
0x12a: {  	_ =	swait.ge [sflag:s20], $0x2000  }
0x12b: {  	[sflag:s20] =	ssyncset.done $0x0  }
0x12c: {  	[sflag:s20] =	ssyncadd.s32 $0xFFFFE000  }
0x12d: {  	[spmem:s8] =	stream.linear.scatter [tilespmem:s22], [sflag:$0x3], $0x2000, $0x38;
	[tilespmem:$0x1E800] =	vst v63  }
0x12e: {  	_ =	swait.ge [sflag:s20], $0x2000  }
0x12f: {  	[sflag:s20] =	ssyncset.done $0x0  }
0x130: {  	[sflag:s20] =	ssyncadd.s32 $0xFFFFE000  }
0x131: {  	[spmem:s9] =	stream.linear.scatter [tilespmem:s22], [sflag:$0x3], $0x2000, $0x38;
	[tilespmem:$0x1E800] =	vst v63  }
0x132: {  	_ =	swait.ge [sflag:s20], $0x2000  }
0x133: {  	[sflag:s20] =	ssyncset.done $0x0  }
0x134: {  	[sflag:s20] =	ssyncadd.s32 $0xFFFFE000  }
0x135: {  	[spmem:s10] =	stream.linear.scatter [tilespmem:s22], [sflag:$0x3], $0x2000, $0x38;
	[tilespmem:$0x1E800] =	vst v63  }
0x136: {  	_ =	swait.ge [sflag:s20], $0x2000  }
0x137: {  	[sflag:s20] =	ssyncset.done $0x0  }
0x138: {  	[sflag:s20] =	ssyncadd.s32 $0xFFFFE000  }
0x139: {  	[spmem:s11] =	stream.linear.scatter [tilespmem:s22], [sflag:$0x3], $0x2000, $0x38;
	[tilespmem:$0x1E800] =	vst v63  }
0x13a: {  	_ =	swait.ge [sflag:s20], $0x2000  }
0x13b: {  	[sflag:s20] =	ssyncset.done $0x0  }
0x13c: {  	[sflag:s20] =	ssyncadd.s32 $0xFFFFE000  }
0x13d: {  	[spmem:s12] =	stream.linear.scatter [tilespmem:s22], [sflag:$0x3], $0x2000, $0x38;
	[tilespmem:$0x1E800] =	vst v63  }
0x13e: {  	_ =	swait.ge [sflag:s20], $0x2000  }
0x13f: {  	[sflag:s20] =	ssyncset.done $0x0  }
0x140: {  	[sflag:s20] =	ssyncadd.s32 $0xFFFFE000  }
0x141: {  	[spmem:s13] =	stream.linear.scatter [tilespmem:s22], [sflag:$0x3], $0x2000, $0x38;
	[tilespmem:$0x1E800] =	vst v63  }
0x142: {  	_ =	swait.ge [sflag:s20], $0x2000  }
0x143: {  	[sflag:s20] =	ssyncset.done $0x0  }
0x144: {  	[sflag:s20] =	ssyncadd.s32 $0xFFFFE000  }
0x145: {  	[spmem:s14] =	stream.linear.scatter [tilespmem:s22], [sflag:$0x3], $0x2000, $0x38;
	[tilespmem:$0x1E800] =	vst v63  }
0x146: {  	_ =	swait.ge [sflag:s20], $0x2000  }
0x147: {  	[sflag:s20] =	ssyncset.done $0x0  }
0x148: {  	[sflag:s20] =	ssyncadd.s32 $0xFFFFE000  }
0x149: {  	[spmem:s15] =	stream.linear.scatter [tilespmem:s22], [sflag:$0x3], $0x2000, $0x38;
	[tilespmem:$0x1E800] =	vst v63  }
0x14a: {  	_ =	swait.ge [sflag:s20], $0x2000  }
0x14b: {  	[sflag:s20] =	ssyncset.done $0x0  }
0x14c: {  	[sflag:s20] =	ssyncadd.s32 $0xFFFFE000  }
0x14d: {  	[spmem:s16] =	stream.linear.scatter [tilespmem:s22], [sflag:$0x3], $0x1880, $0x38;
	[tilespmem:$0x1E800] =	vst v63  }
0x14e: {  	_ =	swait.ge [sflag:s20], $0x1880  }
0x14f: {  	[sflag:s20] =	ssyncset.done $0x0  }
0x150: {  	[sflag:s20] =	ssyncadd.s32 $0xFFFFE780  }
0x151: {  	[bflag:$0x0] =	sbarrier.arrive $0xFFFF  }
0x152: {  	v5 =	vld [tilespmem:$0x0]  }
0x153: {  	v6 =	vld [tilespmem:$0x10]  }
0x154: {  	v7 =	vld [tilespmem:$0x20]  }
0x155: {  	v63 =	vld [tilespmem:$0x30];
	_ =	sdelay $0x1  }
0x156: {  	v5 =	vadd.s32 v1, v5  }
0x157: {  	[tilespmem:$0x4E80] =	vst v5;
	v5 =	vadd.s32 v1, v6  }
0x158: {  	[tilespmem:$0x4E90] =	vst v5;
	v5 =	vadd.s32 v1, v7  }
0x159: {  	[tilespmem:$0x4EA0] =	vst v5;
	v5 =	vadd.s32 v1, v63  }
0x15a: {  	s18 =	simm.s32 $0x0;
	[tilespmem:$0x4EB0] =	vst v5  }
0x15b: {  	[tilespmem:s25], [sflag:$0x1] =	stream.indirect.gather [hbm4b:s4+s23], $0x80, s24, s23, $0xb8;
	[tilespmem:$0x1E800] =	vst v63  }
0x15c: {  	v5 =	vld [tilespmem:s18+$0x40];
	_ =	sdelay $0x4  }
0x15d: {  	v5 =	vadd.s32 v1, v5  }
0x15e: {  	[tilespmem:$0x4EC0] =	vst v5  }
0x15f: {  	v5 =	vld [tilespmem:s18+$0x50];
	_ =	sdelay $0x4  }
0x160: {  	v5 =	vadd.s32 v1, v5  }
0x161: {  	[tilespmem:$0x4ED0] =	vst v5  }
0x162: {  	v5 =	vld [tilespmem:s18+$0x60];
	_ =	sdelay $0x4  }
0x163: {  	v5 =	vadd.s32 v1, v5  }
0x164: {  	[tilespmem:$0x4EE0] =	vst v5  }
0x165: {  	v5 =	vld [tilespmem:s18+$0x70];
	_ =	sdelay $0x4  }
0x166: {  	v5 =	vadd.s32 v1, v5  }
0x167: {  	[tilespmem:$0x4EF0] =	vst v5  }
0x168: {  	[tilespmem:s28], [sflag:$0x2] =	stream.indirect.gather [hbm4b:s4+s23], $0x80, s26, s23, $0xb8;
	[tilespmem:$0x1E800] =	vst v63  }
0x169: {  	_ =	swait.ge [sflag:s29], $0x2000  }
0x16a: {  	[sflag:s29] =	ssyncset.done $0x0  }
0x16b: {  	[sflag:s29] =	ssyncadd.s32 $0xFFFFE000  }
0x16c: {  	v5 =	vld [tilespmem:s18+$0x2740];
	_ =	sdelay $0x4  }
0x16d: {  	[tilespmem:$0x4F00] =	vst v5  }
0x16e: {  	v5 =	vld [tilespmem:s18+$0x2750];
	_ =	sdelay $0x4  }
0x16f: {  	[tilespmem:$0x4F10] =	vst v5  }
0x170: {  	v5 =	vld [tilespmem:s18+$0x2760];
	_ =	sdelay $0x4  }
0x171: {  	[tilespmem:$0x4F20] =	vst v5  }
0x172: {  	v5 =	vld [tilespmem:s18+$0x2770];
	_ =	sdelay $0x4  }
0x173: {  	[tilespmem:$0x4F30] =	vst v5  }
0x174: {  	[spmem:s2] =	stream.indirect.scatter.add.f32 [tilespmem:s25], [sflag:$0x3], $0x80, s30, s23, $0xb8;
	[tilespmem:$0x1E800] =	vst v63  }
0x175: {  	_ =	swait.ge [sflag:s20], $0x2000  }
0x176: {  	[sflag:s20] =	ssyncset.done $0x0  }
0x177: {  	[sflag:s20] =	ssyncadd.s32 $0xFFFFE000  }
0x178: {  	v5 =	vld [tilespmem:s18+$0x80];
	_ =	sdelay $0x4  }
0x179: {  	v5 =	vadd.s32 v1, v5  }
0x17a: {  	[tilespmem:$0x4E80] =	vst v5  }
0x17b: {  	v5 =	vld [tilespmem:s18+$0x90];
	_ =	sdelay $0x4  }
0x17c: {  	v5 =	vadd.s32 v1, v5  }
0x17d: {  	[tilespmem:$0x4E90] =	vst v5  }
0x17e: {  	v5 =	vld [tilespmem:s18+$0xA0];
	_ =	sdelay $0x4  }
0x17f: {  	v5 =	vadd.s32 v1, v5  }
0x180: {  	[tilespmem:$0x4EA0] =	vst v5  }
0x181: {  	v5 =	vld [tilespmem:s18+$0xB0];
	_ =	sdelay $0x4  }
0x182: {  	v5 =	vadd.s32 v1, v5  }
0x183: {  	[tilespmem:$0x4EB0] =	vst v5  }
0x184: {  	[tilespmem:s25], [sflag:$0x1] =	stream.indirect.gather [hbm4b:s4+s23], $0x80, s24, s23, $0xb8;
	[tilespmem:$0x1E800] =	vst v63  }
0x185: {  	_ =	swait.ge [sflag:s31], $0x2000  }
0x186: {  	[sflag:s31] =	ssyncset.done $0x0  }
0x187: {  	[sflag:s31] =	ssyncadd.s32 $0xFFFFE000  }
0x188: {  	v5 =	vld [tilespmem:s18+$0x2780];
	_ =	sdelay $0x4  }
0x189: {  	[tilespmem:$0x4F40] =	vst v5  }
0x18a: {  	v5 =	vld [tilespmem:s18+$0x2790];
	_ =	sdelay $0x4  }
0x18b: {  	[tilespmem:$0x4F50] =	vst v5  }
0x18c: {  	v5 =	vld [tilespmem:s18+$0x27A0];
	_ =	sdelay $0x4  }
0x18d: {  	[tilespmem:$0x4F60] =	vst v5  }
0x18e: {  	v5 =	vld [tilespmem:s18+$0x27B0];
	_ =	sdelay $0x4  }
0x18f: {  	[tilespmem:$0x4F70] =	vst v5  }
0x190: {  	[spmem:s2] =	stream.indirect.scatter.add.f32 [tilespmem:s28], [sflag:$0x3], $0x80, s0, s23, $0xb8;
	[tilespmem:$0x1E800] =	vst v63  }
0x191: {  	_ =	swait.ge [sflag:s20], $0x2000  }
0x192: {  	s6 =	simm.s32 $0x400;
	s5 =	simm.s32 $0x200;
	[sflag:s20] =	ssyncset.done $0x0  }
.LBB2_6:
0x193: {  	s17 =	sshra.s32 s5, $0x2  }
0x194: {  	[sflag:s20] =	ssyncadd.s32 $0xFFFFE000;
	s5 =	smov.u32 s6;
	s18 =	sadd.s32 $0x200, s6  }
0x195: {  	p0 =	sne.s32 s6, $0x9A00;
	v5 =	vld [tilespmem:s17+$0x40];
	_ =	sdelay $0x4  }
0x196: {  	v5 =	vadd.s32 v1, v5  }
0x197: {  	[tilespmem:$0x4EC0] =	vst v5  }
0x198: {  	v5 =	vld [tilespmem:s17+$0x50];
	_ =	sdelay $0x4  }
0x199: {  	v5 =	vadd.s32 v1, v5  }
0x19a: {  	[tilespmem:$0x4ED0] =	vst v5  }
0x19b: {  	v5 =	vld [tilespmem:s17+$0x60];
	_ =	sdelay $0x4  }
0x19c: {  	v5 =	vadd.s32 v1, v5  }
0x19d: {  	[tilespmem:$0x4EE0] =	vst v5  }
0x19e: {  	v5 =	vld [tilespmem:s17+$0x70];
	_ =	sdelay $0x4  }
0x19f: {  	v5 =	vadd.s32 v1, v5  }
0x1a0: {  	[tilespmem:$0x4EF0] =	vst v5  }
0x1a1: {  	[tilespmem:s28], [sflag:$0x2] =	stream.indirect.gather [hbm4b:s4+s23], $0x80, s26, s23, $0xb8;
	[tilespmem:$0x1E800] =	vst v63  }
0x1a2: {  	_ =	swait.ge [sflag:s29], $0x2000  }
0x1a3: {  	[sflag:s29] =	ssyncset.done $0x0  }
0x1a4: {  	[sflag:s29] =	ssyncadd.s32 $0xFFFFE000  }
0x1a5: {  	v5 =	vld [tilespmem:s17+$0x2740];
	_ =	sdelay $0x4  }
0x1a6: {  	[tilespmem:$0x4F00] =	vst v5  }
0x1a7: {  	v5 =	vld [tilespmem:s17+$0x2750];
	_ =	sdelay $0x4  }
0x1a8: {  	[tilespmem:$0x4F10] =	vst v5  }
0x1a9: {  	v5 =	vld [tilespmem:s17+$0x2760];
	_ =	sdelay $0x4  }
0x1aa: {  	[tilespmem:$0x4F20] =	vst v5  }
0x1ab: {  	v5 =	vld [tilespmem:s17+$0x2770];
	_ =	sdelay $0x4  }
0x1ac: {  	[tilespmem:$0x4F30] =	vst v5  }
0x1ad: {  	[spmem:s2] =	stream.indirect.scatter.add.f32 [tilespmem:s25], [sflag:$0x3], $0x80, s30, s23, $0xb8;
	[tilespmem:$0x1E800] =	vst v63  }
0x1ae: {  	_ =	swait.ge [sflag:s20], $0x2000  }
0x1af: {  	[sflag:s20] =	ssyncset.done $0x0  }
0x1b0: {  	[sflag:s20] =	ssyncadd.s32 $0xFFFFE000  }
0x1b1: {  	v5 =	vld [tilespmem:s17+$0x80];
	_ =	sdelay $0x4  }
0x1b2: {  	v5 =	vadd.s32 v1, v5  }
0x1b3: {  	[tilespmem:$0x4E80] =	vst v5  }
0x1b4: {  	v5 =	vld [tilespmem:s17+$0x90];
	_ =	sdelay $0x4  }
0x1b5: {  	v5 =	vadd.s32 v1, v5  }
0x1b6: {  	[tilespmem:$0x4E90] =	vst v5  }
0x1b7: {  	v5 =	vld [tilespmem:s17+$0xA0];
	_ =	sdelay $0x4  }
0x1b8: {  	v5 =	vadd.s32 v1, v5  }
0x1b9: {  	[tilespmem:$0x4EA0] =	vst v5  }
0x1ba: {  	v5 =	vld [tilespmem:s17+$0xB0];
	_ =	sdelay $0x4  }
0x1bb: {  	v5 =	vadd.s32 v1, v5  }
0x1bc: {  	[tilespmem:$0x4EB0] =	vst v5  }
0x1bd: {  	[tilespmem:s25], [sflag:$0x1] =	stream.indirect.gather [hbm4b:s4+s23], $0x80, s24, s23, $0xb8;
	[tilespmem:$0x1E800] =	vst v63  }
0x1be: {  	_ =	swait.ge [sflag:s31], $0x2000  }
0x1bf: {  	[sflag:s31] =	ssyncset.done $0x0  }
0x1c0: {  	[sflag:s31] =	ssyncadd.s32 $0xFFFFE000  }
0x1c1: {  	v5 =	vld [tilespmem:s17+$0x2780];
	_ =	sdelay $0x4  }
0x1c2: {  	[tilespmem:$0x4F40] =	vst v5  }
0x1c3: {  	v5 =	vld [tilespmem:s17+$0x2790];
	_ =	sdelay $0x4  }
0x1c4: {  	[tilespmem:$0x4F50] =	vst v5  }
0x1c5: {  	v5 =	vld [tilespmem:s17+$0x27A0];
	_ =	sdelay $0x4  }
0x1c6: {  	[tilespmem:$0x4F60] =	vst v5  }
0x1c7: {  	v5 =	vld [tilespmem:s17+$0x27B0];
	_ =	sdelay $0x3  }
.Ltmp2:
0x1c8: {  	(pc) =	sbr.rel @p0 .LBB2_6-.Ltmp2, $4  }
0x1c9: {  	[tilespmem:$0x4F70] =	vst v5  }
0x1ca: {  	[spmem:s2] =	stream.indirect.scatter.add.f32 [tilespmem:s28], [sflag:$0x3], $0x80, s0, s23, $0xb8;
	[tilespmem:$0x1E800] =	vst v63  }
0x1cb: {  	_ =	swait.ge [sflag:s20], $0x2000  }
0x1cc: {  	s6 =	smov.u32 s18;
	[sflag:s20] =	ssyncset.done $0x0  }
0x1cd: {  	s5 =	sshra.s32 s5, $0x2;
	[sflag:s20] =	ssyncadd.s32 $0xFFFFE000  }
0x1ce: {  	v5 =	vld [tilespmem:s5+$0x40];
	_ =	sdelay $0x4  }
0x1cf: {  	v5 =	vadd.s32 v1, v5  }
0x1d0: {  	[tilespmem:$0x4EC0] =	vst v5  }
0x1d1: {  	v5 =	vld [tilespmem:s5+$0x50];
	_ =	sdelay $0x4  }
0x1d2: {  	v5 =	vadd.s32 v1, v5  }
0x1d3: {  	[tilespmem:$0x4ED0] =	vst v5  }
0x1d4: {  	v5 =	vld [tilespmem:s5+$0x60];
	_ =	sdelay $0x4  }
0x1d5: {  	v5 =	vadd.s32 v1, v5  }
0x1d6: {  	[tilespmem:$0x4EE0] =	vst v5  }
0x1d7: {  	v5 =	vld [tilespmem:s5+$0x70];
	_ =	sdelay $0x4  }
0x1d8: {  	v5 =	vadd.s32 v1, v5  }
0x1d9: {  	[tilespmem:$0x4EF0] =	vst v5  }
0x1da: {  	[tilespmem:s28], [sflag:$0x2] =	stream.indirect.gather [hbm4b:s4+s23], $0x80, s26, s23, $0xb8;
	[tilespmem:$0x1E800] =	vst v63  }
0x1db: {  	_ =	swait.ge [sflag:s29], $0x2000  }
0x1dc: {  	[sflag:s29] =	ssyncset.done $0x0  }
0x1dd: {  	[sflag:s29] =	ssyncadd.s32 $0xFFFFE000  }
0x1de: {  	v5 =	vld [tilespmem:s5+$0x2740];
	_ =	sdelay $0x4  }
0x1df: {  	[tilespmem:$0x4F00] =	vst v5  }
0x1e0: {  	v5 =	vld [tilespmem:s5+$0x2750];
	_ =	sdelay $0x4  }
0x1e1: {  	[tilespmem:$0x4F10] =	vst v5  }
0x1e2: {  	v5 =	vld [tilespmem:s5+$0x2760];
	_ =	sdelay $0x4  }
0x1e3: {  	[tilespmem:$0x4F20] =	vst v5  }
0x1e4: {  	v5 =	vld [tilespmem:s5+$0x2770];
	_ =	sdelay $0x4  }
0x1e5: {  	[tilespmem:$0x4F30] =	vst v5  }
0x1e6: {  	[spmem:s2] =	stream.indirect.scatter.add.f32 [tilespmem:s25], [sflag:$0x3], $0x80, s30, s23, $0xb8;
	[tilespmem:$0x1E800] =	vst v63  }
0x1e7: {  	_ =	swait.ge [sflag:s20], $0x2000  }
0x1e8: {  	[sflag:s20] =	ssyncset.done $0x0  }
0x1e9: {  	[sflag:s20] =	ssyncadd.s32 $0xFFFFE000  }
0x1ea: {  	v5 =	vld [tilespmem:s5+$0x80];
	_ =	sdelay $0x4  }
0x1eb: {  	v5 =	vadd.s32 v1, v5  }
0x1ec: {  	[tilespmem:$0x4E80] =	vst v5  }
0x1ed: {  	v5 =	vld [tilespmem:s5+$0x90];
	_ =	sdelay $0x4  }
0x1ee: {  	v5 =	vadd.s32 v1, v5  }
0x1ef: {  	[tilespmem:$0x4E90] =	vst v5  }
0x1f0: {  	v5 =	vld [tilespmem:s5+$0xA0];
	_ =	sdelay $0x4  }
0x1f1: {  	v5 =	vadd.s32 v1, v5  }
0x1f2: {  	[tilespmem:$0x4EA0] =	vst v5  }
0x1f3: {  	v5 =	vld [tilespmem:s5+$0xB0];
	_ =	sdelay $0x4  }
0x1f4: {  	v5 =	vadd.s32 v1, v5  }
0x1f5: {  	[tilespmem:$0x4EB0] =	vst v5  }
0x1f6: {  	[tilespmem:s25], [sflag:$0x1] =	stream.indirect.gather [hbm4b:s4+s23], $0x80, s24, s23, $0xb8;
	[tilespmem:$0x1E800] =	vst v63  }
0x1f7: {  	_ =	swait.ge [sflag:s31], $0x2000  }
0x1f8: {  	[sflag:s31] =	ssyncset.done $0x0  }
0x1f9: {  	[sflag:s31] =	ssyncadd.s32 $0xFFFFE000  }
0x1fa: {  	v5 =	vld [tilespmem:s5+$0x2780];
	_ =	sdelay $0x4  }
0x1fb: {  	[tilespmem:$0x4F40] =	vst v5  }
0x1fc: {  	v5 =	vld [tilespmem:s5+$0x2790];
	_ =	sdelay $0x4  }
0x1fd: {  	[tilespmem:$0x4F50] =	vst v5  }
0x1fe: {  	v5 =	vld [tilespmem:s5+$0x27A0];
	_ =	sdelay $0x4  }
0x1ff: {  	[tilespmem:$0x4F60] =	vst v5  }
0x200: {  	v5 =	vld [tilespmem:s5+$0x27B0];
	_ =	sdelay $0x4  }
0x201: {  	[tilespmem:$0x4F70] =	vst v5  }
0x202: {  	[spmem:s2] =	stream.indirect.scatter.add.f32 [tilespmem:s28], [sflag:$0x3], $0x80, s0, s23, $0xb8;
	[tilespmem:$0x1E800] =	vst v63  }
0x203: {  	_ =	swait.ge [sflag:s20], $0x2000  }
0x204: {  	[sflag:s20] =	ssyncset.done $0x0  }
0x205: {  	[sflag:s20] =	ssyncadd.s32 $0xFFFFE000  }
0x206: {  	_ =	swait.ge [sflag:s29], $0x2000  }
0x207: {  	[sflag:s29] =	ssyncset.done $0x0  }
0x208: {  	[sflag:s29] =	ssyncadd.s32 $0xFFFFE000  }
0x209: {  	v5 =	vld [tilespmem:$0x4E40]  }
0x20a: {  	v6 =	vld [tilespmem:$0x4E50]  }
0x20b: {  	v7 =	vld [tilespmem:$0x4E60]  }
0x20c: {  	v8 =	vld [tilespmem:$0x4E70];
	_ =	sdelay $0x1  }
0x20d: {  	[tilespmem:$0x4F00] =	vst v5  }
0x20e: {  	[tilespmem:$0x4F10] =	vst v6  }
0x20f: {  	[tilespmem:$0x4F20] =	vst v7  }
0x210: {  	[tilespmem:$0x4F30] =	vst v8  }
0x211: {  	[spmem:s2] =	stream.indirect.scatter.add.f32 [tilespmem:s25], [sflag:$0x3], $0x80, s30, s23, $0xb8;
	[tilespmem:$0x1E800] =	vst v63  }
0x212: {  	_ =	swait.ge [sflag:s20], $0x2000  }
0x213: {  	[sflag:s20] =	ssyncset.done $0x0  }
0x214: {  	[sflag:s20] =	ssyncadd.s32 $0xFFFFE000  }
0x215: {  	[bflag:$0x0] =	sbarrier.arrive $0xFFFF  }
0x216: {  	[hbm:s19], [sflag:s1] =	dma.local [spmem:s3], $0x2710  }
0x217: {  	_ =	swait.ge [sflag:s20], $0x2710  }
0x218: {  	s21 =	sadd.s32 $0x1, s21;
	s18 =	rddreg [dreg:$0x6]  }
0x219: {  	p0 =	sne.s32 s21, s18  }
.Ltmp3:
0x21a: {  	_ = 	snop;
	(pc) =	sbr.rel @p0 .LBB2_1-.Ltmp3, $3  }
0x21b: {  	[sflag:s20] =	ssyncset.done $0x0  }
0x21c: {  	[sflag:s20] =	ssyncadd.s32 $0xFFFFD8F0  }
0x21d: {  	[bflag:$0x0] =	sbarrier.arrive $0xFFFF;
	_ =	sdelay $0x1  }
0x21e: {  	_ =	sfence.sel $0x180000  }
0x21f: {  	[bflag:$0x0] =	sbarrier.arrive $0xFFFF  }
0x220: {  	_ =	strace $0x9000004A  }
0x221: {  	s0 =	stileid.u32;
	[bflag:$0x2] =	sbarrier.arrive $0xFFFF  }
0x222: {  	p0 =	sne.s32 s0, $0x0;
	s0 =	rddreg [dreg:$0x3]  }
0x223: {  	s0 =	sadd.s32 @!p0 $0x100000, s0  }
0x224: {  	[sflag:s0] =	ssyncadd.tile.s32 @!p0 $0x1;
	_ =	shalt  }
.Lfunc_end2:
_tile_overlayer_lowered:
.L_overlay_start_2:
0x225: {  	(tag) =	ssettag $0x2  }
0x226: {  	s0 =	rddreg [dreg:$0x0];
	s2 =	stileid.u32  }
0x227: {  	s1 =	rddreg [dreg:$0x1];
	p0 =	sne.s32 s2, $0x0  }
0x228: {  	s3 =	rddreg [dreg:$0x2];
	[bflag:$0x3] =	sbarrier.arrive $0xFFFF;
	s2 =	simm.s32 @!p0 $0x1C03  }
0x229: {  	[timem:s3], [sflag:s2] =	dma.local @!p0 [hbm:s0], s1  }
0x22a: {  	s0 =	simm.s32 @!p0 $0x3  }
0x22b: {  	_ =	swait.ge @!p0 [sflag:s0], s1  }
0x22c: {  	s1 =	ssub.s32 @!p0 $0x0, s1;
	[sflag:s0] =	ssyncset.done @!p0 $0x0  }
0x22d: {  	[sflag:s0] =	ssyncadd.s32 @!p0 s1  }
0x22e: {  	[bflag:$0x3] =	sbarrier.arrive $0xFFFF  }
0x22f: {  	_ =	shalt  }

</sc_bundles>
